<compile_context>
chip_gen: v7x
topology: tpu7x:2x2x1
jax: 0.10.2.dev20260603
libtpu: 0.0.44.dev20260713+nightly
codegen_flags: <defaults>
</compile_context>

<pallas_src>
import functools

import jax
import jax.numpy as jnp
from jax import lax
from jax.experimental import pallas as pl
from jax.experimental.pallas import tpu as pltpu
from jax.experimental.pallas import tpu_sc as plsc

N_NODES = 10000
N_EDGES = 320000
D_FEAT = 128
HIDDEN = 16

NC = 2
NS = 16
LANES = 16

CHUNK = 128
N_CHUNKS = N_EDGES // CHUNK
NB = N_CHUNKS // (NC * NS)
NBUF = 26
NGRP = NB // NBUF
EXTRA_CHUNKS = N_CHUNKS - NB * NC * NS
ROWS_PER_SUB = 624
ROWS_TAIL = N_NODES - NS * ROWS_PER_SUB

N_WIDE = N_NODES * HIDDEN // 128
N_WIDE_PAD = 1256
N_NODES_PAD = N_WIDE_PAD * 128 // HIDDEN

_sc_mesh = plsc.VectorSubcoreMesh(
    core_axis_name="c", subcore_axis_name="s", num_cores=NC, num_subcores=NS
)

_sc_params = pltpu.CompilerParams(use_tc_tiling_on_sc=False)


@functools.partial(
    pl.kernel,
    out_type=jax.ShapeDtypeStruct((NC, N_NODES_PAD, HIDDEN), jnp.float32),
    mesh=_sc_mesh,
    compiler_params=_sc_params,
    scratch_types=[
        pltpu.VMEM((NB + 1, CHUNK), jnp.int32),
        pltpu.VMEM((CHUNK, HIDDEN), jnp.float32),
        pltpu.VMEM((ROWS_PER_SUB, HIDDEN), jnp.float32),
        pltpu.VMEM_SHARED((N_NODES, HIDDEN), jnp.float32),
        pltpu.SemaphoreType.DMA,
    ],
)
def _hist(ei_hbm, out_hbm, idx_v, ones_v, zrows_v, acc_sh, sem):
    c = lax.axis_index("c")
    s = lax.axis_index("s")
    wid = s * NC + c

    @pl.loop(0, CHUNK)
    def _(i):
        ones_v[i, :] = jnp.ones((LANES,), jnp.float32)

    @pl.loop(0, ROWS_PER_SUB)
    def _(i):
        zrows_v[i, :] = jnp.zeros((LANES,), jnp.float32)

    pltpu.sync_copy(ei_hbm.at[1, pl.ds(wid * NB, NB)], idx_v.at[pl.ds(0, NB)])

    @pl.when(wid < EXTRA_CHUNKS)
    def _():
        pltpu.sync_copy(ei_hbm.at[1, pl.ds(NC * NS * NB + wid, 1)],
                        idx_v.at[pl.ds(NB, 1)])

    pltpu.sync_copy(zrows_v, acc_sh.at[pl.ds(s * ROWS_PER_SUB, ROWS_PER_SUB)])

    @pl.when(s == NS - 1)
    def _():
        pltpu.sync_copy(zrows_v.at[pl.ds(0, ROWS_TAIL)],
                        acc_sh.at[pl.ds(NS * ROWS_PER_SUB, ROWS_TAIL)])

    plsc.subcore_barrier()

    @pl.loop(0, NB)
    def _(j):
        pltpu.async_copy(ones_v, acc_sh.at[idx_v.at[j]], sem, add=True)

    @pl.when(wid < EXTRA_CHUNKS)
    def _():
        pltpu.async_copy(ones_v, acc_sh.at[idx_v.at[NB]], sem, add=True)

    @pl.loop(0, NB)
    def _(j):
        pltpu.make_async_copy(ones_v, acc_sh.at[idx_v.at[j]], sem).wait()

    @pl.when(wid < EXTRA_CHUNKS)
    def _():
        pltpu.make_async_copy(ones_v, acc_sh.at[idx_v.at[NB]], sem).wait()

    plsc.subcore_barrier()
    pltpu.sync_copy(
        acc_sh.at[pl.ds(s * ROWS_PER_SUB, ROWS_PER_SUB)],
        out_hbm.at[c, pl.ds(s * ROWS_PER_SUB, ROWS_PER_SUB)],
    )

    @pl.when(s == NS - 1)
    def _():
        pltpu.sync_copy(
            acc_sh.at[pl.ds(NS * ROWS_PER_SUB, ROWS_TAIL)],
            out_hbm.at[c, pl.ds(NS * ROWS_PER_SUB, ROWS_TAIL)],
        )


@functools.partial(
    pl.kernel,
    out_type=jax.ShapeDtypeStruct((NC, N_NODES_PAD, HIDDEN), jnp.float32),
    mesh=_sc_mesh,
    compiler_params=_sc_params,
    scratch_types=[
        pltpu.VMEM((NB + 1, CHUNK), jnp.int32),
        pltpu.VMEM((NB + 1, CHUNK), jnp.int32),
        [pltpu.VMEM((CHUNK, HIDDEN), jnp.float32) for _ in range(NBUF)],
        pltpu.VMEM((ROWS_PER_SUB, HIDDEN), jnp.float32),
        pltpu.VMEM_SHARED((N_NODES, HIDDEN), jnp.float32),
        [pltpu.SemaphoreType.DMA for _ in range(NBUF)],
    ],
)
def _segsum(ei_hbm, y_hbm, out_hbm,
            idx_s_v, idx_d_v, rows_bufs, zrows_v, acc_sh, sems):
    c = lax.axis_index("c")
    s = lax.axis_index("s")
    wid = s * NC + c

    @pl.loop(0, ROWS_PER_SUB)
    def _(i):
        zrows_v[i, :] = jnp.zeros((LANES,), jnp.float32)

    pltpu.sync_copy(ei_hbm.at[0, pl.ds(wid * NB, NB)], idx_s_v.at[pl.ds(0, NB)])
    pltpu.sync_copy(ei_hbm.at[1, pl.ds(wid * NB, NB)], idx_d_v.at[pl.ds(0, NB)])

    @pl.when(wid < EXTRA_CHUNKS)
    def _():
        pltpu.sync_copy(ei_hbm.at[0, pl.ds(NC * NS * NB + wid, 1)],
                        idx_s_v.at[pl.ds(NB, 1)])
        pltpu.sync_copy(ei_hbm.at[1, pl.ds(NC * NS * NB + wid, 1)],
                        idx_d_v.at[pl.ds(NB, 1)])

    rows_slc = pl.ds(s * ROWS_PER_SUB, ROWS_PER_SUB)
    tail_slc = pl.ds(NS * ROWS_PER_SUB, ROWS_TAIL)
    pltpu.sync_copy(zrows_v, acc_sh.at[rows_slc])

    @pl.when(s == NS - 1)
    def _():
        pltpu.sync_copy(zrows_v.at[pl.ds(0, ROWS_TAIL)], acc_sh.at[tail_slc])

    plsc.subcore_barrier()

    def gath(j, buf, sem):
        pltpu.async_copy(y_hbm.at[idx_s_v.at[j]], buf, sem)

    def wait_one(buf, sem):
        pltpu.make_async_copy(y_hbm.at[idx_s_v.at[0]], buf, sem).wait()

    def scat(j, buf, sem):
        pltpu.async_copy(buf, acc_sh.at[idx_d_v.at[j]], sem, add=True)

    for b in range(NBUF):
        gath(b, rows_bufs[b], sems[b])

    @pl.loop(0, NGRP)
    def _(g):
        j0 = g * NBUF
        for b in range(NBUF):
            wait_one(rows_bufs[b], sems[b])
            scat(j0 + b, rows_bufs[b], sems[b])

        @pl.when(g < NGRP - 1)
        def _():
            for b in range(NBUF):
                wait_one(rows_bufs[b], sems[b])
                gath(j0 + NBUF + b, rows_bufs[b], sems[b])

    for b in range(NBUF):
        wait_one(rows_bufs[b], sems[b])

    @pl.when(wid < EXTRA_CHUNKS)
    def _():
        gath(NB, rows_bufs[0], sems[0])
        wait_one(rows_bufs[0], sems[0])
        scat(NB, rows_bufs[0], sems[0])
        wait_one(rows_bufs[0], sems[0])

    plsc.subcore_barrier()
    pltpu.sync_copy(acc_sh.at[rows_slc], out_hbm.at[c, rows_slc])

    @pl.when(s == NS - 1)
    def _():
        pltpu.sync_copy(acc_sh.at[tail_slc], out_hbm.at[c, tail_slc])




def _blockdiag_mask(n_rep, blk_r, blk_c, dtype=jnp.float32):
    shape = (n_rep * blk_r, n_rep * blk_c)
    r = lax.broadcasted_iota(jnp.int32, shape, 0) // blk_r
    c = lax.broadcasted_iota(jnp.int32, shape, 1) // blk_c
    return (r == c).astype(dtype)


def _matmul_body(xw_ref, w_ref, y_ref):
    w = w_ref[...]
    wc = jnp.concatenate([w] * 8, axis=0)
    wt = jnp.concatenate([wc] * 8, axis=1)
    w2 = wt * _blockdiag_mask(8, D_FEAT, HIDDEN)
    y_ref[...] = jnp.dot(xw_ref[...], w2, preferred_element_type=jnp.float32)


def _matmul(x_w, w):
    return pl.pallas_call(
        _matmul_body,
        grid=(1,),
        in_specs=[
            pl.BlockSpec((N_WIDE, 8 * D_FEAT), lambda i: (0, 0)),
            pl.BlockSpec((D_FEAT, HIDDEN), lambda i: (0, 0)),
        ],
        out_specs=pl.BlockSpec((N_WIDE, 128), lambda i: (0, 0)),
        out_shape=jax.ShapeDtypeStruct((N_WIDE, 128), jnp.float32),
    )(x_w, w)


def _scale_body(xw_ref, degp_ref, y_ref):
    degp = degp_ref[:, :N_WIDE, :]
    deg = degp[0] + degp[1] + 1.0
    y_ref[...] = xw_ref[...] * lax.rsqrt(deg)


def _scale(xw_w, degp_w):
    return pl.pallas_call(
        _scale_body,
        grid=(1,),
        in_specs=[
            pl.BlockSpec((N_WIDE, 128), lambda i: (0, 0)),
            pl.BlockSpec((NC, N_WIDE_PAD, 128), lambda i: (0, 0, 0)),
        ],
        out_specs=pl.BlockSpec((N_WIDE, 128), lambda i: (0, 0)),
        out_shape=jax.ShapeDtypeStruct((N_WIDE, 128), jnp.float32),
    )(xw_w, degp_w)


def _final_body(sp_ref, y_ref, degp_ref, b_ref, o_ref):
    degp = degp_ref[:, :N_WIDE, :]
    sp = sp_ref[:, :N_WIDE, :]
    deg = degp[0] + degp[1] + 1.0
    dis = lax.rsqrt(deg)
    b_w = jnp.concatenate([b_ref[...]] * 8, axis=1)
    h = dis * (sp[0] + sp[1] + y_ref[...]) + b_w
    h = jnp.maximum(h, 0.0)
    e = jnp.exp(h)
    g = _blockdiag_mask(8, HIDDEN, HIDDEN)
    s = jnp.dot(e, g, preferred_element_type=jnp.float32)
    o_ref[...] = h - jnp.log(s)


def _final(sp_w, y_w, degp_w, b):
    return pl.pallas_call(
        _final_body,
        grid=(1,),
        in_specs=[
            pl.BlockSpec((NC, N_WIDE_PAD, 128), lambda i: (0, 0, 0)),
            pl.BlockSpec((N_WIDE, 128), lambda i: (0, 0)),
            pl.BlockSpec((NC, N_WIDE_PAD, 128), lambda i: (0, 0, 0)),
            pl.BlockSpec((1, HIDDEN), lambda i: (0, 0)),
        ],
        out_specs=pl.BlockSpec((N_WIDE, 128), lambda i: (0, 0)),
        out_shape=jax.ShapeDtypeStruct((N_WIDE, 128), jnp.float32),
    )(sp_w, y_w, degp_w, b)


@jax.jit
def kernel(x, edge_index, W1, b1):
    ei = edge_index.astype(jnp.int32).reshape(2, N_CHUNKS, CHUNK)
    x_w = x.reshape(N_WIDE, 8 * D_FEAT)
    xw_w = _matmul(x_w, W1)
    degp = _hist(ei)
    degp_w = degp.reshape(NC, N_WIDE_PAD, 128)
    y_w = _scale(xw_w, degp_w)
    sp = _segsum(ei, y_w.reshape(N_NODES, HIDDEN))
    out_w = _final(sp.reshape(NC, N_WIDE_PAD, 128), y_w, degp_w, b1.reshape(1, HIDDEN))
    return out_w.reshape(N_NODES, HIDDEN)

# --- scband reference (transcript-rebuilt; emitter-appended) ---
"""Pipeline reference for scband-my-net-66365834658260 (READ-ONLY COPY).

The authoritative reference and input builder live on the scoring server;
editing this copy changes nothing except your own understanding.
"""

import jax, jax.numpy as jnp
import numpy as np

N_NODES = 10000
N_EDGES = 320000
D_FEAT = 128
HIDDEN = 16


def setup_inputs(seed: int = 0) -> dict:
    key = jax.random.key(seed)
    k1, k2, k3 = jax.random.split(key, 3)
    x = jax.random.normal(k1, (N_NODES, D_FEAT), dtype=jnp.float32)
    edge_index = jax.random.randint(k2, (2, N_EDGES), 0, N_NODES)
    # GCNConv(128 -> 16) learned parameters
    W1 = jax.random.normal(k3, (D_FEAT, HIDDEN), dtype=jnp.float32) * (1.0 / np.sqrt(D_FEAT))
    b1 = jnp.zeros((HIDDEN,), dtype=jnp.float32)
    return {"x": x, "edge_index": edge_index, "W1": W1, "b1": b1}


def _gcn_conv(x, edge_index, W, b):
    n = x.shape[0]
    # add self-loops
    sl = jnp.arange(n, dtype=edge_index.dtype)
    src = jnp.concatenate([edge_index[0], sl])
    dst = jnp.concatenate([edge_index[1], sl])
    # symmetric normalization D^{-1/2} (A+I) D^{-1/2}
    deg = jnp.zeros((n,), dtype=x.dtype).at[dst].add(1.0)
    deg_inv_sqrt = jnp.where(deg > 0, jax.lax.rsqrt(jnp.maximum(deg, 1e-12)), 0.0)
    norm = deg_inv_sqrt[src] * deg_inv_sqrt[dst]
    # transform then propagate (gather -> weight -> scatter-add)
    xw = x @ W
    msg = xw[src] * norm[:, None]
    out = jax.ops.segment_sum(msg, dst, num_segments=n)
    return out + b


def reference(x, edge_index, W1, b1):
    h = _gcn_conv(x, edge_index, W1, b1)
    h = jax.nn.relu(h)
    # F.dropout(..., training=self.training) -> identity in eval mode
    return jax.nn.log_softmax(h, axis=1)

if __name__ == "__main__":
    import jax
    _d = setup_inputs()
    print(jax.jit(kernel)(*tuple(_d.values())))

</pallas_src>

<mosaic_0001>
#map = affine_map<(d0, d1) -> (0, 0, 0)>
module attributes {stable_mosaic.version = 14 : i64} {
  func.func @_hist(%arg0: i32, %arg1: i32, %arg2: memref<2x2500x128xi32, #tpu.memory_space<hbm>>, %arg3: memref<2x10048x16xf32, #tpu.memory_space<hbm>>, %arg4: memref<79x128xi32, #tpu.memory_space<vmem>>, %arg5: memref<128x16xf32, #tpu.memory_space<vmem>>, %arg6: memref<624x16xf32, #tpu.memory_space<vmem>>, %arg7: memref<10000x16xf32, #tpu.memory_space<vmem_shared>>, %arg8: memref<!tpu.dma_semaphore, #tpu.memory_space<semaphore_mem>>) attributes {dimension_semantics = [#tpu.dimension_semantics<core_parallel>, #tpu.dimension_semantics<subcore_parallel>], iteration_bounds = array<i64: 2, 16>, scalar_prefetch = 0 : i64, scratch_operands = 5 : i64, tpu.core_type = #tpu.core_type<sc_vector_subcore>, window_params = [{transform_indices = #map}, {transform_indices = #map}]} {
    %mul3A = arith.constant 2 : i32
    %mul3A_0 = arith.muli %arg1, %mul3A : i32
    %add3A = arith.addi %mul3A_0, %arg0 : i32
    %scan3A = arith.constant 0 : i32
    %scan3A_1 = arith.constant 128 : i32
    %scan3A_2 = arith.addi %scan3A, %scan3A_1 : i32
    %scan3A_3 = arith.constant 1 : i32
    scf.for %scan3A_50 = %scan3A to %scan3A_2 step %scan3A_3  : i32 {
      %mul3A_51 = arith.constant 1 : i32
      %mul3A_52 = arith.muli %scan3A_50, %mul3A_51 : i32
      %add3A_53 = arith.constant 0 : i32
      %add3A_54 = arith.addi %add3A_53, %mul3A_52 : i32
      %broadcast_in_dim3A = arith.constant 1.000000e+00 : f32
      %broadcast_in_dim3A_55 = vector.broadcast %broadcast_in_dim3A : f32 to vector<16xf32>
      %swap3A = arith.index_cast %add3A_54 : i32 to index
      %swap3A_56 = arith.constant 0 : index
      %swap3A_57 = tpu.vector_load %arg5[%swap3A, %swap3A_56] {strides = array<i32>} : memref<128x16xf32, #tpu.memory_space<vmem>>, vector<1x16xf32>,
      %swap3A_58 = vector.shape_cast %swap3A_57 : vector<1x16xf32> to vector<16xf32>
      %swap3A_59 = vector.shape_cast %broadcast_in_dim3A_55 : vector<16xf32> to vector<1x16xf32>
      tpu.vector_store %arg5[%swap3A, %swap3A_56], %swap3A_59 {strides = array<i32>} : memref<128x16xf32, #tpu.memory_space<vmem>>, vector<1x16xf32>,
    }
    %scan3A_4 = arith.constant 128 : i32
    %scan3A_5 = arith.constant 0 : i32
    %scan3A_6 = arith.constant 624 : i32
    %scan3A_7 = arith.addi %scan3A_5, %scan3A_6 : i32
    %scan3A_8 = arith.constant 1 : i32
    scf.for %scan3A_50 = %scan3A_5 to %scan3A_7 step %scan3A_8  : i32 {
      %mul3A_51 = arith.constant 1 : i32
      %mul3A_52 = arith.muli %scan3A_50, %mul3A_51 : i32
      %add3A_53 = arith.constant 0 : i32
      %add3A_54 = arith.addi %add3A_53, %mul3A_52 : i32
      %broadcast_in_dim3A = arith.constant 0.000000e+00 : f32
      %broadcast_in_dim3A_55 = vector.broadcast %broadcast_in_dim3A : f32 to vector<16xf32>
      %swap3A = arith.index_cast %add3A_54 : i32 to index
      %swap3A_56 = arith.constant 0 : index
      %swap3A_57 = tpu.vector_load %arg6[%swap3A, %swap3A_56] {strides = array<i32>} : memref<624x16xf32, #tpu.memory_space<vmem>>, vector<1x16xf32>,
      %swap3A_58 = vector.shape_cast %swap3A_57 : vector<1x16xf32> to vector<16xf32>
      %swap3A_59 = vector.shape_cast %broadcast_in_dim3A_55 : vector<16xf32> to vector<1x16xf32>
      tpu.vector_store %arg6[%swap3A, %swap3A_56], %swap3A_59 {strides = array<i32>} : memref<624x16xf32, #tpu.memory_space<vmem>>, vector<1x16xf32>,
    }
    %scan3A_9 = arith.constant 624 : i32
    %mul3A_10 = arith.constant 78 : i32
    %mul3A_11 = arith.muli %add3A, %mul3A_10 : i32
    %run_scoped3A = arith.constant 1 : i32
    "tpu.region"() ({
      %run_scoped3A_50 = tpu.sem_alloc : memref<!tpu.dma_semaphore, #tpu.memory_space<semaphore_mem>>
      %dma_start3A = arith.constant 0 : i32
      %dma_start3A_51 = arith.constant 0 : i32
      %dma_start3A_52 = tpu.memref_slice %arg4[%dma_start3A, %dma_start3A_51] : memref<79x128xi32, #tpu.memory_space<vmem>> -> memref<78x128xi32, #tpu.memory_space<vmem>>
      %dma_start3A_53 = arith.constant 0 : i32
      %dma_start3A_54 = tpu.memref_slice %arg2[%run_scoped3A, %mul3A_11, %dma_start3A_53] : memref<2x2500x128xi32, #tpu.memory_space<hbm>> -> memref<1x78x128xi32, #tpu.memory_space<hbm>>
      %dma_start3A_55 = tpu.memref_squeeze %dma_start3A_54 : memref<1x78x128xi32, #tpu.memory_space<hbm>> -> memref<78x128xi32, #tpu.memory_space<hbm>>
      %dma_start3A_56 = arith.constant 0 : i32
      %dma_start3A_57 = arith.constant 0 : i32
      %dma_start3A_58 = tpu.memref_slice %arg4[%dma_start3A_56, %dma_start3A_57] : memref<79x128xi32, #tpu.memory_space<vmem>> -> memref<78x128xi32, #tpu.memory_space<vmem>>
      %dma_start3A_59 = arith.constant 0 : i32
      %dma_start3A_60 = tpu.memref_slice %arg2[%run_scoped3A, %mul3A_11, %dma_start3A_59] : memref<2x2500x128xi32, #tpu.memory_space<hbm>> -> memref<1x78x128xi32, #tpu.memory_space<hbm>>
      %dma_start3A_61 = tpu.memref_squeeze %dma_start3A_60 : memref<1x78x128xi32, #tpu.memory_space<hbm>> -> memref<78x128xi32, #tpu.memory_space<hbm>>
      tpu.enqueue_dma source(%dma_start3A_61 : memref<78x128xi32, #tpu.memory_space<hbm>>) target(%dma_start3A_58 : memref<78x128xi32, #tpu.memory_space<vmem>>) target_semaphore(%run_scoped3A_50 : memref<!tpu.dma_semaphore, #tpu.memory_space<semaphore_mem>>)
      %dma_wait3A = arith.constant 0 : i32
      %dma_wait3A_62 = arith.constant 0 : i32
      %dma_wait3A_63 = tpu.memref_slice %arg4[%dma_wait3A, %dma_wait3A_62] : memref<79x128xi32, #tpu.memory_space<vmem>> -> memref<78x128xi32, #tpu.memory_space<vmem>>
      %dma_wait3A_64 = arith.constant 0 : i32
      %dma_wait3A_65 = tpu.memref_slice %arg2[%run_scoped3A, %mul3A_11, %dma_wait3A_64] : memref<2x2500x128xi32, #tpu.memory_space<hbm>> -> memref<1x78x128xi32, #tpu.memory_space<hbm>>
      %dma_wait3A_66 = tpu.memref_squeeze %dma_wait3A_65 : memref<1x78x128xi32, #tpu.memory_space<hbm>> -> memref<78x128xi32, #tpu.memory_space<hbm>>
      %dma_wait3A_67 = arith.constant 0 : i32
      %dma_wait3A_68 = arith.constant 0 : i32
      %dma_wait3A_69 = tpu.memref_slice %arg4[%dma_wait3A_67, %dma_wait3A_68] : memref<79x128xi32, #tpu.memory_space<vmem>> -> memref<78x128xi32, #tpu.memory_space<vmem>>
      %dma_wait3A_70 = arith.constant 0 : i32
      %dma_wait3A_71 = tpu.memref_slice %arg2[%run_scoped3A, %mul3A_11, %dma_wait3A_70] : memref<2x2500x128xi32, #tpu.memory_space<hbm>> -> memref<1x78x128xi32, #tpu.memory_space<hbm>>
      %dma_wait3A_72 = tpu.memref_squeeze %dma_wait3A_71 : memref<1x78x128xi32, #tpu.memory_space<hbm>> -> memref<78x128xi32, #tpu.memory_space<hbm>>
      tpu.wait_dma2 semaphore(%run_scoped3A_50 : memref<!tpu.dma_semaphore, #tpu.memory_space<semaphore_mem>>) src(%dma_wait3A_72 : memref<78x128xi32, #tpu.memory_space<hbm>>) dst(%dma_wait3A_69 : memref<78x128xi32, #tpu.memory_space<vmem>>)
      tpu.yield
    }) : () -> ()
    %lt3A = arith.constant 4 : i32
    %lt3A_12 = arith.cmpi slt, %add3A, %lt3A : i32
    %convert_element_type3A = arith.extui %lt3A_12 : i1 to i32
    %cond3A = arith.constant 0 : i32
    %cond3A_13 = arith.cmpi ne, %convert_element_type3A, %cond3A : i32
    scf.if %cond3A_13 {
      %add3A_50 = arith.constant 2496 : i32
      %add3A_51 = arith.addi %add3A_50, %add3A : i32
      %run_scoped3A_52 = arith.constant 1 : i32
      "tpu.region"() ({
        %run_scoped3A_53 = tpu.sem_alloc : memref<!tpu.dma_semaphore, #tpu.memory_space<semaphore_mem>>
        %dma_start3A = arith.constant 78 : i32
        %dma_start3A_54 = arith.constant 0 : i32
        %dma_start3A_55 = tpu.memref_slice %arg4[%dma_start3A, %dma_start3A_54] : memref<79x128xi32, #tpu.memory_space<vmem>> -> memref<1x128xi32, #tpu.memory_space<vmem>>
        %dma_start3A_56 = arith.constant 0 : i32
        %dma_start3A_57 = tpu.memref_slice %arg2[%run_scoped3A_52, %add3A_51, %dma_start3A_56] : memref<2x2500x128xi32, #tpu.memory_space<hbm>> -> memref<1x1x128xi32, #tpu.memory_space<hbm>>
        %dma_start3A_58 = tpu.memref_squeeze %dma_start3A_57 : memref<1x1x128xi32, #tpu.memory_space<hbm>> -> memref<1x128xi32, #tpu.memory_space<hbm>>
        %dma_start3A_59 = arith.constant 78 : i32
        %dma_start3A_60 = arith.constant 0 : i32
        %dma_start3A_61 = tpu.memref_slice %arg4[%dma_start3A_59, %dma_start3A_60] : memref<79x128xi32, #tpu.memory_space<vmem>> -> memref<1x128xi32, #tpu.memory_space<vmem>>
        %dma_start3A_62 = arith.constant 0 : i32
        %dma_start3A_63 = tpu.memref_slice %arg2[%run_scoped3A_52, %add3A_51, %dma_start3A_62] : memref<2x2500x128xi32, #tpu.memory_space<hbm>> -> memref<1x1x128xi32, #tpu.memory_space<hbm>>
        %dma_start3A_64 = tpu.memref_squeeze %dma_start3A_63 : memref<1x1x128xi32, #tpu.memory_space<hbm>> -> memref<1x128xi32, #tpu.memory_space<hbm>>
        tpu.enqueue_dma source(%dma_start3A_64 : memref<1x128xi32, #tpu.memory_space<hbm>>) target(%dma_start3A_61 : memref<1x128xi32, #tpu.memory_space<vmem>>) target_semaphore(%run_scoped3A_53 : memref<!tpu.dma_semaphore, #tpu.memory_space<semaphore_mem>>)
        %dma_wait3A = arith.constant 78 : i32
        %dma_wait3A_65 = arith.constant 0 : i32
        %dma_wait3A_66 = tpu.memref_slice %arg4[%dma_wait3A, %dma_wait3A_65] : memref<79x128xi32, #tpu.memory_space<vmem>> -> memref<1x128xi32, #tpu.memory_space<vmem>>
        %dma_wait3A_67 = arith.constant 0 : i32
        %dma_wait3A_68 = tpu.memref_slice %arg2[%run_scoped3A_52, %add3A_51, %dma_wait3A_67] : memref<2x2500x128xi32, #tpu.memory_space<hbm>> -> memref<1x1x128xi32, #tpu.memory_space<hbm>>
        %dma_wait3A_69 = tpu.memref_squeeze %dma_wait3A_68 : memref<1x1x128xi32, #tpu.memory_space<hbm>> -> memref<1x128xi32, #tpu.memory_space<hbm>>
        %dma_wait3A_70 = arith.constant 78 : i32
        %dma_wait3A_71 = arith.constant 0 : i32
        %dma_wait3A_72 = tpu.memref_slice %arg4[%dma_wait3A_70, %dma_wait3A_71] : memref<79x128xi32, #tpu.memory_space<vmem>> -> memref<1x128xi32, #tpu.memory_space<vmem>>
        %dma_wait3A_73 = arith.constant 0 : i32
        %dma_wait3A_74 = tpu.memref_slice %arg2[%run_scoped3A_52, %add3A_51, %dma_wait3A_73] : memref<2x2500x128xi32, #tpu.memory_space<hbm>> -> memref<1x1x128xi32, #tpu.memory_space<hbm>>
        %dma_wait3A_75 = tpu.memref_squeeze %dma_wait3A_74 : memref<1x1x128xi32, #tpu.memory_space<hbm>> -> memref<1x128xi32, #tpu.memory_space<hbm>>
        tpu.wait_dma2 semaphore(%run_scoped3A_53 : memref<!tpu.dma_semaphore, #tpu.memory_space<semaphore_mem>>) src(%dma_wait3A_75 : memref<1x128xi32, #tpu.memory_space<hbm>>) dst(%dma_wait3A_72 : memref<1x128xi32, #tpu.memory_space<vmem>>)
        tpu.yield
      }) : () -> ()
    } else {
    }
    %mul3A_14 = arith.constant 624 : i32
    %mul3A_15 = arith.muli %arg1, %mul3A_14 : i32
    "tpu.region"() ({
      %run_scoped3A_50 = tpu.sem_alloc : memref<!tpu.dma_semaphore, #tpu.memory_space<semaphore_mem>>
      %dma_start3A = arith.constant 0 : i32
      %dma_start3A_51 = tpu.memref_slice %arg7[%mul3A_15, %dma_start3A] : memref<10000x16xf32, #tpu.memory_space<vmem_shared>> -> memref<624x16xf32, #tpu.memory_space<vmem_shared>>
      %dma_start3A_52 = arith.constant 0 : i32
      %dma_start3A_53 = tpu.memref_slice %arg7[%mul3A_15, %dma_start3A_52] : memref<10000x16xf32, #tpu.memory_space<vmem_shared>> -> memref<624x16xf32, #tpu.memory_space<vmem_shared>>
      tpu.enqueue_dma source(%arg6 : memref<624x16xf32, #tpu.memory_space<vmem>>) target(%dma_start3A_53 : memref<624x16xf32, #tpu.memory_space<vmem_shared>>) target_semaphore(%run_scoped3A_50 : memref<!tpu.dma_semaphore, #tpu.memory_space<semaphore_mem>>)
      %dma_wait3A = arith.constant 0 : i32
      %dma_wait3A_54 = tpu.memref_slice %arg7[%mul3A_15, %dma_wait3A] : memref<10000x16xf32, #tpu.memory_space<vmem_shared>> -> memref<624x16xf32, #tpu.memory_space<vmem_shared>>
      %dma_wait3A_55 = arith.constant 0 : i32
      %dma_wait3A_56 = tpu.memref_slice %arg7[%mul3A_15, %dma_wait3A_55] : memref<10000x16xf32, #tpu.memory_space<vmem_shared>> -> memref<624x16xf32, #tpu.memory_space<vmem_shared>>
      tpu.wait_dma2 semaphore(%run_scoped3A_50 : memref<!tpu.dma_semaphore, #tpu.memory_space<semaphore_mem>>) src(%arg6 : memref<624x16xf32, #tpu.memory_space<vmem>>) dst(%dma_wait3A_56 : memref<624x16xf32, #tpu.memory_space<vmem_shared>>)
      tpu.yield
    }) : () -> ()
    %eq3A = arith.constant 15 : i32
    %eq3A_16 = arith.cmpi eq, %arg1, %eq3A : i32
    %convert_element_type3A_17 = arith.extui %eq3A_16 : i1 to i32
    %cond3A_18 = arith.constant 0 : i32
    %cond3A_19 = arith.cmpi ne, %convert_element_type3A_17, %cond3A_18 : i32
    scf.if %cond3A_19 {
      "tpu.region"() ({
        %run_scoped3A_50 = tpu.sem_alloc : memref<!tpu.dma_semaphore, #tpu.memory_space<semaphore_mem>>
        %dma_start3A = arith.constant 0 : i32
        %dma_start3A_51 = arith.constant 0 : i32
        %dma_start3A_52 = tpu.memref_slice %arg6[%dma_start3A, %dma_start3A_51] : memref<624x16xf32, #tpu.memory_space<vmem>> -> memref<16x16xf32, #tpu.memory_space<vmem>>
        %dma_start3A_53 = arith.constant 9984 : i32
        %dma_start3A_54 = arith.constant 0 : i32
        %dma_start3A_55 = tpu.memref_slice %arg7[%dma_start3A_53, %dma_start3A_54] : memref<10000x16xf32, #tpu.memory_space<vmem_shared>> -> memref<16x16xf32, #tpu.memory_space<vmem_shared>>
        %dma_start3A_56 = arith.constant 9984 : i32
        %dma_start3A_57 = arith.constant 0 : i32
        %dma_start3A_58 = tpu.memref_slice %arg7[%dma_start3A_56, %dma_start3A_57] : memref<10000x16xf32, #tpu.memory_space<vmem_shared>> -> memref<16x16xf32, #tpu.memory_space<vmem_shared>>
        %dma_start3A_59 = arith.constant 0 : i32
        %dma_start3A_60 = arith.constant 0 : i32
        %dma_start3A_61 = tpu.memref_slice %arg6[%dma_start3A_59, %dma_start3A_60] : memref<624x16xf32, #tpu.memory_space<vmem>> -> memref<16x16xf32, #tpu.memory_space<vmem>>
        tpu.enqueue_dma source(%dma_start3A_61 : memref<16x16xf32, #tpu.memory_space<vmem>>) target(%dma_start3A_58 : memref<16x16xf32, #tpu.memory_space<vmem_shared>>) target_semaphore(%run_scoped3A_50 : memref<!tpu.dma_semaphore, #tpu.memory_space<semaphore_mem>>)
        %dma_wait3A = arith.constant 0 : i32
        %dma_wait3A_62 = arith.constant 0 : i32
        %dma_wait3A_63 = tpu.memref_slice %arg6[%dma_wait3A, %dma_wait3A_62] : memref<624x16xf32, #tpu.memory_space<vmem>> -> memref<16x16xf32, #tpu.memory_space<vmem>>
        %dma_wait3A_64 = arith.constant 9984 : i32
        %dma_wait3A_65 = arith.constant 0 : i32
        %dma_wait3A_66 = tpu.memref_slice %arg7[%dma_wait3A_64, %dma_wait3A_65] : memref<10000x16xf32, #tpu.memory_space<vmem_shared>> -> memref<16x16xf32, #tpu.memory_space<vmem_shared>>
        %dma_wait3A_67 = arith.constant 9984 : i32
        %dma_wait3A_68 = arith.constant 0 : i32
        %dma_wait3A_69 = tpu.memref_slice %arg7[%dma_wait3A_67, %dma_wait3A_68] : memref<10000x16xf32, #tpu.memory_space<vmem_shared>> -> memref<16x16xf32, #tpu.memory_space<vmem_shared>>
        %dma_wait3A_70 = arith.constant 0 : i32
        %dma_wait3A_71 = arith.constant 0 : i32
        %dma_wait3A_72 = tpu.memref_slice %arg6[%dma_wait3A_70, %dma_wait3A_71] : memref<624x16xf32, #tpu.memory_space<vmem>> -> memref<16x16xf32, #tpu.memory_space<vmem>>
        tpu.wait_dma2 semaphore(%run_scoped3A_50 : memref<!tpu.dma_semaphore, #tpu.memory_space<semaphore_mem>>) src(%dma_wait3A_72 : memref<16x16xf32, #tpu.memory_space<vmem>>) dst(%dma_wait3A_69 : memref<16x16xf32, #tpu.memory_space<vmem_shared>>)
        tpu.yield
      }) : () -> ()
    } else {
    }
    %barrier3A = arith.constant 0 : index
    tpu.barrier barrier_id(%barrier3A)
    %scan3A_20 = arith.constant 0 : i32
    %scan3A_21 = arith.constant 78 : i32
    %scan3A_22 = arith.addi %scan3A_20, %scan3A_21 : i32
    %scan3A_23 = arith.constant 1 : i32
    scf.for %scan3A_50 = %scan3A_20 to %scan3A_22 step %scan3A_23  : i32 {
      %mul3A_51 = arith.constant 1 : i32
      %mul3A_52 = arith.muli %scan3A_50, %mul3A_51 : i32
      %add3A_53 = arith.constant 0 : i32
      %add3A_54 = arith.addi %add3A_53, %mul3A_52 : i32
      %dma_start3A = arith.constant 0 : i32
      %dma_start3A_55 = tpu.memref_slice %arg4[%add3A_54, %dma_start3A] : memref<79x128xi32, #tpu.memory_space<vmem>> -> memref<1x128xi32, #tpu.memory_space<vmem>>
      %dma_start3A_56 = tpu.memref_squeeze %dma_start3A_55 : memref<1x128xi32, #tpu.memory_space<vmem>> -> memref<128xi32, #tpu.memory_space<vmem>>
      %dma_start3A_57 = arith.constant 0 : i32
      %dma_start3A_58 = arith.constant 0 : i32
      %dma_start3A_59 = tpu.memref_slice %arg7[%dma_start3A_57, %dma_start3A_58] : memref<10000x16xf32, #tpu.memory_space<vmem_shared>> -> memref<10000x16xf32, #tpu.memory_space<vmem_shared>>
      tpu.enqueue_indirect_dma source(%arg5 : memref<128x16xf32, #tpu.memory_space<vmem>>) target(%dma_start3A_59 : memref<10000x16xf32, #tpu.memory_space<vmem_shared>>) offsets(%dma_start3A_56 : memref<128xi32, #tpu.memory_space<vmem>>) semaphore(%arg8 : memref<!tpu.dma_semaphore, #tpu.memory_space<semaphore_mem>>) {add = true}
    }
    %scan3A_24 = arith.constant 78 : i32
    %lt3A_25 = arith.constant 4 : i32
    %lt3A_26 = arith.cmpi slt, %add3A, %lt3A_25 : i32
    %convert_element_type3A_27 = arith.extui %lt3A_26 : i1 to i32
    %cond3A_28 = arith.constant 0 : i32
    %cond3A_29 = arith.cmpi ne, %convert_element_type3A_27, %cond3A_28 : i32
    scf.if %cond3A_29 {
      %dma_start3A = arith.constant 78 : i32
      %dma_start3A_50 = arith.constant 0 : i32
      %dma_start3A_51 = tpu.memref_slice %arg4[%dma_start3A, %dma_start3A_50] : memref<79x128xi32, #tpu.memory_space<vmem>> -> memref<1x128xi32, #tpu.memory_space<vmem>>
      %dma_start3A_52 = tpu.memref_squeeze %dma_start3A_51 : memref<1x128xi32, #tpu.memory_space<vmem>> -> memref<128xi32, #tpu.memory_space<vmem>>
      %dma_start3A_53 = arith.constant 0 : i32
      %dma_start3A_54 = arith.constant 0 : i32
      %dma_start3A_55 = tpu.memref_slice %arg7[%dma_start3A_53, %dma_start3A_54] : memref<10000x16xf32, #tpu.memory_space<vmem_shared>> -> memref<10000x16xf32, #tpu.memory_space<vmem_shared>>
      tpu.enqueue_indirect_dma source(%arg5 : memref<128x16xf32, #tpu.memory_space<vmem>>) target(%dma_start3A_55 : memref<10000x16xf32, #tpu.memory_space<vmem_shared>>) offsets(%dma_start3A_52 : memref<128xi32, #tpu.memory_space<vmem>>) semaphore(%arg8 : memref<!tpu.dma_semaphore, #tpu.memory_space<semaphore_mem>>) {add = true}
    } else {
    }
    %scan3A_30 = arith.constant 0 : i32
    %scan3A_31 = arith.constant 78 : i32
    %scan3A_32 = arith.addi %scan3A_30, %scan3A_31 : i32
    %scan3A_33 = arith.constant 1 : i32
    scf.for %scan3A_50 = %scan3A_30 to %scan3A_32 step %scan3A_33  : i32 {
      %mul3A_51 = arith.constant 1 : i32
      %mul3A_52 = arith.muli %scan3A_50, %mul3A_51 : i32
      %add3A_53 = arith.constant 0 : i32
      %add3A_54 = arith.addi %add3A_53, %mul3A_52 : i32
      %dma_wait3A = arith.constant 0 : i32
      %dma_wait3A_55 = tpu.memref_slice %arg4[%add3A_54, %dma_wait3A] : memref<79x128xi32, #tpu.memory_space<vmem>> -> memref<1x128xi32, #tpu.memory_space<vmem>>
      %dma_wait3A_56 = tpu.memref_squeeze %dma_wait3A_55 : memref<1x128xi32, #tpu.memory_space<vmem>> -> memref<128xi32, #tpu.memory_space<vmem>>
      %dma_wait3A_57 = arith.constant 0 : i32
      %dma_wait3A_58 = arith.constant 0 : i32
      %dma_wait3A_59 = tpu.memref_slice %arg7[%dma_wait3A_57, %dma_wait3A_58] : memref<10000x16xf32, #tpu.memory_space<vmem_shared>> -> memref<10000x16xf32, #tpu.memory_space<vmem_shared>>
      tpu.wait_indirect_dma semaphore(%arg8 : memref<!tpu.dma_semaphore, #tpu.memory_space<semaphore_mem>>) src(%arg5 : memref<128x16xf32, #tpu.memory_space<vmem>>) dst(%dma_wait3A_59 : memref<10000x16xf32, #tpu.memory_space<vmem_shared>>)
    }
    %scan3A_34 = arith.constant 78 : i32
    %lt3A_35 = arith.constant 4 : i32
    %lt3A_36 = arith.cmpi slt, %add3A, %lt3A_35 : i32
    %convert_element_type3A_37 = arith.extui %lt3A_36 : i1 to i32
    %cond3A_38 = arith.constant 0 : i32
    %cond3A_39 = arith.cmpi ne, %convert_element_type3A_37, %cond3A_38 : i32
    scf.if %cond3A_39 {
      %dma_wait3A = arith.constant 78 : i32
      %dma_wait3A_50 = arith.constant 0 : i32
      %dma_wait3A_51 = tpu.memref_slice %arg4[%dma_wait3A, %dma_wait3A_50] : memref<79x128xi32, #tpu.memory_space<vmem>> -> memref<1x128xi32, #tpu.memory_space<vmem>>
      %dma_wait3A_52 = tpu.memref_squeeze %dma_wait3A_51 : memref<1x128xi32, #tpu.memory_space<vmem>> -> memref<128xi32, #tpu.memory_space<vmem>>
      %dma_wait3A_53 = arith.constant 0 : i32
      %dma_wait3A_54 = arith.constant 0 : i32
      %dma_wait3A_55 = tpu.memref_slice %arg7[%dma_wait3A_53, %dma_wait3A_54] : memref<10000x16xf32, #tpu.memory_space<vmem_shared>> -> memref<10000x16xf32, #tpu.memory_space<vmem_shared>>
      tpu.wait_indirect_dma semaphore(%arg8 : memref<!tpu.dma_semaphore, #tpu.memory_space<semaphore_mem>>) src(%arg5 : memref<128x16xf32, #tpu.memory_space<vmem>>) dst(%dma_wait3A_55 : memref<10000x16xf32, #tpu.memory_space<vmem_shared>>)
    } else {
    }
    %barrier3A_40 = arith.constant 0 : index
    tpu.barrier barrier_id(%barrier3A_40)
    %mul3A_41 = arith.constant 624 : i32
    %mul3A_42 = arith.muli %arg1, %mul3A_41 : i32
    %mul3A_43 = arith.constant 624 : i32
    %mul3A_44 = arith.muli %arg1, %mul3A_43 : i32
    "tpu.region"() ({
      %run_scoped3A_50 = tpu.sem_alloc : memref<!tpu.dma_semaphore, #tpu.memory_space<semaphore_mem>>
      %dma_start3A = arith.constant 0 : i32
      %dma_start3A_51 = tpu.memref_slice %arg3[%arg0, %mul3A_44, %dma_start3A] : memref<2x10048x16xf32, #tpu.memory_space<hbm>> -> memref<1x624x16xf32, #tpu.memory_space<hbm>>
      %dma_start3A_52 = tpu.memref_squeeze %dma_start3A_51 : memref<1x624x16xf32, #tpu.memory_space<hbm>> -> memref<624x16xf32, #tpu.memory_space<hbm>>
      %dma_start3A_53 = arith.constant 0 : i32
      %dma_start3A_54 = tpu.memref_slice %arg7[%mul3A_42, %dma_start3A_53] : memref<10000x16xf32, #tpu.memory_space<vmem_shared>> -> memref<624x16xf32, #tpu.memory_space<vmem_shared>>
      tpu.enqueue_dma source(%dma_start3A_54 : memref<624x16xf32, #tpu.memory_space<vmem_shared>>) target(%dma_start3A_52 : memref<624x16xf32, #tpu.memory_space<hbm>>) target_semaphore(%run_scoped3A_50 : memref<!tpu.dma_semaphore, #tpu.memory_space<semaphore_mem>>)
      %dma_wait3A = arith.constant 0 : i32
      %dma_wait3A_55 = tpu.memref_slice %arg3[%arg0, %mul3A_44, %dma_wait3A] : memref<2x10048x16xf32, #tpu.memory_space<hbm>> -> memref<1x624x16xf32, #tpu.memory_space<hbm>>
      %dma_wait3A_56 = tpu.memref_squeeze %dma_wait3A_55 : memref<1x624x16xf32, #tpu.memory_space<hbm>> -> memref<624x16xf32, #tpu.memory_space<hbm>>
      %dma_wait3A_57 = arith.constant 0 : i32
      %dma_wait3A_58 = tpu.memref_slice %arg7[%mul3A_42, %dma_wait3A_57] : memref<10000x16xf32, #tpu.memory_space<vmem_shared>> -> memref<624x16xf32, #tpu.memory_space<vmem_shared>>
      tpu.wait_dma2 semaphore(%run_scoped3A_50 : memref<!tpu.dma_semaphore, #tpu.memory_space<semaphore_mem>>) src(%dma_wait3A_58 : memref<624x16xf32, #tpu.memory_space<vmem_shared>>) dst(%dma_wait3A_56 : memref<624x16xf32, #tpu.memory_space<hbm>>)
      tpu.yield
    }) : () -> ()
    %eq3A_45 = arith.constant 15 : i32
    %eq3A_46 = arith.cmpi eq, %arg1, %eq3A_45 : i32
    %convert_element_type3A_47 = arith.extui %eq3A_46 : i1 to i32
    %cond3A_48 = arith.constant 0 : i32
    %cond3A_49 = arith.cmpi ne, %convert_element_type3A_47, %cond3A_48 : i32
    scf.if %cond3A_49 {
      "tpu.region"() ({
        %run_scoped3A_50 = tpu.sem_alloc : memref<!tpu.dma_semaphore, #tpu.memory_space<semaphore_mem>>
        %dma_start3A = arith.constant 9984 : i32
        %dma_start3A_51 = arith.constant 0 : i32
        %dma_start3A_52 = tpu.memref_slice %arg3[%arg0, %dma_start3A, %dma_start3A_51] : memref<2x10048x16xf32, #tpu.memory_space<hbm>> -> memref<1x16x16xf32, #tpu.memory_space<hbm>>
        %dma_start3A_53 = tpu.memref_squeeze %dma_start3A_52 : memref<1x16x16xf32, #tpu.memory_space<hbm>> -> memref<16x16xf32, #tpu.memory_space<hbm>>
        %dma_start3A_54 = arith.constant 9984 : i32
        %dma_start3A_55 = arith.constant 0 : i32
        %dma_start3A_56 = tpu.memref_slice %arg7[%dma_start3A_54, %dma_start3A_55] : memref<10000x16xf32, #tpu.memory_space<vmem_shared>> -> memref<16x16xf32, #tpu.memory_space<vmem_shared>>
        tpu.enqueue_dma source(%dma_start3A_56 : memref<16x16xf32, #tpu.memory_space<vmem_shared>>) target(%dma_start3A_53 : memref<16x16xf32, #tpu.memory_space<hbm>>) target_semaphore(%run_scoped3A_50 : memref<!tpu.dma_semaphore, #tpu.memory_space<semaphore_mem>>)
        %dma_wait3A = arith.constant 9984 : i32
        %dma_wait3A_57 = arith.constant 0 : i32
        %dma_wait3A_58 = tpu.memref_slice %arg3[%arg0, %dma_wait3A, %dma_wait3A_57] : memref<2x10048x16xf32, #tpu.memory_space<hbm>> -> memref<1x16x16xf32, #tpu.memory_space<hbm>>
        %dma_wait3A_59 = tpu.memref_squeeze %dma_wait3A_58 : memref<1x16x16xf32, #tpu.memory_space<hbm>> -> memref<16x16xf32, #tpu.memory_space<hbm>>
        %dma_wait3A_60 = arith.constant 9984 : i32
        %dma_wait3A_61 = arith.constant 0 : i32
        %dma_wait3A_62 = tpu.memref_slice %arg7[%dma_wait3A_60, %dma_wait3A_61] : memref<10000x16xf32, #tpu.memory_space<vmem_shared>> -> memref<16x16xf32, #tpu.memory_space<vmem_shared>>
        tpu.wait_dma2 semaphore(%run_scoped3A_50 : memref<!tpu.dma_semaphore, #tpu.memory_space<semaphore_mem>>) src(%dma_wait3A_62 : memref<16x16xf32, #tpu.memory_space<vmem_shared>>) dst(%dma_wait3A_59 : memref<16x16xf32, #tpu.memory_space<hbm>>)
        tpu.yield
      }) : () -> ()
    } else {
    }
    return
  }
}

#map = affine_map<(d0, d1) -> (0, 0, 0)>
#map1 = affine_map<(d0, d1) -> (0, 0)>
module attributes {stable_mosaic.version = 14 : i64} {
  func.func @_segsum(%arg0: i32, %arg1: i32, %arg2: memref<2x2500x128xi32, #tpu.memory_space<hbm>>, %arg3: memref<10000x16xf32, #tpu.memory_space<hbm>>, %arg4: memref<2x10048x16xf32, #tpu.memory_space<hbm>>, %arg5: memref<79x128xi32, #tpu.memory_space<vmem>>, %arg6: memref<79x128xi32, #tpu.memory_space<vmem>>, %arg7: memref<128x16xf32, #tpu.memory_space<vmem>>, %arg8: memref<128x16xf32, #tpu.memory_space<vmem>>, %arg9: memref<128x16xf32, #tpu.memory_space<vmem>>, %arg10: memref<128x16xf32, #tpu.memory_space<vmem>>, %arg11: memref<128x16xf32, #tpu.memory_space<vmem>>, %arg12: memref<128x16xf32, #tpu.memory_space<vmem>>, %arg13: memref<128x16xf32, #tpu.memory_space<vmem>>, %arg14: memref<128x16xf32, #tpu.memory_space<vmem>>, %arg15: memref<128x16xf32, #tpu.memory_space<vmem>>, %arg16: memref<128x16xf32, #tpu.memory_space<vmem>>, %arg17: memref<128x16xf32, #tpu.memory_space<vmem>>, %arg18: memref<128x16xf32, #tpu.memory_space<vmem>>, %arg19: memref<128x16xf32, #tpu.memory_space<vmem>>, %arg20: memref<128x16xf32, #tpu.memory_space<vmem>>, %arg21: memref<128x16xf32, #tpu.memory_space<vmem>>, %arg22: memref<128x16xf32, #tpu.memory_space<vmem>>, %arg23: memref<128x16xf32, #tpu.memory_space<vmem>>, %arg24: memref<128x16xf32, #tpu.memory_space<vmem>>, %arg25: memref<128x16xf32, #tpu.memory_space<vmem>>, %arg26: memref<128x16xf32, #tpu.memory_space<vmem>>, %arg27: memref<128x16xf32, #tpu.memory_space<vmem>>, %arg28: memref<128x16xf32, #tpu.memory_space<vmem>>, %arg29: memref<128x16xf32, #tpu.memory_space<vmem>>, %arg30: memref<128x16xf32, #tpu.memory_space<vmem>>, %arg31: memref<128x16xf32, #tpu.memory_space<vmem>>, %arg32: memref<128x16xf32, #tpu.memory_space<vmem>>, %arg33: memref<624x16xf32, #tpu.memory_space<vmem>>, %arg34: memref<10000x16xf32, #tpu.memory_space<vmem_shared>>, %arg35: memref<!tpu.dma_semaphore, #tpu.memory_space<semaphore_mem>>, %arg36: memref<!tpu.dma_semaphore, #tpu.memory_space<semaphore_mem>>, %arg37: memref<!tpu.dma_semaphore, #tpu.memory_space<semaphore_mem>>, %arg38: memref<!tpu.dma_semaphore, #tpu.memory_space<semaphore_mem>>, %arg39: memref<!tpu.dma_semaphore, #tpu.memory_space<semaphore_mem>>, %arg40: memref<!tpu.dma_semaphore, #tpu.memory_space<semaphore_mem>>, %arg41: memref<!tpu.dma_semaphore, #tpu.memory_space<semaphore_mem>>, %arg42: memref<!tpu.dma_semaphore, #tpu.memory_space<semaphore_mem>>, %arg43: memref<!tpu.dma_semaphore, #tpu.memory_space<semaphore_mem>>, %arg44: memref<!tpu.dma_semaphore, #tpu.memory_space<semaphore_mem>>, %arg45: memref<!tpu.dma_semaphore, #tpu.memory_space<semaphore_mem>>, %arg46: memref<!tpu.dma_semaphore, #tpu.memory_space<semaphore_mem>>, %arg47: memref<!tpu.dma_semaphore, #tpu.memory_space<semaphore_mem>>, %arg48: memref<!tpu.dma_semaphore, #tpu.memory_space<semaphore_mem>>, %arg49: memref<!tpu.dma_semaphore, #tpu.memory_space<semaphore_mem>>, %arg50: memref<!tpu.dma_semaphore, #tpu.memory_space<semaphore_mem>>, %arg51: memref<!tpu.dma_semaphore, #tpu.memory_space<semaphore_mem>>, %arg52: memref<!tpu.dma_semaphore, #tpu.memory_space<semaphore_mem>>, %arg53: memref<!tpu.dma_semaphore, #tpu.memory_space<semaphore_mem>>, %arg54: memref<!tpu.dma_semaphore, #tpu.memory_space<semaphore_mem>>, %arg55: memref<!tpu.dma_semaphore, #tpu.memory_space<semaphore_mem>>, %arg56: memref<!tpu.dma_semaphore, #tpu.memory_space<semaphore_mem>>, %arg57: memref<!tpu.dma_semaphore, #tpu.memory_space<semaphore_mem>>, %arg58: memref<!tpu.dma_semaphore, #tpu.memory_space<semaphore_mem>>, %arg59: memref<!tpu.dma_semaphore, #tpu.memory_space<semaphore_mem>>, %arg60: memref<!tpu.dma_semaphore, #tpu.memory_space<semaphore_mem>>) attributes {dimension_semantics = [#tpu.dimension_semantics<core_parallel>, #tpu.dimension_semantics<subcore_parallel>], iteration_bounds = array<i64: 2, 16>, scalar_prefetch = 0 : i64, scratch_operands = 56 : i64, tpu.core_type = #tpu.core_type<sc_vector_subcore>, window_params = [{transform_indices = #map}, {transform_indices = #map1}, {transform_indices = #map}]} {
    %mul3A = arith.constant 2 : i32
    %mul3A_0 = arith.muli %arg1, %mul3A : i32
    %add3A = arith.addi %mul3A_0, %arg0 : i32
    %scan3A = arith.constant 0 : i32
    %scan3A_1 = arith.constant 624 : i32
    %scan3A_2 = arith.addi %scan3A, %scan3A_1 : i32
    %scan3A_3 = arith.constant 1 : i32
    scf.for %scan3A_396 = %scan3A to %scan3A_2 step %scan3A_3  : i32 {
      %mul3A_397 = arith.constant 1 : i32
      %mul3A_398 = arith.muli %scan3A_396, %mul3A_397 : i32
      %add3A_399 = arith.constant 0 : i32
      %add3A_400 = arith.addi %add3A_399, %mul3A_398 : i32
      %broadcast_in_dim3A = arith.constant 0.000000e+00 : f32
      %broadcast_in_dim3A_401 = vector.broadcast %broadcast_in_dim3A : f32 to vector<16xf32>
      %swap3A = arith.index_cast %add3A_400 : i32 to index
      %swap3A_402 = arith.constant 0 : index
      %swap3A_403 = tpu.vector_load %arg33[%swap3A, %swap3A_402] {strides = array<i32>} : memref<624x16xf32, #tpu.memory_space<vmem>>, vector<1x16xf32>,
      %swap3A_404 = vector.shape_cast %swap3A_403 : vector<1x16xf32> to vector<16xf32>
      %swap3A_405 = vector.shape_cast %broadcast_in_dim3A_401 : vector<16xf32> to vector<1x16xf32>
      tpu.vector_store %arg33[%swap3A, %swap3A_402], %swap3A_405 {strides = array<i32>} : memref<624x16xf32, #tpu.memory_space<vmem>>, vector<1x16xf32>,
    }
    %scan3A_4 = arith.constant 624 : i32
    %mul3A_5 = arith.constant 78 : i32
    %mul3A_6 = arith.muli %add3A, %mul3A_5 : i32
    %run_scoped3A = arith.constant 0 : i32
    "tpu.region"() ({
      %run_scoped3A_396 = tpu.sem_alloc : memref<!tpu.dma_semaphore, #tpu.memory_space<semaphore_mem>>
      %dma_start3A_397 = arith.constant 0 : i32
      %dma_start3A_398 = arith.constant 0 : i32
      %dma_start3A_399 = tpu.memref_slice %arg5[%dma_start3A_397, %dma_start3A_398] : memref<79x128xi32, #tpu.memory_space<vmem>> -> memref<78x128xi32, #tpu.memory_space<vmem>>
      %dma_start3A_400 = arith.constant 0 : i32
      %dma_start3A_401 = tpu.memref_slice %arg2[%run_scoped3A, %mul3A_6, %dma_start3A_400] : memref<2x2500x128xi32, #tpu.memory_space<hbm>> -> memref<1x78x128xi32, #tpu.memory_space<hbm>>
      %dma_start3A_402 = tpu.memref_squeeze %dma_start3A_401 : memref<1x78x128xi32, #tpu.memory_space<hbm>> -> memref<78x128xi32, #tpu.memory_space<hbm>>
      %dma_start3A_403 = arith.constant 0 : i32
      %dma_start3A_404 = arith.constant 0 : i32
      %dma_start3A_405 = tpu.memref_slice %arg5[%dma_start3A_403, %dma_start3A_404] : memref<79x128xi32, #tpu.memory_space<vmem>> -> memref<78x128xi32, #tpu.memory_space<vmem>>
      %dma_start3A_406 = arith.constant 0 : i32
      %dma_start3A_407 = tpu.memref_slice %arg2[%run_scoped3A, %mul3A_6, %dma_start3A_406] : memref<2x2500x128xi32, #tpu.memory_space<hbm>> -> memref<1x78x128xi32, #tpu.memory_space<hbm>>
      %dma_start3A_408 = tpu.memref_squeeze %dma_start3A_407 : memref<1x78x128xi32, #tpu.memory_space<hbm>> -> memref<78x128xi32, #tpu.memory_space<hbm>>
      tpu.enqueue_dma source(%dma_start3A_408 : memref<78x128xi32, #tpu.memory_space<hbm>>) target(%dma_start3A_405 : memref<78x128xi32, #tpu.memory_space<vmem>>) target_semaphore(%run_scoped3A_396 : memref<!tpu.dma_semaphore, #tpu.memory_space<semaphore_mem>>)
      %dma_wait3A_409 = arith.constant 0 : i32
      %dma_wait3A_410 = arith.constant 0 : i32
      %dma_wait3A_411 = tpu.memref_slice %arg5[%dma_wait3A_409, %dma_wait3A_410] : memref<79x128xi32, #tpu.memory_space<vmem>> -> memref<78x128xi32, #tpu.memory_space<vmem>>
      %dma_wait3A_412 = arith.constant 0 : i32
      %dma_wait3A_413 = tpu.memref_slice %arg2[%run_scoped3A, %mul3A_6, %dma_wait3A_412] : memref<2x2500x128xi32, #tpu.memory_space<hbm>> -> memref<1x78x128xi32, #tpu.memory_space<hbm>>
      %dma_wait3A_414 = tpu.memref_squeeze %dma_wait3A_413 : memref<1x78x128xi32, #tpu.memory_space<hbm>> -> memref<78x128xi32, #tpu.memory_space<hbm>>
      %dma_wait3A_415 = arith.constant 0 : i32
      %dma_wait3A_416 = arith.constant 0 : i32
      %dma_wait3A_417 = tpu.memref_slice %arg5[%dma_wait3A_415, %dma_wait3A_416] : memref<79x128xi32, #tpu.memory_space<vmem>> -> memref<78x128xi32, #tpu.memory_space<vmem>>
      %dma_wait3A_418 = arith.constant 0 : i32
      %dma_wait3A_419 = tpu.memref_slice %arg2[%run_scoped3A, %mul3A_6, %dma_wait3A_418] : memref<2x2500x128xi32, #tpu.memory_space<hbm>> -> memref<1x78x128xi32, #tpu.memory_space<hbm>>
      %dma_wait3A_420 = tpu.memref_squeeze %dma_wait3A_419 : memref<1x78x128xi32, #tpu.memory_space<hbm>> -> memref<78x128xi32, #tpu.memory_space<hbm>>
      tpu.wait_dma2 semaphore(%run_scoped3A_396 : memref<!tpu.dma_semaphore, #tpu.memory_space<semaphore_mem>>) src(%dma_wait3A_420 : memref<78x128xi32, #tpu.memory_space<hbm>>) dst(%dma_wait3A_417 : memref<78x128xi32, #tpu.memory_space<vmem>>)
      tpu.yield
    }) : () -> ()
    %mul3A_7 = arith.constant 78 : i32
    %mul3A_8 = arith.muli %add3A, %mul3A_7 : i32
    %run_scoped3A_9 = arith.constant 1 : i32
    "tpu.region"() ({
      %run_scoped3A_396 = tpu.sem_alloc : memref<!tpu.dma_semaphore, #tpu.memory_space<semaphore_mem>>
      %dma_start3A_397 = arith.constant 0 : i32
      %dma_start3A_398 = arith.constant 0 : i32
      %dma_start3A_399 = tpu.memref_slice %arg6[%dma_start3A_397, %dma_start3A_398] : memref<79x128xi32, #tpu.memory_space<vmem>> -> memref<78x128xi32, #tpu.memory_space<vmem>>
      %dma_start3A_400 = arith.constant 0 : i32
      %dma_start3A_401 = tpu.memref_slice %arg2[%run_scoped3A_9, %mul3A_8, %dma_start3A_400] : memref<2x2500x128xi32, #tpu.memory_space<hbm>> -> memref<1x78x128xi32, #tpu.memory_space<hbm>>
      %dma_start3A_402 = tpu.memref_squeeze %dma_start3A_401 : memref<1x78x128xi32, #tpu.memory_space<hbm>> -> memref<78x128xi32, #tpu.memory_space<hbm>>
      %dma_start3A_403 = arith.constant 0 : i32
      %dma_start3A_404 = arith.constant 0 : i32
      %dma_start3A_405 = tpu.memref_slice %arg6[%dma_start3A_403, %dma_start3A_404] : memref<79x128xi32, #tpu.memory_space<vmem>> -> memref<78x128xi32, #tpu.memory_space<vmem>>
      %dma_start3A_406 = arith.constant 0 : i32
      %dma_start3A_407 = tpu.memref_slice %arg2[%run_scoped3A_9, %mul3A_8, %dma_start3A_406] : memref<2x2500x128xi32, #tpu.memory_space<hbm>> -> memref<1x78x128xi32, #tpu.memory_space<hbm>>
      %dma_start3A_408 = tpu.memref_squeeze %dma_start3A_407 : memref<1x78x128xi32, #tpu.memory_space<hbm>> -> memref<78x128xi32, #tpu.memory_space<hbm>>
      tpu.enqueue_dma source(%dma_start3A_408 : memref<78x128xi32, #tpu.memory_space<hbm>>) target(%dma_start3A_405 : memref<78x128xi32, #tpu.memory_space<vmem>>) target_semaphore(%run_scoped3A_396 : memref<!tpu.dma_semaphore, #tpu.memory_space<semaphore_mem>>)
      %dma_wait3A_409 = arith.constant 0 : i32
      %dma_wait3A_410 = arith.constant 0 : i32
      %dma_wait3A_411 = tpu.memref_slice %arg6[%dma_wait3A_409, %dma_wait3A_410] : memref<79x128xi32, #tpu.memory_space<vmem>> -> memref<78x128xi32, #tpu.memory_space<vmem>>
      %dma_wait3A_412 = arith.constant 0 : i32
      %dma_wait3A_413 = tpu.memref_slice %arg2[%run_scoped3A_9, %mul3A_8, %dma_wait3A_412] : memref<2x2500x128xi32, #tpu.memory_space<hbm>> -> memref<1x78x128xi32, #tpu.memory_space<hbm>>
      %dma_wait3A_414 = tpu.memref_squeeze %dma_wait3A_413 : memref<1x78x128xi32, #tpu.memory_space<hbm>> -> memref<78x128xi32, #tpu.memory_space<hbm>>
      %dma_wait3A_415 = arith.constant 0 : i32
      %dma_wait3A_416 = arith.constant 0 : i32
      %dma_wait3A_417 = tpu.memref_slice %arg6[%dma_wait3A_415, %dma_wait3A_416] : memref<79x128xi32, #tpu.memory_space<vmem>> -> memref<78x128xi32, #tpu.memory_space<vmem>>
      %dma_wait3A_418 = arith.constant 0 : i32
      %dma_wait3A_419 = tpu.memref_slice %arg2[%run_scoped3A_9, %mul3A_8, %dma_wait3A_418] : memref<2x2500x128xi32, #tpu.memory_space<hbm>> -> memref<1x78x128xi32, #tpu.memory_space<hbm>>
      %dma_wait3A_420 = tpu.memref_squeeze %dma_wait3A_419 : memref<1x78x128xi32, #tpu.memory_space<hbm>> -> memref<78x128xi32, #tpu.memory_space<hbm>>
      tpu.wait_dma2 semaphore(%run_scoped3A_396 : memref<!tpu.dma_semaphore, #tpu.memory_space<semaphore_mem>>) src(%dma_wait3A_420 : memref<78x128xi32, #tpu.memory_space<hbm>>) dst(%dma_wait3A_417 : memref<78x128xi32, #tpu.memory_space<vmem>>)
      tpu.yield
    }) : () -> ()
    %lt3A = arith.constant 4 : i32
    %lt3A_10 = arith.cmpi slt, %add3A, %lt3A : i32
    %convert_element_type3A = arith.extui %lt3A_10 : i1 to i32
    %cond3A = arith.constant 0 : i32
    %cond3A_11 = arith.cmpi ne, %convert_element_type3A, %cond3A : i32
    scf.if %cond3A_11 {
      %add3A_396 = arith.constant 2496 : i32
      %add3A_397 = arith.addi %add3A_396, %add3A : i32
      %run_scoped3A_398 = arith.constant 0 : i32
      "tpu.region"() ({
        %run_scoped3A_402 = tpu.sem_alloc : memref<!tpu.dma_semaphore, #tpu.memory_space<semaphore_mem>>
        %dma_start3A_403 = arith.constant 78 : i32
        %dma_start3A_404 = arith.constant 0 : i32
        %dma_start3A_405 = tpu.memref_slice %arg5[%dma_start3A_403, %dma_start3A_404] : memref<79x128xi32, #tpu.memory_space<vmem>> -> memref<1x128xi32, #tpu.memory_space<vmem>>
        %dma_start3A_406 = arith.constant 0 : i32
        %dma_start3A_407 = tpu.memref_slice %arg2[%run_scoped3A_398, %add3A_397, %dma_start3A_406] : memref<2x2500x128xi32, #tpu.memory_space<hbm>> -> memref<1x1x128xi32, #tpu.memory_space<hbm>>
        %dma_start3A_408 = tpu.memref_squeeze %dma_start3A_407 : memref<1x1x128xi32, #tpu.memory_space<hbm>> -> memref<1x128xi32, #tpu.memory_space<hbm>>
        %dma_start3A_409 = arith.constant 78 : i32
        %dma_start3A_410 = arith.constant 0 : i32
        %dma_start3A_411 = tpu.memref_slice %arg5[%dma_start3A_409, %dma_start3A_410] : memref<79x128xi32, #tpu.memory_space<vmem>> -> memref<1x128xi32, #tpu.memory_space<vmem>>
        %dma_start3A_412 = arith.constant 0 : i32
        %dma_start3A_413 = tpu.memref_slice %arg2[%run_scoped3A_398, %add3A_397, %dma_start3A_412] : memref<2x2500x128xi32, #tpu.memory_space<hbm>> -> memref<1x1x128xi32, #tpu.memory_space<hbm>>
        %dma_start3A_414 = tpu.memref_squeeze %dma_start3A_413 : memref<1x1x128xi32, #tpu.memory_space<hbm>> -> memref<1x128xi32, #tpu.memory_space<hbm>>
        tpu.enqueue_dma source(%dma_start3A_414 : memref<1x128xi32, #tpu.memory_space<hbm>>) target(%dma_start3A_411 : memref<1x128xi32, #tpu.memory_space<vmem>>) target_semaphore(%run_scoped3A_402 : memref<!tpu.dma_semaphore, #tpu.memory_space<semaphore_mem>>)
        %dma_wait3A_415 = arith.constant 78 : i32
        %dma_wait3A_416 = arith.constant 0 : i32
        %dma_wait3A_417 = tpu.memref_slice %arg5[%dma_wait3A_415, %dma_wait3A_416] : memref<79x128xi32, #tpu.memory_space<vmem>> -> memref<1x128xi32, #tpu.memory_space<vmem>>
        %dma_wait3A_418 = arith.constant 0 : i32
        %dma_wait3A_419 = tpu.memref_slice %arg2[%run_scoped3A_398, %add3A_397, %dma_wait3A_418] : memref<2x2500x128xi32, #tpu.memory_space<hbm>> -> memref<1x1x128xi32, #tpu.memory_space<hbm>>
        %dma_wait3A_420 = tpu.memref_squeeze %dma_wait3A_419 : memref<1x1x128xi32, #tpu.memory_space<hbm>> -> memref<1x128xi32, #tpu.memory_space<hbm>>
        %dma_wait3A_421 = arith.constant 78 : i32
        %dma_wait3A_422 = arith.constant 0 : i32
        %dma_wait3A_423 = tpu.memref_slice %arg5[%dma_wait3A_421, %dma_wait3A_422] : memref<79x128xi32, #tpu.memory_space<vmem>> -> memref<1x128xi32, #tpu.memory_space<vmem>>
        %dma_wait3A_424 = arith.constant 0 : i32
        %dma_wait3A_425 = tpu.memref_slice %arg2[%run_scoped3A_398, %add3A_397, %dma_wait3A_424] : memref<2x2500x128xi32, #tpu.memory_space<hbm>> -> memref<1x1x128xi32, #tpu.memory_space<hbm>>
        %dma_wait3A_426 = tpu.memref_squeeze %dma_wait3A_425 : memref<1x1x128xi32, #tpu.memory_space<hbm>> -> memref<1x128xi32, #tpu.memory_space<hbm>>
        tpu.wait_dma2 semaphore(%run_scoped3A_402 : memref<!tpu.dma_semaphore, #tpu.memory_space<semaphore_mem>>) src(%dma_wait3A_426 : memref<1x128xi32, #tpu.memory_space<hbm>>) dst(%dma_wait3A_423 : memref<1x128xi32, #tpu.memory_space<vmem>>)
        tpu.yield
      }) : () -> ()
      %add3A_399 = arith.constant 2496 : i32
      %add3A_400 = arith.addi %add3A_399, %add3A : i32
      %run_scoped3A_401 = arith.constant 1 : i32
      "tpu.region"() ({
        %run_scoped3A_402 = tpu.sem_alloc : memref<!tpu.dma_semaphore, #tpu.memory_space<semaphore_mem>>
        %dma_start3A_403 = arith.constant 78 : i32
        %dma_start3A_404 = arith.constant 0 : i32
        %dma_start3A_405 = tpu.memref_slice %arg6[%dma_start3A_403, %dma_start3A_404] : memref<79x128xi32, #tpu.memory_space<vmem>> -> memref<1x128xi32, #tpu.memory_space<vmem>>
        %dma_start3A_406 = arith.constant 0 : i32
        %dma_start3A_407 = tpu.memref_slice %arg2[%run_scoped3A_401, %add3A_400, %dma_start3A_406] : memref<2x2500x128xi32, #tpu.memory_space<hbm>> -> memref<1x1x128xi32, #tpu.memory_space<hbm>>
        %dma_start3A_408 = tpu.memref_squeeze %dma_start3A_407 : memref<1x1x128xi32, #tpu.memory_space<hbm>> -> memref<1x128xi32, #tpu.memory_space<hbm>>
        %dma_start3A_409 = arith.constant 78 : i32
        %dma_start3A_410 = arith.constant 0 : i32
        %dma_start3A_411 = tpu.memref_slice %arg6[%dma_start3A_409, %dma_start3A_410] : memref<79x128xi32, #tpu.memory_space<vmem>> -> memref<1x128xi32, #tpu.memory_space<vmem>>
        %dma_start3A_412 = arith.constant 0 : i32
        %dma_start3A_413 = tpu.memref_slice %arg2[%run_scoped3A_401, %add3A_400, %dma_start3A_412] : memref<2x2500x128xi32, #tpu.memory_space<hbm>> -> memref<1x1x128xi32, #tpu.memory_space<hbm>>
        %dma_start3A_414 = tpu.memref_squeeze %dma_start3A_413 : memref<1x1x128xi32, #tpu.memory_space<hbm>> -> memref<1x128xi32, #tpu.memory_space<hbm>>
        tpu.enqueue_dma source(%dma_start3A_414 : memref<1x128xi32, #tpu.memory_space<hbm>>) target(%dma_start3A_411 : memref<1x128xi32, #tpu.memory_space<vmem>>) target_semaphore(%run_scoped3A_402 : memref<!tpu.dma_semaphore, #tpu.memory_space<semaphore_mem>>)
        %dma_wait3A_415 = arith.constant 78 : i32
        %dma_wait3A_416 = arith.constant 0 : i32
        %dma_wait3A_417 = tpu.memref_slice %arg6[%dma_wait3A_415, %dma_wait3A_416] : memref<79x128xi32, #tpu.memory_space<vmem>> -> memref<1x128xi32, #tpu.memory_space<vmem>>
        %dma_wait3A_418 = arith.constant 0 : i32
        %dma_wait3A_419 = tpu.memref_slice %arg2[%run_scoped3A_401, %add3A_400, %dma_wait3A_418] : memref<2x2500x128xi32, #tpu.memory_space<hbm>> -> memref<1x1x128xi32, #tpu.memory_space<hbm>>
        %dma_wait3A_420 = tpu.memref_squeeze %dma_wait3A_419 : memref<1x1x128xi32, #tpu.memory_space<hbm>> -> memref<1x128xi32, #tpu.memory_space<hbm>>
        %dma_wait3A_421 = arith.constant 78 : i32
        %dma_wait3A_422 = arith.constant 0 : i32
        %dma_wait3A_423 = tpu.memref_slice %arg6[%dma_wait3A_421, %dma_wait3A_422] : memref<79x128xi32, #tpu.memory_space<vmem>> -> memref<1x128xi32, #tpu.memory_space<vmem>>
        %dma_wait3A_424 = arith.constant 0 : i32
        %dma_wait3A_425 = tpu.memref_slice %arg2[%run_scoped3A_401, %add3A_400, %dma_wait3A_424] : memref<2x2500x128xi32, #tpu.memory_space<hbm>> -> memref<1x1x128xi32, #tpu.memory_space<hbm>>
        %dma_wait3A_426 = tpu.memref_squeeze %dma_wait3A_425 : memref<1x1x128xi32, #tpu.memory_space<hbm>> -> memref<1x128xi32, #tpu.memory_space<hbm>>
        tpu.wait_dma2 semaphore(%run_scoped3A_402 : memref<!tpu.dma_semaphore, #tpu.memory_space<semaphore_mem>>) src(%dma_wait3A_426 : memref<1x128xi32, #tpu.memory_space<hbm>>) dst(%dma_wait3A_423 : memref<1x128xi32, #tpu.memory_space<vmem>>)
        tpu.yield
      }) : () -> ()
    } else {
    }
    %mul3A_12 = arith.constant 624 : i32
    %mul3A_13 = arith.muli %arg1, %mul3A_12 : i32
    "tpu.region"() ({
      %run_scoped3A_396 = tpu.sem_alloc : memref<!tpu.dma_semaphore, #tpu.memory_space<semaphore_mem>>
      %dma_start3A_397 = arith.constant 0 : i32
      %dma_start3A_398 = tpu.memref_slice %arg34[%mul3A_13, %dma_start3A_397] : memref<10000x16xf32, #tpu.memory_space<vmem_shared>> -> memref<624x16xf32, #tpu.memory_space<vmem_shared>>
      %dma_start3A_399 = arith.constant 0 : i32
      %dma_start3A_400 = tpu.memref_slice %arg34[%mul3A_13, %dma_start3A_399] : memref<10000x16xf32, #tpu.memory_space<vmem_shared>> -> memref<624x16xf32, #tpu.memory_space<vmem_shared>>
      tpu.enqueue_dma source(%arg33 : memref<624x16xf32, #tpu.memory_space<vmem>>) target(%dma_start3A_400 : memref<624x16xf32, #tpu.memory_space<vmem_shared>>) target_semaphore(%run_scoped3A_396 : memref<!tpu.dma_semaphore, #tpu.memory_space<semaphore_mem>>)
      %dma_wait3A_401 = arith.constant 0 : i32
      %dma_wait3A_402 = tpu.memref_slice %arg34[%mul3A_13, %dma_wait3A_401] : memref<10000x16xf32, #tpu.memory_space<vmem_shared>> -> memref<624x16xf32, #tpu.memory_space<vmem_shared>>
      %dma_wait3A_403 = arith.constant 0 : i32
      %dma_wait3A_404 = tpu.memref_slice %arg34[%mul3A_13, %dma_wait3A_403] : memref<10000x16xf32, #tpu.memory_space<vmem_shared>> -> memref<624x16xf32, #tpu.memory_space<vmem_shared>>
      tpu.wait_dma2 semaphore(%run_scoped3A_396 : memref<!tpu.dma_semaphore, #tpu.memory_space<semaphore_mem>>) src(%arg33 : memref<624x16xf32, #tpu.memory_space<vmem>>) dst(%dma_wait3A_404 : memref<624x16xf32, #tpu.memory_space<vmem_shared>>)
      tpu.yield
    }) : () -> ()
    %eq3A = arith.constant 15 : i32
    %eq3A_14 = arith.cmpi eq, %arg1, %eq3A : i32
    %convert_element_type3A_15 = arith.extui %eq3A_14 : i1 to i32
    %cond3A_16 = arith.constant 0 : i32
    %cond3A_17 = arith.cmpi ne, %convert_element_type3A_15, %cond3A_16 : i32
    scf.if %cond3A_17 {
      "tpu.region"() ({
        %run_scoped3A_396 = tpu.sem_alloc : memref<!tpu.dma_semaphore, #tpu.memory_space<semaphore_mem>>
        %dma_start3A_397 = arith.constant 0 : i32
        %dma_start3A_398 = arith.constant 0 : i32
        %dma_start3A_399 = tpu.memref_slice %arg33[%dma_start3A_397, %dma_start3A_398] : memref<624x16xf32, #tpu.memory_space<vmem>> -> memref<16x16xf32, #tpu.memory_space<vmem>>
        %dma_start3A_400 = arith.constant 9984 : i32
        %dma_start3A_401 = arith.constant 0 : i32
        %dma_start3A_402 = tpu.memref_slice %arg34[%dma_start3A_400, %dma_start3A_401] : memref<10000x16xf32, #tpu.memory_space<vmem_shared>> -> memref<16x16xf32, #tpu.memory_space<vmem_shared>>
        %dma_start3A_403 = arith.constant 9984 : i32
        %dma_start3A_404 = arith.constant 0 : i32
        %dma_start3A_405 = tpu.memref_slice %arg34[%dma_start3A_403, %dma_start3A_404] : memref<10000x16xf32, #tpu.memory_space<vmem_shared>> -> memref<16x16xf32, #tpu.memory_space<vmem_shared>>
        %dma_start3A_406 = arith.constant 0 : i32
        %dma_start3A_407 = arith.constant 0 : i32
        %dma_start3A_408 = tpu.memref_slice %arg33[%dma_start3A_406, %dma_start3A_407] : memref<624x16xf32, #tpu.memory_space<vmem>> -> memref<16x16xf32, #tpu.memory_space<vmem>>
        tpu.enqueue_dma source(%dma_start3A_408 : memref<16x16xf32, #tpu.memory_space<vmem>>) target(%dma_start3A_405 : memref<16x16xf32, #tpu.memory_space<vmem_shared>>) target_semaphore(%run_scoped3A_396 : memref<!tpu.dma_semaphore, #tpu.memory_space<semaphore_mem>>)
        %dma_wait3A_409 = arith.constant 0 : i32
        %dma_wait3A_410 = arith.constant 0 : i32
        %dma_wait3A_411 = tpu.memref_slice %arg33[%dma_wait3A_409, %dma_wait3A_410] : memref<624x16xf32, #tpu.memory_space<vmem>> -> memref<16x16xf32, #tpu.memory_space<vmem>>
        %dma_wait3A_412 = arith.constant 9984 : i32
        %dma_wait3A_413 = arith.constant 0 : i32
        %dma_wait3A_414 = tpu.memref_slice %arg34[%dma_wait3A_412, %dma_wait3A_413] : memref<10000x16xf32, #tpu.memory_space<vmem_shared>> -> memref<16x16xf32, #tpu.memory_space<vmem_shared>>
        %dma_wait3A_415 = arith.constant 9984 : i32
        %dma_wait3A_416 = arith.constant 0 : i32
        %dma_wait3A_417 = tpu.memref_slice %arg34[%dma_wait3A_415, %dma_wait3A_416] : memref<10000x16xf32, #tpu.memory_space<vmem_shared>> -> memref<16x16xf32, #tpu.memory_space<vmem_shared>>
        %dma_wait3A_418 = arith.constant 0 : i32
        %dma_wait3A_419 = arith.constant 0 : i32
        %dma_wait3A_420 = tpu.memref_slice %arg33[%dma_wait3A_418, %dma_wait3A_419] : memref<624x16xf32, #tpu.memory_space<vmem>> -> memref<16x16xf32, #tpu.memory_space<vmem>>
        tpu.wait_dma2 semaphore(%run_scoped3A_396 : memref<!tpu.dma_semaphore, #tpu.memory_space<semaphore_mem>>) src(%dma_wait3A_420 : memref<16x16xf32, #tpu.memory_space<vmem>>) dst(%dma_wait3A_417 : memref<16x16xf32, #tpu.memory_space<vmem_shared>>)
        tpu.yield
      }) : () -> ()
    } else {
    }
    %barrier3A = arith.constant 0 : index
    tpu.barrier barrier_id(%barrier3A)
    %dma_start3A = arith.constant 0 : i32
    %dma_start3A_18 = arith.constant 0 : i32
    %dma_start3A_19 = tpu.memref_slice %arg5[%dma_start3A, %dma_start3A_18] : memref<79x128xi32, #tpu.memory_space<vmem>> -> memref<1x128xi32, #tpu.memory_space<vmem>>
    %dma_start3A_20 = tpu.memref_squeeze %dma_start3A_19 : memref<1x128xi32, #tpu.memory_space<vmem>> -> memref<128xi32, #tpu.memory_space<vmem>>
    %dma_start3A_21 = arith.constant 0 : i32
    %dma_start3A_22 = arith.constant 0 : i32
    %dma_start3A_23 = tpu.memref_slice %arg3[%dma_start3A_21, %dma_start3A_22] : memref<10000x16xf32, #tpu.memory_space<hbm>> -> memref<10000x16xf32, #tpu.memory_space<hbm>>
    tpu.enqueue_indirect_dma source(%dma_start3A_23 : memref<10000x16xf32, #tpu.memory_space<hbm>>) target(%arg7 : memref<128x16xf32, #tpu.memory_space<vmem>>) offsets(%dma_start3A_20 : memref<128xi32, #tpu.memory_space<vmem>>) semaphore(%arg35 : memref<!tpu.dma_semaphore, #tpu.memory_space<semaphore_mem>>)
    %dma_start3A_24 = arith.constant 1 : i32
    %dma_start3A_25 = arith.constant 0 : i32
    %dma_start3A_26 = tpu.memref_slice %arg5[%dma_start3A_24, %dma_start3A_25] : memref<79x128xi32, #tpu.memory_space<vmem>> -> memref<1x128xi32, #tpu.memory_space<vmem>>
    %dma_start3A_27 = tpu.memref_squeeze %dma_start3A_26 : memref<1x128xi32, #tpu.memory_space<vmem>> -> memref<128xi32, #tpu.memory_space<vmem>>
    %dma_start3A_28 = arith.constant 0 : i32
    %dma_start3A_29 = arith.constant 0 : i32
    %dma_start3A_30 = tpu.memref_slice %arg3[%dma_start3A_28, %dma_start3A_29] : memref<10000x16xf32, #tpu.memory_space<hbm>> -> memref<10000x16xf32, #tpu.memory_space<hbm>>
    tpu.enqueue_indirect_dma source(%dma_start3A_30 : memref<10000x16xf32, #tpu.memory_space<hbm>>) target(%arg8 : memref<128x16xf32, #tpu.memory_space<vmem>>) offsets(%dma_start3A_27 : memref<128xi32, #tpu.memory_space<vmem>>) semaphore(%arg36 : memref<!tpu.dma_semaphore, #tpu.memory_space<semaphore_mem>>)
    %dma_start3A_31 = arith.constant 2 : i32
    %dma_start3A_32 = arith.constant 0 : i32
    %dma_start3A_33 = tpu.memref_slice %arg5[%dma_start3A_31, %dma_start3A_32] : memref<79x128xi32, #tpu.memory_space<vmem>> -> memref<1x128xi32, #tpu.memory_space<vmem>>
    %dma_start3A_34 = tpu.memref_squeeze %dma_start3A_33 : memref<1x128xi32, #tpu.memory_space<vmem>> -> memref<128xi32, #tpu.memory_space<vmem>>
    %dma_start3A_35 = arith.constant 0 : i32
    %dma_start3A_36 = arith.constant 0 : i32
    %dma_start3A_37 = tpu.memref_slice %arg3[%dma_start3A_35, %dma_start3A_36] : memref<10000x16xf32, #tpu.memory_space<hbm>> -> memref<10000x16xf32, #tpu.memory_space<hbm>>
    tpu.enqueue_indirect_dma source(%dma_start3A_37 : memref<10000x16xf32, #tpu.memory_space<hbm>>) target(%arg9 : memref<128x16xf32, #tpu.memory_space<vmem>>) offsets(%dma_start3A_34 : memref<128xi32, #tpu.memory_space<vmem>>) semaphore(%arg37 : memref<!tpu.dma_semaphore, #tpu.memory_space<semaphore_mem>>)
    %dma_start3A_38 = arith.constant 3 : i32
    %dma_start3A_39 = arith.constant 0 : i32
    %dma_start3A_40 = tpu.memref_slice %arg5[%dma_start3A_38, %dma_start3A_39] : memref<79x128xi32, #tpu.memory_space<vmem>> -> memref<1x128xi32, #tpu.memory_space<vmem>>
    %dma_start3A_41 = tpu.memref_squeeze %dma_start3A_40 : memref<1x128xi32, #tpu.memory_space<vmem>> -> memref<128xi32, #tpu.memory_space<vmem>>
    %dma_start3A_42 = arith.constant 0 : i32
    %dma_start3A_43 = arith.constant 0 : i32
    %dma_start3A_44 = tpu.memref_slice %arg3[%dma_start3A_42, %dma_start3A_43] : memref<10000x16xf32, #tpu.memory_space<hbm>> -> memref<10000x16xf32, #tpu.memory_space<hbm>>
    tpu.enqueue_indirect_dma source(%dma_start3A_44 : memref<10000x16xf32, #tpu.memory_space<hbm>>) target(%arg10 : memref<128x16xf32, #tpu.memory_space<vmem>>) offsets(%dma_start3A_41 : memref<128xi32, #tpu.memory_space<vmem>>) semaphore(%arg38 : memref<!tpu.dma_semaphore, #tpu.memory_space<semaphore_mem>>)
    %dma_start3A_45 = arith.constant 4 : i32
    %dma_start3A_46 = arith.constant 0 : i32
    %dma_start3A_47 = tpu.memref_slice %arg5[%dma_start3A_45, %dma_start3A_46] : memref<79x128xi32, #tpu.memory_space<vmem>> -> memref<1x128xi32, #tpu.memory_space<vmem>>
    %dma_start3A_48 = tpu.memref_squeeze %dma_start3A_47 : memref<1x128xi32, #tpu.memory_space<vmem>> -> memref<128xi32, #tpu.memory_space<vmem>>
    %dma_start3A_49 = arith.constant 0 : i32
    %dma_start3A_50 = arith.constant 0 : i32
    %dma_start3A_51 = tpu.memref_slice %arg3[%dma_start3A_49, %dma_start3A_50] : memref<10000x16xf32, #tpu.memory_space<hbm>> -> memref<10000x16xf32, #tpu.memory_space<hbm>>
    tpu.enqueue_indirect_dma source(%dma_start3A_51 : memref<10000x16xf32, #tpu.memory_space<hbm>>) target(%arg11 : memref<128x16xf32, #tpu.memory_space<vmem>>) offsets(%dma_start3A_48 : memref<128xi32, #tpu.memory_space<vmem>>) semaphore(%arg39 : memref<!tpu.dma_semaphore, #tpu.memory_space<semaphore_mem>>)
    %dma_start3A_52 = arith.constant 5 : i32
    %dma_start3A_53 = arith.constant 0 : i32
    %dma_start3A_54 = tpu.memref_slice %arg5[%dma_start3A_52, %dma_start3A_53] : memref<79x128xi32, #tpu.memory_space<vmem>> -> memref<1x128xi32, #tpu.memory_space<vmem>>
    %dma_start3A_55 = tpu.memref_squeeze %dma_start3A_54 : memref<1x128xi32, #tpu.memory_space<vmem>> -> memref<128xi32, #tpu.memory_space<vmem>>
    %dma_start3A_56 = arith.constant 0 : i32
    %dma_start3A_57 = arith.constant 0 : i32
    %dma_start3A_58 = tpu.memref_slice %arg3[%dma_start3A_56, %dma_start3A_57] : memref<10000x16xf32, #tpu.memory_space<hbm>> -> memref<10000x16xf32, #tpu.memory_space<hbm>>
    tpu.enqueue_indirect_dma source(%dma_start3A_58 : memref<10000x16xf32, #tpu.memory_space<hbm>>) target(%arg12 : memref<128x16xf32, #tpu.memory_space<vmem>>) offsets(%dma_start3A_55 : memref<128xi32, #tpu.memory_space<vmem>>) semaphore(%arg40 : memref<!tpu.dma_semaphore, #tpu.memory_space<semaphore_mem>>)
    %dma_start3A_59 = arith.constant 6 : i32
    %dma_start3A_60 = arith.constant 0 : i32
    %dma_start3A_61 = tpu.memref_slice %arg5[%dma_start3A_59, %dma_start3A_60] : memref<79x128xi32, #tpu.memory_space<vmem>> -> memref<1x128xi32, #tpu.memory_space<vmem>>
    %dma_start3A_62 = tpu.memref_squeeze %dma_start3A_61 : memref<1x128xi32, #tpu.memory_space<vmem>> -> memref<128xi32, #tpu.memory_space<vmem>>
    %dma_start3A_63 = arith.constant 0 : i32
    %dma_start3A_64 = arith.constant 0 : i32
    %dma_start3A_65 = tpu.memref_slice %arg3[%dma_start3A_63, %dma_start3A_64] : memref<10000x16xf32, #tpu.memory_space<hbm>> -> memref<10000x16xf32, #tpu.memory_space<hbm>>
    tpu.enqueue_indirect_dma source(%dma_start3A_65 : memref<10000x16xf32, #tpu.memory_space<hbm>>) target(%arg13 : memref<128x16xf32, #tpu.memory_space<vmem>>) offsets(%dma_start3A_62 : memref<128xi32, #tpu.memory_space<vmem>>) semaphore(%arg41 : memref<!tpu.dma_semaphore, #tpu.memory_space<semaphore_mem>>)
    %dma_start3A_66 = arith.constant 7 : i32
    %dma_start3A_67 = arith.constant 0 : i32
    %dma_start3A_68 = tpu.memref_slice %arg5[%dma_start3A_66, %dma_start3A_67] : memref<79x128xi32, #tpu.memory_space<vmem>> -> memref<1x128xi32, #tpu.memory_space<vmem>>
    %dma_start3A_69 = tpu.memref_squeeze %dma_start3A_68 : memref<1x128xi32, #tpu.memory_space<vmem>> -> memref<128xi32, #tpu.memory_space<vmem>>
    %dma_start3A_70 = arith.constant 0 : i32
    %dma_start3A_71 = arith.constant 0 : i32
    %dma_start3A_72 = tpu.memref_slice %arg3[%dma_start3A_70, %dma_start3A_71] : memref<10000x16xf32, #tpu.memory_space<hbm>> -> memref<10000x16xf32, #tpu.memory_space<hbm>>
    tpu.enqueue_indirect_dma source(%dma_start3A_72 : memref<10000x16xf32, #tpu.memory_space<hbm>>) target(%arg14 : memref<128x16xf32, #tpu.memory_space<vmem>>) offsets(%dma_start3A_69 : memref<128xi32, #tpu.memory_space<vmem>>) semaphore(%arg42 : memref<!tpu.dma_semaphore, #tpu.memory_space<semaphore_mem>>)
    %dma_start3A_73 = arith.constant 8 : i32
    %dma_start3A_74 = arith.constant 0 : i32
    %dma_start3A_75 = tpu.memref_slice %arg5[%dma_start3A_73, %dma_start3A_74] : memref<79x128xi32, #tpu.memory_space<vmem>> -> memref<1x128xi32, #tpu.memory_space<vmem>>
    %dma_start3A_76 = tpu.memref_squeeze %dma_start3A_75 : memref<1x128xi32, #tpu.memory_space<vmem>> -> memref<128xi32, #tpu.memory_space<vmem>>
    %dma_start3A_77 = arith.constant 0 : i32
    %dma_start3A_78 = arith.constant 0 : i32
    %dma_start3A_79 = tpu.memref_slice %arg3[%dma_start3A_77, %dma_start3A_78] : memref<10000x16xf32, #tpu.memory_space<hbm>> -> memref<10000x16xf32, #tpu.memory_space<hbm>>
    tpu.enqueue_indirect_dma source(%dma_start3A_79 : memref<10000x16xf32, #tpu.memory_space<hbm>>) target(%arg15 : memref<128x16xf32, #tpu.memory_space<vmem>>) offsets(%dma_start3A_76 : memref<128xi32, #tpu.memory_space<vmem>>) semaphore(%arg43 : memref<!tpu.dma_semaphore, #tpu.memory_space<semaphore_mem>>)
    %dma_start3A_80 = arith.constant 9 : i32
    %dma_start3A_81 = arith.constant 0 : i32
    %dma_start3A_82 = tpu.memref_slice %arg5[%dma_start3A_80, %dma_start3A_81] : memref<79x128xi32, #tpu.memory_space<vmem>> -> memref<1x128xi32, #tpu.memory_space<vmem>>
    %dma_start3A_83 = tpu.memref_squeeze %dma_start3A_82 : memref<1x128xi32, #tpu.memory_space<vmem>> -> memref<128xi32, #tpu.memory_space<vmem>>
    %dma_start3A_84 = arith.constant 0 : i32
    %dma_start3A_85 = arith.constant 0 : i32
    %dma_start3A_86 = tpu.memref_slice %arg3[%dma_start3A_84, %dma_start3A_85] : memref<10000x16xf32, #tpu.memory_space<hbm>> -> memref<10000x16xf32, #tpu.memory_space<hbm>>
    tpu.enqueue_indirect_dma source(%dma_start3A_86 : memref<10000x16xf32, #tpu.memory_space<hbm>>) target(%arg16 : memref<128x16xf32, #tpu.memory_space<vmem>>) offsets(%dma_start3A_83 : memref<128xi32, #tpu.memory_space<vmem>>) semaphore(%arg44 : memref<!tpu.dma_semaphore, #tpu.memory_space<semaphore_mem>>)
    %dma_start3A_87 = arith.constant 10 : i32
    %dma_start3A_88 = arith.constant 0 : i32
    %dma_start3A_89 = tpu.memref_slice %arg5[%dma_start3A_87, %dma_start3A_88] : memref<79x128xi32, #tpu.memory_space<vmem>> -> memref<1x128xi32, #tpu.memory_space<vmem>>
    %dma_start3A_90 = tpu.memref_squeeze %dma_start3A_89 : memref<1x128xi32, #tpu.memory_space<vmem>> -> memref<128xi32, #tpu.memory_space<vmem>>
    %dma_start3A_91 = arith.constant 0 : i32
    %dma_start3A_92 = arith.constant 0 : i32
    %dma_start3A_93 = tpu.memref_slice %arg3[%dma_start3A_91, %dma_start3A_92] : memref<10000x16xf32, #tpu.memory_space<hbm>> -> memref<10000x16xf32, #tpu.memory_space<hbm>>
    tpu.enqueue_indirect_dma source(%dma_start3A_93 : memref<10000x16xf32, #tpu.memory_space<hbm>>) target(%arg17 : memref<128x16xf32, #tpu.memory_space<vmem>>) offsets(%dma_start3A_90 : memref<128xi32, #tpu.memory_space<vmem>>) semaphore(%arg45 : memref<!tpu.dma_semaphore, #tpu.memory_space<semaphore_mem>>)
    %dma_start3A_94 = arith.constant 11 : i32
    %dma_start3A_95 = arith.constant 0 : i32
    %dma_start3A_96 = tpu.memref_slice %arg5[%dma_start3A_94, %dma_start3A_95] : memref<79x128xi32, #tpu.memory_space<vmem>> -> memref<1x128xi32, #tpu.memory_space<vmem>>
    %dma_start3A_97 = tpu.memref_squeeze %dma_start3A_96 : memref<1x128xi32, #tpu.memory_space<vmem>> -> memref<128xi32, #tpu.memory_space<vmem>>
    %dma_start3A_98 = arith.constant 0 : i32
    %dma_start3A_99 = arith.constant 0 : i32
    %dma_start3A_100 = tpu.memref_slice %arg3[%dma_start3A_98, %dma_start3A_99] : memref<10000x16xf32, #tpu.memory_space<hbm>> -> memref<10000x16xf32, #tpu.memory_space<hbm>>
    tpu.enqueue_indirect_dma source(%dma_start3A_100 : memref<10000x16xf32, #tpu.memory_space<hbm>>) target(%arg18 : memref<128x16xf32, #tpu.memory_space<vmem>>) offsets(%dma_start3A_97 : memref<128xi32, #tpu.memory_space<vmem>>) semaphore(%arg46 : memref<!tpu.dma_semaphore, #tpu.memory_space<semaphore_mem>>)
    %dma_start3A_101 = arith.constant 12 : i32
    %dma_start3A_102 = arith.constant 0 : i32
    %dma_start3A_103 = tpu.memref_slice %arg5[%dma_start3A_101, %dma_start3A_102] : memref<79x128xi32, #tpu.memory_space<vmem>> -> memref<1x128xi32, #tpu.memory_space<vmem>>
    %dma_start3A_104 = tpu.memref_squeeze %dma_start3A_103 : memref<1x128xi32, #tpu.memory_space<vmem>> -> memref<128xi32, #tpu.memory_space<vmem>>
    %dma_start3A_105 = arith.constant 0 : i32
    %dma_start3A_106 = arith.constant 0 : i32
    %dma_start3A_107 = tpu.memref_slice %arg3[%dma_start3A_105, %dma_start3A_106] : memref<10000x16xf32, #tpu.memory_space<hbm>> -> memref<10000x16xf32, #tpu.memory_space<hbm>>
    tpu.enqueue_indirect_dma source(%dma_start3A_107 : memref<10000x16xf32, #tpu.memory_space<hbm>>) target(%arg19 : memref<128x16xf32, #tpu.memory_space<vmem>>) offsets(%dma_start3A_104 : memref<128xi32, #tpu.memory_space<vmem>>) semaphore(%arg47 : memref<!tpu.dma_semaphore, #tpu.memory_space<semaphore_mem>>)
    %dma_start3A_108 = arith.constant 13 : i32
    %dma_start3A_109 = arith.constant 0 : i32
    %dma_start3A_110 = tpu.memref_slice %arg5[%dma_start3A_108, %dma_start3A_109] : memref<79x128xi32, #tpu.memory_space<vmem>> -> memref<1x128xi32, #tpu.memory_space<vmem>>
    %dma_start3A_111 = tpu.memref_squeeze %dma_start3A_110 : memref<1x128xi32, #tpu.memory_space<vmem>> -> memref<128xi32, #tpu.memory_space<vmem>>
    %dma_start3A_112 = arith.constant 0 : i32
    %dma_start3A_113 = arith.constant 0 : i32
    %dma_start3A_114 = tpu.memref_slice %arg3[%dma_start3A_112, %dma_start3A_113] : memref<10000x16xf32, #tpu.memory_space<hbm>> -> memref<10000x16xf32, #tpu.memory_space<hbm>>
    tpu.enqueue_indirect_dma source(%dma_start3A_114 : memref<10000x16xf32, #tpu.memory_space<hbm>>) target(%arg20 : memref<128x16xf32, #tpu.memory_space<vmem>>) offsets(%dma_start3A_111 : memref<128xi32, #tpu.memory_space<vmem>>) semaphore(%arg48 : memref<!tpu.dma_semaphore, #tpu.memory_space<semaphore_mem>>)
    %dma_start3A_115 = arith.constant 14 : i32
    %dma_start3A_116 = arith.constant 0 : i32
    %dma_start3A_117 = tpu.memref_slice %arg5[%dma_start3A_115, %dma_start3A_116] : memref<79x128xi32, #tpu.memory_space<vmem>> -> memref<1x128xi32, #tpu.memory_space<vmem>>
    %dma_start3A_118 = tpu.memref_squeeze %dma_start3A_117 : memref<1x128xi32, #tpu.memory_space<vmem>> -> memref<128xi32, #tpu.memory_space<vmem>>
    %dma_start3A_119 = arith.constant 0 : i32
    %dma_start3A_120 = arith.constant 0 : i32
    %dma_start3A_121 = tpu.memref_slice %arg3[%dma_start3A_119, %dma_start3A_120] : memref<10000x16xf32, #tpu.memory_space<hbm>> -> memref<10000x16xf32, #tpu.memory_space<hbm>>
    tpu.enqueue_indirect_dma source(%dma_start3A_121 : memref<10000x16xf32, #tpu.memory_space<hbm>>) target(%arg21 : memref<128x16xf32, #tpu.memory_space<vmem>>) offsets(%dma_start3A_118 : memref<128xi32, #tpu.memory_space<vmem>>) semaphore(%arg49 : memref<!tpu.dma_semaphore, #tpu.memory_space<semaphore_mem>>)
    %dma_start3A_122 = arith.constant 15 : i32
    %dma_start3A_123 = arith.constant 0 : i32
    %dma_start3A_124 = tpu.memref_slice %arg5[%dma_start3A_122, %dma_start3A_123] : memref<79x128xi32, #tpu.memory_space<vmem>> -> memref<1x128xi32, #tpu.memory_space<vmem>>
    %dma_start3A_125 = tpu.memref_squeeze %dma_start3A_124 : memref<1x128xi32, #tpu.memory_space<vmem>> -> memref<128xi32, #tpu.memory_space<vmem>>
    %dma_start3A_126 = arith.constant 0 : i32
    %dma_start3A_127 = arith.constant 0 : i32
    %dma_start3A_128 = tpu.memref_slice %arg3[%dma_start3A_126, %dma_start3A_127] : memref<10000x16xf32, #tpu.memory_space<hbm>> -> memref<10000x16xf32, #tpu.memory_space<hbm>>
    tpu.enqueue_indirect_dma source(%dma_start3A_128 : memref<10000x16xf32, #tpu.memory_space<hbm>>) target(%arg22 : memref<128x16xf32, #tpu.memory_space<vmem>>) offsets(%dma_start3A_125 : memref<128xi32, #tpu.memory_space<vmem>>) semaphore(%arg50 : memref<!tpu.dma_semaphore, #tpu.memory_space<semaphore_mem>>)
    %dma_start3A_129 = arith.constant 16 : i32
    %dma_start3A_130 = arith.constant 0 : i32
    %dma_start3A_131 = tpu.memref_slice %arg5[%dma_start3A_129, %dma_start3A_130] : memref<79x128xi32, #tpu.memory_space<vmem>> -> memref<1x128xi32, #tpu.memory_space<vmem>>
    %dma_start3A_132 = tpu.memref_squeeze %dma_start3A_131 : memref<1x128xi32, #tpu.memory_space<vmem>> -> memref<128xi32, #tpu.memory_space<vmem>>
    %dma_start3A_133 = arith.constant 0 : i32
    %dma_start3A_134 = arith.constant 0 : i32
    %dma_start3A_135 = tpu.memref_slice %arg3[%dma_start3A_133, %dma_start3A_134] : memref<10000x16xf32, #tpu.memory_space<hbm>> -> memref<10000x16xf32, #tpu.memory_space<hbm>>
    tpu.enqueue_indirect_dma source(%dma_start3A_135 : memref<10000x16xf32, #tpu.memory_space<hbm>>) target(%arg23 : memref<128x16xf32, #tpu.memory_space<vmem>>) offsets(%dma_start3A_132 : memref<128xi32, #tpu.memory_space<vmem>>) semaphore(%arg51 : memref<!tpu.dma_semaphore, #tpu.memory_space<semaphore_mem>>)
    %dma_start3A_136 = arith.constant 17 : i32
    %dma_start3A_137 = arith.constant 0 : i32
    %dma_start3A_138 = tpu.memref_slice %arg5[%dma_start3A_136, %dma_start3A_137] : memref<79x128xi32, #tpu.memory_space<vmem>> -> memref<1x128xi32, #tpu.memory_space<vmem>>
    %dma_start3A_139 = tpu.memref_squeeze %dma_start3A_138 : memref<1x128xi32, #tpu.memory_space<vmem>> -> memref<128xi32, #tpu.memory_space<vmem>>
    %dma_start3A_140 = arith.constant 0 : i32
    %dma_start3A_141 = arith.constant 0 : i32
    %dma_start3A_142 = tpu.memref_slice %arg3[%dma_start3A_140, %dma_start3A_141] : memref<10000x16xf32, #tpu.memory_space<hbm>> -> memref<10000x16xf32, #tpu.memory_space<hbm>>
    tpu.enqueue_indirect_dma source(%dma_start3A_142 : memref<10000x16xf32, #tpu.memory_space<hbm>>) target(%arg24 : memref<128x16xf32, #tpu.memory_space<vmem>>) offsets(%dma_start3A_139 : memref<128xi32, #tpu.memory_space<vmem>>) semaphore(%arg52 : memref<!tpu.dma_semaphore, #tpu.memory_space<semaphore_mem>>)
    %dma_start3A_143 = arith.constant 18 : i32
    %dma_start3A_144 = arith.constant 0 : i32
    %dma_start3A_145 = tpu.memref_slice %arg5[%dma_start3A_143, %dma_start3A_144] : memref<79x128xi32, #tpu.memory_space<vmem>> -> memref<1x128xi32, #tpu.memory_space<vmem>>
    %dma_start3A_146 = tpu.memref_squeeze %dma_start3A_145 : memref<1x128xi32, #tpu.memory_space<vmem>> -> memref<128xi32, #tpu.memory_space<vmem>>
    %dma_start3A_147 = arith.constant 0 : i32
    %dma_start3A_148 = arith.constant 0 : i32
    %dma_start3A_149 = tpu.memref_slice %arg3[%dma_start3A_147, %dma_start3A_148] : memref<10000x16xf32, #tpu.memory_space<hbm>> -> memref<10000x16xf32, #tpu.memory_space<hbm>>
    tpu.enqueue_indirect_dma source(%dma_start3A_149 : memref<10000x16xf32, #tpu.memory_space<hbm>>) target(%arg25 : memref<128x16xf32, #tpu.memory_space<vmem>>) offsets(%dma_start3A_146 : memref<128xi32, #tpu.memory_space<vmem>>) semaphore(%arg53 : memref<!tpu.dma_semaphore, #tpu.memory_space<semaphore_mem>>)
    %dma_start3A_150 = arith.constant 19 : i32
    %dma_start3A_151 = arith.constant 0 : i32
    %dma_start3A_152 = tpu.memref_slice %arg5[%dma_start3A_150, %dma_start3A_151] : memref<79x128xi32, #tpu.memory_space<vmem>> -> memref<1x128xi32, #tpu.memory_space<vmem>>
    %dma_start3A_153 = tpu.memref_squeeze %dma_start3A_152 : memref<1x128xi32, #tpu.memory_space<vmem>> -> memref<128xi32, #tpu.memory_space<vmem>>
    %dma_start3A_154 = arith.constant 0 : i32
    %dma_start3A_155 = arith.constant 0 : i32
    %dma_start3A_156 = tpu.memref_slice %arg3[%dma_start3A_154, %dma_start3A_155] : memref<10000x16xf32, #tpu.memory_space<hbm>> -> memref<10000x16xf32, #tpu.memory_space<hbm>>
    tpu.enqueue_indirect_dma source(%dma_start3A_156 : memref<10000x16xf32, #tpu.memory_space<hbm>>) target(%arg26 : memref<128x16xf32, #tpu.memory_space<vmem>>) offsets(%dma_start3A_153 : memref<128xi32, #tpu.memory_space<vmem>>) semaphore(%arg54 : memref<!tpu.dma_semaphore, #tpu.memory_space<semaphore_mem>>)
    %dma_start3A_157 = arith.constant 20 : i32
    %dma_start3A_158 = arith.constant 0 : i32
    %dma_start3A_159 = tpu.memref_slice %arg5[%dma_start3A_157, %dma_start3A_158] : memref<79x128xi32, #tpu.memory_space<vmem>> -> memref<1x128xi32, #tpu.memory_space<vmem>>
    %dma_start3A_160 = tpu.memref_squeeze %dma_start3A_159 : memref<1x128xi32, #tpu.memory_space<vmem>> -> memref<128xi32, #tpu.memory_space<vmem>>
    %dma_start3A_161 = arith.constant 0 : i32
    %dma_start3A_162 = arith.constant 0 : i32
    %dma_start3A_163 = tpu.memref_slice %arg3[%dma_start3A_161, %dma_start3A_162] : memref<10000x16xf32, #tpu.memory_space<hbm>> -> memref<10000x16xf32, #tpu.memory_space<hbm>>
    tpu.enqueue_indirect_dma source(%dma_start3A_163 : memref<10000x16xf32, #tpu.memory_space<hbm>>) target(%arg27 : memref<128x16xf32, #tpu.memory_space<vmem>>) offsets(%dma_start3A_160 : memref<128xi32, #tpu.memory_space<vmem>>) semaphore(%arg55 : memref<!tpu.dma_semaphore, #tpu.memory_space<semaphore_mem>>)
    %dma_start3A_164 = arith.constant 21 : i32
    %dma_start3A_165 = arith.constant 0 : i32
    %dma_start3A_166 = tpu.memref_slice %arg5[%dma_start3A_164, %dma_start3A_165] : memref<79x128xi32, #tpu.memory_space<vmem>> -> memref<1x128xi32, #tpu.memory_space<vmem>>
    %dma_start3A_167 = tpu.memref_squeeze %dma_start3A_166 : memref<1x128xi32, #tpu.memory_space<vmem>> -> memref<128xi32, #tpu.memory_space<vmem>>
    %dma_start3A_168 = arith.constant 0 : i32
    %dma_start3A_169 = arith.constant 0 : i32
    %dma_start3A_170 = tpu.memref_slice %arg3[%dma_start3A_168, %dma_start3A_169] : memref<10000x16xf32, #tpu.memory_space<hbm>> -> memref<10000x16xf32, #tpu.memory_space<hbm>>
    tpu.enqueue_indirect_dma source(%dma_start3A_170 : memref<10000x16xf32, #tpu.memory_space<hbm>>) target(%arg28 : memref<128x16xf32, #tpu.memory_space<vmem>>) offsets(%dma_start3A_167 : memref<128xi32, #tpu.memory_space<vmem>>) semaphore(%arg56 : memref<!tpu.dma_semaphore, #tpu.memory_space<semaphore_mem>>)
    %dma_start3A_171 = arith.constant 22 : i32
    %dma_start3A_172 = arith.constant 0 : i32
    %dma_start3A_173 = tpu.memref_slice %arg5[%dma_start3A_171, %dma_start3A_172] : memref<79x128xi32, #tpu.memory_space<vmem>> -> memref<1x128xi32, #tpu.memory_space<vmem>>
    %dma_start3A_174 = tpu.memref_squeeze %dma_start3A_173 : memref<1x128xi32, #tpu.memory_space<vmem>> -> memref<128xi32, #tpu.memory_space<vmem>>
    %dma_start3A_175 = arith.constant 0 : i32
    %dma_start3A_176 = arith.constant 0 : i32
    %dma_start3A_177 = tpu.memref_slice %arg3[%dma_start3A_175, %dma_start3A_176] : memref<10000x16xf32, #tpu.memory_space<hbm>> -> memref<10000x16xf32, #tpu.memory_space<hbm>>
    tpu.enqueue_indirect_dma source(%dma_start3A_177 : memref<10000x16xf32, #tpu.memory_space<hbm>>) target(%arg29 : memref<128x16xf32, #tpu.memory_space<vmem>>) offsets(%dma_start3A_174 : memref<128xi32, #tpu.memory_space<vmem>>) semaphore(%arg57 : memref<!tpu.dma_semaphore, #tpu.memory_space<semaphore_mem>>)
    %dma_start3A_178 = arith.constant 23 : i32
    %dma_start3A_179 = arith.constant 0 : i32
    %dma_start3A_180 = tpu.memref_slice %arg5[%dma_start3A_178, %dma_start3A_179] : memref<79x128xi32, #tpu.memory_space<vmem>> -> memref<1x128xi32, #tpu.memory_space<vmem>>
    %dma_start3A_181 = tpu.memref_squeeze %dma_start3A_180 : memref<1x128xi32, #tpu.memory_space<vmem>> -> memref<128xi32, #tpu.memory_space<vmem>>
    %dma_start3A_182 = arith.constant 0 : i32
    %dma_start3A_183 = arith.constant 0 : i32
    %dma_start3A_184 = tpu.memref_slice %arg3[%dma_start3A_182, %dma_start3A_183] : memref<10000x16xf32, #tpu.memory_space<hbm>> -> memref<10000x16xf32, #tpu.memory_space<hbm>>
    tpu.enqueue_indirect_dma source(%dma_start3A_184 : memref<10000x16xf32, #tpu.memory_space<hbm>>) target(%arg30 : memref<128x16xf32, #tpu.memory_space<vmem>>) offsets(%dma_start3A_181 : memref<128xi32, #tpu.memory_space<vmem>>) semaphore(%arg58 : memref<!tpu.dma_semaphore, #tpu.memory_space<semaphore_mem>>)
    %dma_start3A_185 = arith.constant 24 : i32
    %dma_start3A_186 = arith.constant 0 : i32
    %dma_start3A_187 = tpu.memref_slice %arg5[%dma_start3A_185, %dma_start3A_186] : memref<79x128xi32, #tpu.memory_space<vmem>> -> memref<1x128xi32, #tpu.memory_space<vmem>>
    %dma_start3A_188 = tpu.memref_squeeze %dma_start3A_187 : memref<1x128xi32, #tpu.memory_space<vmem>> -> memref<128xi32, #tpu.memory_space<vmem>>
    %dma_start3A_189 = arith.constant 0 : i32
    %dma_start3A_190 = arith.constant 0 : i32
    %dma_start3A_191 = tpu.memref_slice %arg3[%dma_start3A_189, %dma_start3A_190] : memref<10000x16xf32, #tpu.memory_space<hbm>> -> memref<10000x16xf32, #tpu.memory_space<hbm>>
    tpu.enqueue_indirect_dma source(%dma_start3A_191 : memref<10000x16xf32, #tpu.memory_space<hbm>>) target(%arg31 : memref<128x16xf32, #tpu.memory_space<vmem>>) offsets(%dma_start3A_188 : memref<128xi32, #tpu.memory_space<vmem>>) semaphore(%arg59 : memref<!tpu.dma_semaphore, #tpu.memory_space<semaphore_mem>>)
    %dma_start3A_192 = arith.constant 25 : i32
    %dma_start3A_193 = arith.constant 0 : i32
    %dma_start3A_194 = tpu.memref_slice %arg5[%dma_start3A_192, %dma_start3A_193] : memref<79x128xi32, #tpu.memory_space<vmem>> -> memref<1x128xi32, #tpu.memory_space<vmem>>
    %dma_start3A_195 = tpu.memref_squeeze %dma_start3A_194 : memref<1x128xi32, #tpu.memory_space<vmem>> -> memref<128xi32, #tpu.memory_space<vmem>>
    %dma_start3A_196 = arith.constant 0 : i32
    %dma_start3A_197 = arith.constant 0 : i32
    %dma_start3A_198 = tpu.memref_slice %arg3[%dma_start3A_196, %dma_start3A_197] : memref<10000x16xf32, #tpu.memory_space<hbm>> -> memref<10000x16xf32, #tpu.memory_space<hbm>>
    tpu.enqueue_indirect_dma source(%dma_start3A_198 : memref<10000x16xf32, #tpu.memory_space<hbm>>) target(%arg32 : memref<128x16xf32, #tpu.memory_space<vmem>>) offsets(%dma_start3A_195 : memref<128xi32, #tpu.memory_space<vmem>>) semaphore(%arg60 : memref<!tpu.dma_semaphore, #tpu.memory_space<semaphore_mem>>)
    %scan3A_199 = arith.constant 0 : i32
    %scan3A_200 = arith.constant 3 : i32
    %scan3A_201 = arith.addi %scan3A_199, %scan3A_200 : i32
    %scan3A_202 = arith.constant 1 : i32
    scf.for %scan3A_396 = %scan3A_199 to %scan3A_201 step %scan3A_202  : i32 {
      %mul3A_397 = arith.constant 1 : i32
      %mul3A_398 = arith.muli %scan3A_396, %mul3A_397 : i32
      %add3A_399 = arith.constant 0 : i32
      %add3A_400 = arith.addi %add3A_399, %mul3A_398 : i32
      %mul3A_401 = arith.constant 26 : i32
      %mul3A_402 = arith.muli %add3A_400, %mul3A_401 : i32
      %dma_wait3A_403 = arith.constant 0 : i32
      %dma_wait3A_404 = arith.constant 0 : i32
      %dma_wait3A_405 = tpu.memref_slice %arg5[%dma_wait3A_403, %dma_wait3A_404] : memref<79x128xi32, #tpu.memory_space<vmem>> -> memref<1x128xi32, #tpu.memory_space<vmem>>
      %dma_wait3A_406 = tpu.memref_squeeze %dma_wait3A_405 : memref<1x128xi32, #tpu.memory_space<vmem>> -> memref<128xi32, #tpu.memory_space<vmem>>
      %dma_wait3A_407 = arith.constant 0 : i32
      %dma_wait3A_408 = arith.constant 0 : i32
      %dma_wait3A_409 = tpu.memref_slice %arg3[%dma_wait3A_407, %dma_wait3A_408] : memref<10000x16xf32, #tpu.memory_space<hbm>> -> memref<10000x16xf32, #tpu.memory_space<hbm>>
      tpu.wait_indirect_dma semaphore(%arg35 : memref<!tpu.dma_semaphore, #tpu.memory_space<semaphore_mem>>) src(%dma_wait3A_409 : memref<10000x16xf32, #tpu.memory_space<hbm>>) dst(%arg7 : memref<128x16xf32, #tpu.memory_space<vmem>>)
      %add3A_410 = arith.constant 0 : i32
      %add3A_411 = arith.addi %mul3A_402, %add3A_410 : i32
      %dma_start3A_412 = arith.constant 0 : i32
      %dma_start3A_413 = tpu.memref_slice %arg6[%add3A_411, %dma_start3A_412] : memref<79x128xi32, #tpu.memory_space<vmem>> -> memref<1x128xi32, #tpu.memory_space<vmem>>
      %dma_start3A_414 = tpu.memref_squeeze %dma_start3A_413 : memref<1x128xi32, #tpu.memory_space<vmem>> -> memref<128xi32, #tpu.memory_space<vmem>>
      %dma_start3A_415 = arith.constant 0 : i32
      %dma_start3A_416 = arith.constant 0 : i32
      %dma_start3A_417 = tpu.memref_slice %arg34[%dma_start3A_415, %dma_start3A_416] : memref<10000x16xf32, #tpu.memory_space<vmem_shared>> -> memref<10000x16xf32, #tpu.memory_space<vmem_shared>>
      tpu.enqueue_indirect_dma source(%arg7 : memref<128x16xf32, #tpu.memory_space<vmem>>) target(%dma_start3A_417 : memref<10000x16xf32, #tpu.memory_space<vmem_shared>>) offsets(%dma_start3A_414 : memref<128xi32, #tpu.memory_space<vmem>>) semaphore(%arg35 : memref<!tpu.dma_semaphore, #tpu.memory_space<semaphore_mem>>) {add = true}
      %dma_wait3A_418 = arith.constant 0 : i32
      %dma_wait3A_419 = arith.constant 0 : i32
      %dma_wait3A_420 = tpu.memref_slice %arg5[%dma_wait3A_418, %dma_wait3A_419] : memref<79x128xi32, #tpu.memory_space<vmem>> -> memref<1x128xi32, #tpu.memory_space<vmem>>
      %dma_wait3A_421 = tpu.memref_squeeze %dma_wait3A_420 : memref<1x128xi32, #tpu.memory_space<vmem>> -> memref<128xi32, #tpu.memory_space<vmem>>
      %dma_wait3A_422 = arith.constant 0 : i32
      %dma_wait3A_423 = arith.constant 0 : i32
      %dma_wait3A_424 = tpu.memref_slice %arg3[%dma_wait3A_422, %dma_wait3A_423] : memref<10000x16xf32, #tpu.memory_space<hbm>> -> memref<10000x16xf32, #tpu.memory_space<hbm>>
      tpu.wait_indirect_dma semaphore(%arg36 : memref<!tpu.dma_semaphore, #tpu.memory_space<semaphore_mem>>) src(%dma_wait3A_424 : memref<10000x16xf32, #tpu.memory_space<hbm>>) dst(%arg8 : memref<128x16xf32, #tpu.memory_space<vmem>>)
      %add3A_425 = arith.constant 1 : i32
      %add3A_426 = arith.addi %mul3A_402, %add3A_425 : i32
      %dma_start3A_427 = arith.constant 0 : i32
      %dma_start3A_428 = tpu.memref_slice %arg6[%add3A_426, %dma_start3A_427] : memref<79x128xi32, #tpu.memory_space<vmem>> -> memref<1x128xi32, #tpu.memory_space<vmem>>
      %dma_start3A_429 = tpu.memref_squeeze %dma_start3A_428 : memref<1x128xi32, #tpu.memory_space<vmem>> -> memref<128xi32, #tpu.memory_space<vmem>>
      %dma_start3A_430 = arith.constant 0 : i32
      %dma_start3A_431 = arith.constant 0 : i32
      %dma_start3A_432 = tpu.memref_slice %arg34[%dma_start3A_430, %dma_start3A_431] : memref<10000x16xf32, #tpu.memory_space<vmem_shared>> -> memref<10000x16xf32, #tpu.memory_space<vmem_shared>>
      tpu.enqueue_indirect_dma source(%arg8 : memref<128x16xf32, #tpu.memory_space<vmem>>) target(%dma_start3A_432 : memref<10000x16xf32, #tpu.memory_space<vmem_shared>>) offsets(%dma_start3A_429 : memref<128xi32, #tpu.memory_space<vmem>>) semaphore(%arg36 : memref<!tpu.dma_semaphore, #tpu.memory_space<semaphore_mem>>) {add = true}
      %dma_wait3A_433 = arith.constant 0 : i32
      %dma_wait3A_434 = arith.constant 0 : i32
      %dma_wait3A_435 = tpu.memref_slice %arg5[%dma_wait3A_433, %dma_wait3A_434] : memref<79x128xi32, #tpu.memory_space<vmem>> -> memref<1x128xi32, #tpu.memory_space<vmem>>
      %dma_wait3A_436 = tpu.memref_squeeze %dma_wait3A_435 : memref<1x128xi32, #tpu.memory_space<vmem>> -> memref<128xi32, #tpu.memory_space<vmem>>
      %dma_wait3A_437 = arith.constant 0 : i32
      %dma_wait3A_438 = arith.constant 0 : i32
      %dma_wait3A_439 = tpu.memref_slice %arg3[%dma_wait3A_437, %dma_wait3A_438] : memref<10000x16xf32, #tpu.memory_space<hbm>> -> memref<10000x16xf32, #tpu.memory_space<hbm>>
      tpu.wait_indirect_dma semaphore(%arg37 : memref<!tpu.dma_semaphore, #tpu.memory_space<semaphore_mem>>) src(%dma_wait3A_439 : memref<10000x16xf32, #tpu.memory_space<hbm>>) dst(%arg9 : memref<128x16xf32, #tpu.memory_space<vmem>>)
      %add3A_440 = arith.constant 2 : i32
      %add3A_441 = arith.addi %mul3A_402, %add3A_440 : i32
      %dma_start3A_442 = arith.constant 0 : i32
      %dma_start3A_443 = tpu.memref_slice %arg6[%add3A_441, %dma_start3A_442] : memref<79x128xi32, #tpu.memory_space<vmem>> -> memref<1x128xi32, #tpu.memory_space<vmem>>
      %dma_start3A_444 = tpu.memref_squeeze %dma_start3A_443 : memref<1x128xi32, #tpu.memory_space<vmem>> -> memref<128xi32, #tpu.memory_space<vmem>>
      %dma_start3A_445 = arith.constant 0 : i32
      %dma_start3A_446 = arith.constant 0 : i32
      %dma_start3A_447 = tpu.memref_slice %arg34[%dma_start3A_445, %dma_start3A_446] : memref<10000x16xf32, #tpu.memory_space<vmem_shared>> -> memref<10000x16xf32, #tpu.memory_space<vmem_shared>>
      tpu.enqueue_indirect_dma source(%arg9 : memref<128x16xf32, #tpu.memory_space<vmem>>) target(%dma_start3A_447 : memref<10000x16xf32, #tpu.memory_space<vmem_shared>>) offsets(%dma_start3A_444 : memref<128xi32, #tpu.memory_space<vmem>>) semaphore(%arg37 : memref<!tpu.dma_semaphore, #tpu.memory_space<semaphore_mem>>) {add = true}
      %dma_wait3A_448 = arith.constant 0 : i32
      %dma_wait3A_449 = arith.constant 0 : i32
      %dma_wait3A_450 = tpu.memref_slice %arg5[%dma_wait3A_448, %dma_wait3A_449] : memref<79x128xi32, #tpu.memory_space<vmem>> -> memref<1x128xi32, #tpu.memory_space<vmem>>
      %dma_wait3A_451 = tpu.memref_squeeze %dma_wait3A_450 : memref<1x128xi32, #tpu.memory_space<vmem>> -> memref<128xi32, #tpu.memory_space<vmem>>
      %dma_wait3A_452 = arith.constant 0 : i32
      %dma_wait3A_453 = arith.constant 0 : i32
      %dma_wait3A_454 = tpu.memref_slice %arg3[%dma_wait3A_452, %dma_wait3A_453] : memref<10000x16xf32, #tpu.memory_space<hbm>> -> memref<10000x16xf32, #tpu.memory_space<hbm>>
      tpu.wait_indirect_dma semaphore(%arg38 : memref<!tpu.dma_semaphore, #tpu.memory_space<semaphore_mem>>) src(%dma_wait3A_454 : memref<10000x16xf32, #tpu.memory_space<hbm>>) dst(%arg10 : memref<128x16xf32, #tpu.memory_space<vmem>>)
      %add3A_455 = arith.constant 3 : i32
      %add3A_456 = arith.addi %mul3A_402, %add3A_455 : i32
      %dma_start3A_457 = arith.constant 0 : i32
      %dma_start3A_458 = tpu.memref_slice %arg6[%add3A_456, %dma_start3A_457] : memref<79x128xi32, #tpu.memory_space<vmem>> -> memref<1x128xi32, #tpu.memory_space<vmem>>
      %dma_start3A_459 = tpu.memref_squeeze %dma_start3A_458 : memref<1x128xi32, #tpu.memory_space<vmem>> -> memref<128xi32, #tpu.memory_space<vmem>>
      %dma_start3A_460 = arith.constant 0 : i32
      %dma_start3A_461 = arith.constant 0 : i32
      %dma_start3A_462 = tpu.memref_slice %arg34[%dma_start3A_460, %dma_start3A_461] : memref<10000x16xf32, #tpu.memory_space<vmem_shared>> -> memref<10000x16xf32, #tpu.memory_space<vmem_shared>>
      tpu.enqueue_indirect_dma source(%arg10 : memref<128x16xf32, #tpu.memory_space<vmem>>) target(%dma_start3A_462 : memref<10000x16xf32, #tpu.memory_space<vmem_shared>>) offsets(%dma_start3A_459 : memref<128xi32, #tpu.memory_space<vmem>>) semaphore(%arg38 : memref<!tpu.dma_semaphore, #tpu.memory_space<semaphore_mem>>) {add = true}
      %dma_wait3A_463 = arith.constant 0 : i32
      %dma_wait3A_464 = arith.constant 0 : i32
      %dma_wait3A_465 = tpu.memref_slice %arg5[%dma_wait3A_463, %dma_wait3A_464] : memref<79x128xi32, #tpu.memory_space<vmem>> -> memref<1x128xi32, #tpu.memory_space<vmem>>
      %dma_wait3A_466 = tpu.memref_squeeze %dma_wait3A_465 : memref<1x128xi32, #tpu.memory_space<vmem>> -> memref<128xi32, #tpu.memory_space<vmem>>
      %dma_wait3A_467 = arith.constant 0 : i32
      %dma_wait3A_468 = arith.constant 0 : i32
      %dma_wait3A_469 = tpu.memref_slice %arg3[%dma_wait3A_467, %dma_wait3A_468] : memref<10000x16xf32, #tpu.memory_space<hbm>> -> memref<10000x16xf32, #tpu.memory_space<hbm>>
      tpu.wait_indirect_dma semaphore(%arg39 : memref<!tpu.dma_semaphore, #tpu.memory_space<semaphore_mem>>) src(%dma_wait3A_469 : memref<10000x16xf32, #tpu.memory_space<hbm>>) dst(%arg11 : memref<128x16xf32, #tpu.memory_space<vmem>>)
      %add3A_470 = arith.constant 4 : i32
      %add3A_471 = arith.addi %mul3A_402, %add3A_470 : i32
      %dma_start3A_472 = arith.constant 0 : i32
      %dma_start3A_473 = tpu.memref_slice %arg6[%add3A_471, %dma_start3A_472] : memref<79x128xi32, #tpu.memory_space<vmem>> -> memref<1x128xi32, #tpu.memory_space<vmem>>
      %dma_start3A_474 = tpu.memref_squeeze %dma_start3A_473 : memref<1x128xi32, #tpu.memory_space<vmem>> -> memref<128xi32, #tpu.memory_space<vmem>>
      %dma_start3A_475 = arith.constant 0 : i32
      %dma_start3A_476 = arith.constant 0 : i32
      %dma_start3A_477 = tpu.memref_slice %arg34[%dma_start3A_475, %dma_start3A_476] : memref<10000x16xf32, #tpu.memory_space<vmem_shared>> -> memref<10000x16xf32, #tpu.memory_space<vmem_shared>>
      tpu.enqueue_indirect_dma source(%arg11 : memref<128x16xf32, #tpu.memory_space<vmem>>) target(%dma_start3A_477 : memref<10000x16xf32, #tpu.memory_space<vmem_shared>>) offsets(%dma_start3A_474 : memref<128xi32, #tpu.memory_space<vmem>>) semaphore(%arg39 : memref<!tpu.dma_semaphore, #tpu.memory_space<semaphore_mem>>) {add = true}
      %dma_wait3A_478 = arith.constant 0 : i32
      %dma_wait3A_479 = arith.constant 0 : i32
      %dma_wait3A_480 = tpu.memref_slice %arg5[%dma_wait3A_478, %dma_wait3A_479] : memref<79x128xi32, #tpu.memory_space<vmem>> -> memref<1x128xi32, #tpu.memory_space<vmem>>
      %dma_wait3A_481 = tpu.memref_squeeze %dma_wait3A_480 : memref<1x128xi32, #tpu.memory_space<vmem>> -> memref<128xi32, #tpu.memory_space<vmem>>
      %dma_wait3A_482 = arith.constant 0 : i32
      %dma_wait3A_483 = arith.constant 0 : i32
      %dma_wait3A_484 = tpu.memref_slice %arg3[%dma_wait3A_482, %dma_wait3A_483] : memref<10000x16xf32, #tpu.memory_space<hbm>> -> memref<10000x16xf32, #tpu.memory_space<hbm>>
      tpu.wait_indirect_dma semaphore(%arg40 : memref<!tpu.dma_semaphore, #tpu.memory_space<semaphore_mem>>) src(%dma_wait3A_484 : memref<10000x16xf32, #tpu.memory_space<hbm>>) dst(%arg12 : memref<128x16xf32, #tpu.memory_space<vmem>>)
      %add3A_485 = arith.constant 5 : i32
      %add3A_486 = arith.addi %mul3A_402, %add3A_485 : i32
      %dma_start3A_487 = arith.constant 0 : i32
      %dma_start3A_488 = tpu.memref_slice %arg6[%add3A_486, %dma_start3A_487] : memref<79x128xi32, #tpu.memory_space<vmem>> -> memref<1x128xi32, #tpu.memory_space<vmem>>
      %dma_start3A_489 = tpu.memref_squeeze %dma_start3A_488 : memref<1x128xi32, #tpu.memory_space<vmem>> -> memref<128xi32, #tpu.memory_space<vmem>>
      %dma_start3A_490 = arith.constant 0 : i32
      %dma_start3A_491 = arith.constant 0 : i32
      %dma_start3A_492 = tpu.memref_slice %arg34[%dma_start3A_490, %dma_start3A_491] : memref<10000x16xf32, #tpu.memory_space<vmem_shared>> -> memref<10000x16xf32, #tpu.memory_space<vmem_shared>>
      tpu.enqueue_indirect_dma source(%arg12 : memref<128x16xf32, #tpu.memory_space<vmem>>) target(%dma_start3A_492 : memref<10000x16xf32, #tpu.memory_space<vmem_shared>>) offsets(%dma_start3A_489 : memref<128xi32, #tpu.memory_space<vmem>>) semaphore(%arg40 : memref<!tpu.dma_semaphore, #tpu.memory_space<semaphore_mem>>) {add = true}
      %dma_wait3A_493 = arith.constant 0 : i32
      %dma_wait3A_494 = arith.constant 0 : i32
      %dma_wait3A_495 = tpu.memref_slice %arg5[%dma_wait3A_493, %dma_wait3A_494] : memref<79x128xi32, #tpu.memory_space<vmem>> -> memref<1x128xi32, #tpu.memory_space<vmem>>
      %dma_wait3A_496 = tpu.memref_squeeze %dma_wait3A_495 : memref<1x128xi32, #tpu.memory_space<vmem>> -> memref<128xi32, #tpu.memory_space<vmem>>
      %dma_wait3A_497 = arith.constant 0 : i32
      %dma_wait3A_498 = arith.constant 0 : i32
      %dma_wait3A_499 = tpu.memref_slice %arg3[%dma_wait3A_497, %dma_wait3A_498] : memref<10000x16xf32, #tpu.memory_space<hbm>> -> memref<10000x16xf32, #tpu.memory_space<hbm>>
      tpu.wait_indirect_dma semaphore(%arg41 : memref<!tpu.dma_semaphore, #tpu.memory_space<semaphore_mem>>) src(%dma_wait3A_499 : memref<10000x16xf32, #tpu.memory_space<hbm>>) dst(%arg13 : memref<128x16xf32, #tpu.memory_space<vmem>>)
      %add3A_500 = arith.constant 6 : i32
      %add3A_501 = arith.addi %mul3A_402, %add3A_500 : i32
      %dma_start3A_502 = arith.constant 0 : i32
      %dma_start3A_503 = tpu.memref_slice %arg6[%add3A_501, %dma_start3A_502] : memref<79x128xi32, #tpu.memory_space<vmem>> -> memref<1x128xi32, #tpu.memory_space<vmem>>
      %dma_start3A_504 = tpu.memref_squeeze %dma_start3A_503 : memref<1x128xi32, #tpu.memory_space<vmem>> -> memref<128xi32, #tpu.memory_space<vmem>>
      %dma_start3A_505 = arith.constant 0 : i32
      %dma_start3A_506 = arith.constant 0 : i32
      %dma_start3A_507 = tpu.memref_slice %arg34[%dma_start3A_505, %dma_start3A_506] : memref<10000x16xf32, #tpu.memory_space<vmem_shared>> -> memref<10000x16xf32, #tpu.memory_space<vmem_shared>>
      tpu.enqueue_indirect_dma source(%arg13 : memref<128x16xf32, #tpu.memory_space<vmem>>) target(%dma_start3A_507 : memref<10000x16xf32, #tpu.memory_space<vmem_shared>>) offsets(%dma_start3A_504 : memref<128xi32, #tpu.memory_space<vmem>>) semaphore(%arg41 : memref<!tpu.dma_semaphore, #tpu.memory_space<semaphore_mem>>) {add = true}
      %dma_wait3A_508 = arith.constant 0 : i32
      %dma_wait3A_509 = arith.constant 0 : i32
      %dma_wait3A_510 = tpu.memref_slice %arg5[%dma_wait3A_508, %dma_wait3A_509] : memref<79x128xi32, #tpu.memory_space<vmem>> -> memref<1x128xi32, #tpu.memory_space<vmem>>
      %dma_wait3A_511 = tpu.memref_squeeze %dma_wait3A_510 : memref<1x128xi32, #tpu.memory_space<vmem>> -> memref<128xi32, #tpu.memory_space<vmem>>
      %dma_wait3A_512 = arith.constant 0 : i32
      %dma_wait3A_513 = arith.constant 0 : i32
      %dma_wait3A_514 = tpu.memref_slice %arg3[%dma_wait3A_512, %dma_wait3A_513] : memref<10000x16xf32, #tpu.memory_space<hbm>> -> memref<10000x16xf32, #tpu.memory_space<hbm>>
      tpu.wait_indirect_dma semaphore(%arg42 : memref<!tpu.dma_semaphore, #tpu.memory_space<semaphore_mem>>) src(%dma_wait3A_514 : memref<10000x16xf32, #tpu.memory_space<hbm>>) dst(%arg14 : memref<128x16xf32, #tpu.memory_space<vmem>>)
      %add3A_515 = arith.constant 7 : i32
      %add3A_516 = arith.addi %mul3A_402, %add3A_515 : i32
      %dma_start3A_517 = arith.constant 0 : i32
      %dma_start3A_518 = tpu.memref_slice %arg6[%add3A_516, %dma_start3A_517] : memref<79x128xi32, #tpu.memory_space<vmem>> -> memref<1x128xi32, #tpu.memory_space<vmem>>
      %dma_start3A_519 = tpu.memref_squeeze %dma_start3A_518 : memref<1x128xi32, #tpu.memory_space<vmem>> -> memref<128xi32, #tpu.memory_space<vmem>>
      %dma_start3A_520 = arith.constant 0 : i32
      %dma_start3A_521 = arith.constant 0 : i32
      %dma_start3A_522 = tpu.memref_slice %arg34[%dma_start3A_520, %dma_start3A_521] : memref<10000x16xf32, #tpu.memory_space<vmem_shared>> -> memref<10000x16xf32, #tpu.memory_space<vmem_shared>>
      tpu.enqueue_indirect_dma source(%arg14 : memref<128x16xf32, #tpu.memory_space<vmem>>) target(%dma_start3A_522 : memref<10000x16xf32, #tpu.memory_space<vmem_shared>>) offsets(%dma_start3A_519 : memref<128xi32, #tpu.memory_space<vmem>>) semaphore(%arg42 : memref<!tpu.dma_semaphore, #tpu.memory_space<semaphore_mem>>) {add = true}
      %dma_wait3A_523 = arith.constant 0 : i32
      %dma_wait3A_524 = arith.constant 0 : i32
      %dma_wait3A_525 = tpu.memref_slice %arg5[%dma_wait3A_523, %dma_wait3A_524] : memref<79x128xi32, #tpu.memory_space<vmem>> -> memref<1x128xi32, #tpu.memory_space<vmem>>
      %dma_wait3A_526 = tpu.memref_squeeze %dma_wait3A_525 : memref<1x128xi32, #tpu.memory_space<vmem>> -> memref<128xi32, #tpu.memory_space<vmem>>
      %dma_wait3A_527 = arith.constant 0 : i32
      %dma_wait3A_528 = arith.constant 0 : i32
      %dma_wait3A_529 = tpu.memref_slice %arg3[%dma_wait3A_527, %dma_wait3A_528] : memref<10000x16xf32, #tpu.memory_space<hbm>> -> memref<10000x16xf32, #tpu.memory_space<hbm>>
      tpu.wait_indirect_dma semaphore(%arg43 : memref<!tpu.dma_semaphore, #tpu.memory_space<semaphore_mem>>) src(%dma_wait3A_529 : memref<10000x16xf32, #tpu.memory_space<hbm>>) dst(%arg15 : memref<128x16xf32, #tpu.memory_space<vmem>>)
      %add3A_530 = arith.constant 8 : i32
      %add3A_531 = arith.addi %mul3A_402, %add3A_530 : i32
      %dma_start3A_532 = arith.constant 0 : i32
      %dma_start3A_533 = tpu.memref_slice %arg6[%add3A_531, %dma_start3A_532] : memref<79x128xi32, #tpu.memory_space<vmem>> -> memref<1x128xi32, #tpu.memory_space<vmem>>
      %dma_start3A_534 = tpu.memref_squeeze %dma_start3A_533 : memref<1x128xi32, #tpu.memory_space<vmem>> -> memref<128xi32, #tpu.memory_space<vmem>>
      %dma_start3A_535 = arith.constant 0 : i32
      %dma_start3A_536 = arith.constant 0 : i32
      %dma_start3A_537 = tpu.memref_slice %arg34[%dma_start3A_535, %dma_start3A_536] : memref<10000x16xf32, #tpu.memory_space<vmem_shared>> -> memref<10000x16xf32, #tpu.memory_space<vmem_shared>>
      tpu.enqueue_indirect_dma source(%arg15 : memref<128x16xf32, #tpu.memory_space<vmem>>) target(%dma_start3A_537 : memref<10000x16xf32, #tpu.memory_space<vmem_shared>>) offsets(%dma_start3A_534 : memref<128xi32, #tpu.memory_space<vmem>>) semaphore(%arg43 : memref<!tpu.dma_semaphore, #tpu.memory_space<semaphore_mem>>) {add = true}
      %dma_wait3A_538 = arith.constant 0 : i32
      %dma_wait3A_539 = arith.constant 0 : i32
      %dma_wait3A_540 = tpu.memref_slice %arg5[%dma_wait3A_538, %dma_wait3A_539] : memref<79x128xi32, #tpu.memory_space<vmem>> -> memref<1x128xi32, #tpu.memory_space<vmem>>
      %dma_wait3A_541 = tpu.memref_squeeze %dma_wait3A_540 : memref<1x128xi32, #tpu.memory_space<vmem>> -> memref<128xi32, #tpu.memory_space<vmem>>
      %dma_wait3A_542 = arith.constant 0 : i32
      %dma_wait3A_543 = arith.constant 0 : i32
      %dma_wait3A_544 = tpu.memref_slice %arg3[%dma_wait3A_542, %dma_wait3A_543] : memref<10000x16xf32, #tpu.memory_space<hbm>> -> memref<10000x16xf32, #tpu.memory_space<hbm>>
      tpu.wait_indirect_dma semaphore(%arg44 : memref<!tpu.dma_semaphore, #tpu.memory_space<semaphore_mem>>) src(%dma_wait3A_544 : memref<10000x16xf32, #tpu.memory_space<hbm>>) dst(%arg16 : memref<128x16xf32, #tpu.memory_space<vmem>>)
      %add3A_545 = arith.constant 9 : i32
      %add3A_546 = arith.addi %mul3A_402, %add3A_545 : i32
      %dma_start3A_547 = arith.constant 0 : i32
      %dma_start3A_548 = tpu.memref_slice %arg6[%add3A_546, %dma_start3A_547] : memref<79x128xi32, #tpu.memory_space<vmem>> -> memref<1x128xi32, #tpu.memory_space<vmem>>
      %dma_start3A_549 = tpu.memref_squeeze %dma_start3A_548 : memref<1x128xi32, #tpu.memory_space<vmem>> -> memref<128xi32, #tpu.memory_space<vmem>>
      %dma_start3A_550 = arith.constant 0 : i32
      %dma_start3A_551 = arith.constant 0 : i32
      %dma_start3A_552 = tpu.memref_slice %arg34[%dma_start3A_550, %dma_start3A_551] : memref<10000x16xf32, #tpu.memory_space<vmem_shared>> -> memref<10000x16xf32, #tpu.memory_space<vmem_shared>>
      tpu.enqueue_indirect_dma source(%arg16 : memref<128x16xf32, #tpu.memory_space<vmem>>) target(%dma_start3A_552 : memref<10000x16xf32, #tpu.memory_space<vmem_shared>>) offsets(%dma_start3A_549 : memref<128xi32, #tpu.memory_space<vmem>>) semaphore(%arg44 : memref<!tpu.dma_semaphore, #tpu.memory_space<semaphore_mem>>) {add = true}
      %dma_wait3A_553 = arith.constant 0 : i32
      %dma_wait3A_554 = arith.constant 0 : i32
      %dma_wait3A_555 = tpu.memref_slice %arg5[%dma_wait3A_553, %dma_wait3A_554] : memref<79x128xi32, #tpu.memory_space<vmem>> -> memref<1x128xi32, #tpu.memory_space<vmem>>
      %dma_wait3A_556 = tpu.memref_squeeze %dma_wait3A_555 : memref<1x128xi32, #tpu.memory_space<vmem>> -> memref<128xi32, #tpu.memory_space<vmem>>
      %dma_wait3A_557 = arith.constant 0 : i32
      %dma_wait3A_558 = arith.constant 0 : i32
      %dma_wait3A_559 = tpu.memref_slice %arg3[%dma_wait3A_557, %dma_wait3A_558] : memref<10000x16xf32, #tpu.memory_space<hbm>> -> memref<10000x16xf32, #tpu.memory_space<hbm>>
      tpu.wait_indirect_dma semaphore(%arg45 : memref<!tpu.dma_semaphore, #tpu.memory_space<semaphore_mem>>) src(%dma_wait3A_559 : memref<10000x16xf32, #tpu.memory_space<hbm>>) dst(%arg17 : memref<128x16xf32, #tpu.memory_space<vmem>>)
      %add3A_560 = arith.constant 10 : i32
      %add3A_561 = arith.addi %mul3A_402, %add3A_560 : i32
      %dma_start3A_562 = arith.constant 0 : i32
      %dma_start3A_563 = tpu.memref_slice %arg6[%add3A_561, %dma_start3A_562] : memref<79x128xi32, #tpu.memory_space<vmem>> -> memref<1x128xi32, #tpu.memory_space<vmem>>
      %dma_start3A_564 = tpu.memref_squeeze %dma_start3A_563 : memref<1x128xi32, #tpu.memory_space<vmem>> -> memref<128xi32, #tpu.memory_space<vmem>>
      %dma_start3A_565 = arith.constant 0 : i32
      %dma_start3A_566 = arith.constant 0 : i32
      %dma_start3A_567 = tpu.memref_slice %arg34[%dma_start3A_565, %dma_start3A_566] : memref<10000x16xf32, #tpu.memory_space<vmem_shared>> -> memref<10000x16xf32, #tpu.memory_space<vmem_shared>>
      tpu.enqueue_indirect_dma source(%arg17 : memref<128x16xf32, #tpu.memory_space<vmem>>) target(%dma_start3A_567 : memref<10000x16xf32, #tpu.memory_space<vmem_shared>>) offsets(%dma_start3A_564 : memref<128xi32, #tpu.memory_space<vmem>>) semaphore(%arg45 : memref<!tpu.dma_semaphore, #tpu.memory_space<semaphore_mem>>) {add = true}
      %dma_wait3A_568 = arith.constant 0 : i32
      %dma_wait3A_569 = arith.constant 0 : i32
      %dma_wait3A_570 = tpu.memref_slice %arg5[%dma_wait3A_568, %dma_wait3A_569] : memref<79x128xi32, #tpu.memory_space<vmem>> -> memref<1x128xi32, #tpu.memory_space<vmem>>
      %dma_wait3A_571 = tpu.memref_squeeze %dma_wait3A_570 : memref<1x128xi32, #tpu.memory_space<vmem>> -> memref<128xi32, #tpu.memory_space<vmem>>
      %dma_wait3A_572 = arith.constant 0 : i32
      %dma_wait3A_573 = arith.constant 0 : i32
      %dma_wait3A_574 = tpu.memref_slice %arg3[%dma_wait3A_572, %dma_wait3A_573] : memref<10000x16xf32, #tpu.memory_space<hbm>> -> memref<10000x16xf32, #tpu.memory_space<hbm>>
      tpu.wait_indirect_dma semaphore(%arg46 : memref<!tpu.dma_semaphore, #tpu.memory_space<semaphore_mem>>) src(%dma_wait3A_574 : memref<10000x16xf32, #tpu.memory_space<hbm>>) dst(%arg18 : memref<128x16xf32, #tpu.memory_space<vmem>>)
      %add3A_575 = arith.constant 11 : i32
      %add3A_576 = arith.addi %mul3A_402, %add3A_575 : i32
      %dma_start3A_577 = arith.constant 0 : i32
      %dma_start3A_578 = tpu.memref_slice %arg6[%add3A_576, %dma_start3A_577] : memref<79x128xi32, #tpu.memory_space<vmem>> -> memref<1x128xi32, #tpu.memory_space<vmem>>
      %dma_start3A_579 = tpu.memref_squeeze %dma_start3A_578 : memref<1x128xi32, #tpu.memory_space<vmem>> -> memref<128xi32, #tpu.memory_space<vmem>>
      %dma_start3A_580 = arith.constant 0 : i32
      %dma_start3A_581 = arith.constant 0 : i32
      %dma_start3A_582 = tpu.memref_slice %arg34[%dma_start3A_580, %dma_start3A_581] : memref<10000x16xf32, #tpu.memory_space<vmem_shared>> -> memref<10000x16xf32, #tpu.memory_space<vmem_shared>>
      tpu.enqueue_indirect_dma source(%arg18 : memref<128x16xf32, #tpu.memory_space<vmem>>) target(%dma_start3A_582 : memref<10000x16xf32, #tpu.memory_space<vmem_shared>>) offsets(%dma_start3A_579 : memref<128xi32, #tpu.memory_space<vmem>>) semaphore(%arg46 : memref<!tpu.dma_semaphore, #tpu.memory_space<semaphore_mem>>) {add = true}
      %dma_wait3A_583 = arith.constant 0 : i32
      %dma_wait3A_584 = arith.constant 0 : i32
      %dma_wait3A_585 = tpu.memref_slice %arg5[%dma_wait3A_583, %dma_wait3A_584] : memref<79x128xi32, #tpu.memory_space<vmem>> -> memref<1x128xi32, #tpu.memory_space<vmem>>
      %dma_wait3A_586 = tpu.memref_squeeze %dma_wait3A_585 : memref<1x128xi32, #tpu.memory_space<vmem>> -> memref<128xi32, #tpu.memory_space<vmem>>
      %dma_wait3A_587 = arith.constant 0 : i32
      %dma_wait3A_588 = arith.constant 0 : i32
      %dma_wait3A_589 = tpu.memref_slice %arg3[%dma_wait3A_587, %dma_wait3A_588] : memref<10000x16xf32, #tpu.memory_space<hbm>> -> memref<10000x16xf32, #tpu.memory_space<hbm>>
      tpu.wait_indirect_dma semaphore(%arg47 : memref<!tpu.dma_semaphore, #tpu.memory_space<semaphore_mem>>) src(%dma_wait3A_589 : memref<10000x16xf32, #tpu.memory_space<hbm>>) dst(%arg19 : memref<128x16xf32, #tpu.memory_space<vmem>>)
      %add3A_590 = arith.constant 12 : i32
      %add3A_591 = arith.addi %mul3A_402, %add3A_590 : i32
      %dma_start3A_592 = arith.constant 0 : i32
      %dma_start3A_593 = tpu.memref_slice %arg6[%add3A_591, %dma_start3A_592] : memref<79x128xi32, #tpu.memory_space<vmem>> -> memref<1x128xi32, #tpu.memory_space<vmem>>
      %dma_start3A_594 = tpu.memref_squeeze %dma_start3A_593 : memref<1x128xi32, #tpu.memory_space<vmem>> -> memref<128xi32, #tpu.memory_space<vmem>>
      %dma_start3A_595 = arith.constant 0 : i32
      %dma_start3A_596 = arith.constant 0 : i32
      %dma_start3A_597 = tpu.memref_slice %arg34[%dma_start3A_595, %dma_start3A_596] : memref<10000x16xf32, #tpu.memory_space<vmem_shared>> -> memref<10000x16xf32, #tpu.memory_space<vmem_shared>>
      tpu.enqueue_indirect_dma source(%arg19 : memref<128x16xf32, #tpu.memory_space<vmem>>) target(%dma_start3A_597 : memref<10000x16xf32, #tpu.memory_space<vmem_shared>>) offsets(%dma_start3A_594 : memref<128xi32, #tpu.memory_space<vmem>>) semaphore(%arg47 : memref<!tpu.dma_semaphore, #tpu.memory_space<semaphore_mem>>) {add = true}
      %dma_wait3A_598 = arith.constant 0 : i32
      %dma_wait3A_599 = arith.constant 0 : i32
      %dma_wait3A_600 = tpu.memref_slice %arg5[%dma_wait3A_598, %dma_wait3A_599] : memref<79x128xi32, #tpu.memory_space<vmem>> -> memref<1x128xi32, #tpu.memory_space<vmem>>
      %dma_wait3A_601 = tpu.memref_squeeze %dma_wait3A_600 : memref<1x128xi32, #tpu.memory_space<vmem>> -> memref<128xi32, #tpu.memory_space<vmem>>
      %dma_wait3A_602 = arith.constant 0 : i32
      %dma_wait3A_603 = arith.constant 0 : i32
      %dma_wait3A_604 = tpu.memref_slice %arg3[%dma_wait3A_602, %dma_wait3A_603] : memref<10000x16xf32, #tpu.memory_space<hbm>> -> memref<10000x16xf32, #tpu.memory_space<hbm>>
      tpu.wait_indirect_dma semaphore(%arg48 : memref<!tpu.dma_semaphore, #tpu.memory_space<semaphore_mem>>) src(%dma_wait3A_604 : memref<10000x16xf32, #tpu.memory_space<hbm>>) dst(%arg20 : memref<128x16xf32, #tpu.memory_space<vmem>>)
      %add3A_605 = arith.constant 13 : i32
      %add3A_606 = arith.addi %mul3A_402, %add3A_605 : i32
      %dma_start3A_607 = arith.constant 0 : i32
      %dma_start3A_608 = tpu.memref_slice %arg6[%add3A_606, %dma_start3A_607] : memref<79x128xi32, #tpu.memory_space<vmem>> -> memref<1x128xi32, #tpu.memory_space<vmem>>
      %dma_start3A_609 = tpu.memref_squeeze %dma_start3A_608 : memref<1x128xi32, #tpu.memory_space<vmem>> -> memref<128xi32, #tpu.memory_space<vmem>>
      %dma_start3A_610 = arith.constant 0 : i32
      %dma_start3A_611 = arith.constant 0 : i32
      %dma_start3A_612 = tpu.memref_slice %arg34[%dma_start3A_610, %dma_start3A_611] : memref<10000x16xf32, #tpu.memory_space<vmem_shared>> -> memref<10000x16xf32, #tpu.memory_space<vmem_shared>>
      tpu.enqueue_indirect_dma source(%arg20 : memref<128x16xf32, #tpu.memory_space<vmem>>) target(%dma_start3A_612 : memref<10000x16xf32, #tpu.memory_space<vmem_shared>>) offsets(%dma_start3A_609 : memref<128xi32, #tpu.memory_space<vmem>>) semaphore(%arg48 : memref<!tpu.dma_semaphore, #tpu.memory_space<semaphore_mem>>) {add = true}
      %dma_wait3A_613 = arith.constant 0 : i32
      %dma_wait3A_614 = arith.constant 0 : i32
      %dma_wait3A_615 = tpu.memref_slice %arg5[%dma_wait3A_613, %dma_wait3A_614] : memref<79x128xi32, #tpu.memory_space<vmem>> -> memref<1x128xi32, #tpu.memory_space<vmem>>
      %dma_wait3A_616 = tpu.memref_squeeze %dma_wait3A_615 : memref<1x128xi32, #tpu.memory_space<vmem>> -> memref<128xi32, #tpu.memory_space<vmem>>
      %dma_wait3A_617 = arith.constant 0 : i32
      %dma_wait3A_618 = arith.constant 0 : i32
      %dma_wait3A_619 = tpu.memref_slice %arg3[%dma_wait3A_617, %dma_wait3A_618] : memref<10000x16xf32, #tpu.memory_space<hbm>> -> memref<10000x16xf32, #tpu.memory_space<hbm>>
      tpu.wait_indirect_dma semaphore(%arg49 : memref<!tpu.dma_semaphore, #tpu.memory_space<semaphore_mem>>) src(%dma_wait3A_619 : memref<10000x16xf32, #tpu.memory_space<hbm>>) dst(%arg21 : memref<128x16xf32, #tpu.memory_space<vmem>>)
      %add3A_620 = arith.constant 14 : i32
      %add3A_621 = arith.addi %mul3A_402, %add3A_620 : i32
      %dma_start3A_622 = arith.constant 0 : i32
      %dma_start3A_623 = tpu.memref_slice %arg6[%add3A_621, %dma_start3A_622] : memref<79x128xi32, #tpu.memory_space<vmem>> -> memref<1x128xi32, #tpu.memory_space<vmem>>
      %dma_start3A_624 = tpu.memref_squeeze %dma_start3A_623 : memref<1x128xi32, #tpu.memory_space<vmem>> -> memref<128xi32, #tpu.memory_space<vmem>>
      %dma_start3A_625 = arith.constant 0 : i32
      %dma_start3A_626 = arith.constant 0 : i32
      %dma_start3A_627 = tpu.memref_slice %arg34[%dma_start3A_625, %dma_start3A_626] : memref<10000x16xf32, #tpu.memory_space<vmem_shared>> -> memref<10000x16xf32, #tpu.memory_space<vmem_shared>>
      tpu.enqueue_indirect_dma source(%arg21 : memref<128x16xf32, #tpu.memory_space<vmem>>) target(%dma_start3A_627 : memref<10000x16xf32, #tpu.memory_space<vmem_shared>>) offsets(%dma_start3A_624 : memref<128xi32, #tpu.memory_space<vmem>>) semaphore(%arg49 : memref<!tpu.dma_semaphore, #tpu.memory_space<semaphore_mem>>) {add = true}
      %dma_wait3A_628 = arith.constant 0 : i32
      %dma_wait3A_629 = arith.constant 0 : i32
      %dma_wait3A_630 = tpu.memref_slice %arg5[%dma_wait3A_628, %dma_wait3A_629] : memref<79x128xi32, #tpu.memory_space<vmem>> -> memref<1x128xi32, #tpu.memory_space<vmem>>
      %dma_wait3A_631 = tpu.memref_squeeze %dma_wait3A_630 : memref<1x128xi32, #tpu.memory_space<vmem>> -> memref<128xi32, #tpu.memory_space<vmem>>
      %dma_wait3A_632 = arith.constant 0 : i32
      %dma_wait3A_633 = arith.constant 0 : i32
      %dma_wait3A_634 = tpu.memref_slice %arg3[%dma_wait3A_632, %dma_wait3A_633] : memref<10000x16xf32, #tpu.memory_space<hbm>> -> memref<10000x16xf32, #tpu.memory_space<hbm>>
      tpu.wait_indirect_dma semaphore(%arg50 : memref<!tpu.dma_semaphore, #tpu.memory_space<semaphore_mem>>) src(%dma_wait3A_634 : memref<10000x16xf32, #tpu.memory_space<hbm>>) dst(%arg22 : memref<128x16xf32, #tpu.memory_space<vmem>>)
      %add3A_635 = arith.constant 15 : i32
      %add3A_636 = arith.addi %mul3A_402, %add3A_635 : i32
      %dma_start3A_637 = arith.constant 0 : i32
      %dma_start3A_638 = tpu.memref_slice %arg6[%add3A_636, %dma_start3A_637] : memref<79x128xi32, #tpu.memory_space<vmem>> -> memref<1x128xi32, #tpu.memory_space<vmem>>
      %dma_start3A_639 = tpu.memref_squeeze %dma_start3A_638 : memref<1x128xi32, #tpu.memory_space<vmem>> -> memref<128xi32, #tpu.memory_space<vmem>>
      %dma_start3A_640 = arith.constant 0 : i32
      %dma_start3A_641 = arith.constant 0 : i32
      %dma_start3A_642 = tpu.memref_slice %arg34[%dma_start3A_640, %dma_start3A_641] : memref<10000x16xf32, #tpu.memory_space<vmem_shared>> -> memref<10000x16xf32, #tpu.memory_space<vmem_shared>>
      tpu.enqueue_indirect_dma source(%arg22 : memref<128x16xf32, #tpu.memory_space<vmem>>) target(%dma_start3A_642 : memref<10000x16xf32, #tpu.memory_space<vmem_shared>>) offsets(%dma_start3A_639 : memref<128xi32, #tpu.memory_space<vmem>>) semaphore(%arg50 : memref<!tpu.dma_semaphore, #tpu.memory_space<semaphore_mem>>) {add = true}
      %dma_wait3A_643 = arith.constant 0 : i32
      %dma_wait3A_644 = arith.constant 0 : i32
      %dma_wait3A_645 = tpu.memref_slice %arg5[%dma_wait3A_643, %dma_wait3A_644] : memref<79x128xi32, #tpu.memory_space<vmem>> -> memref<1x128xi32, #tpu.memory_space<vmem>>
      %dma_wait3A_646 = tpu.memref_squeeze %dma_wait3A_645 : memref<1x128xi32, #tpu.memory_space<vmem>> -> memref<128xi32, #tpu.memory_space<vmem>>
      %dma_wait3A_647 = arith.constant 0 : i32
      %dma_wait3A_648 = arith.constant 0 : i32
      %dma_wait3A_649 = tpu.memref_slice %arg3[%dma_wait3A_647, %dma_wait3A_648] : memref<10000x16xf32, #tpu.memory_space<hbm>> -> memref<10000x16xf32, #tpu.memory_space<hbm>>
      tpu.wait_indirect_dma semaphore(%arg51 : memref<!tpu.dma_semaphore, #tpu.memory_space<semaphore_mem>>) src(%dma_wait3A_649 : memref<10000x16xf32, #tpu.memory_space<hbm>>) dst(%arg23 : memref<128x16xf32, #tpu.memory_space<vmem>>)
      %add3A_650 = arith.constant 16 : i32
      %add3A_651 = arith.addi %mul3A_402, %add3A_650 : i32
      %dma_start3A_652 = arith.constant 0 : i32
      %dma_start3A_653 = tpu.memref_slice %arg6[%add3A_651, %dma_start3A_652] : memref<79x128xi32, #tpu.memory_space<vmem>> -> memref<1x128xi32, #tpu.memory_space<vmem>>
      %dma_start3A_654 = tpu.memref_squeeze %dma_start3A_653 : memref<1x128xi32, #tpu.memory_space<vmem>> -> memref<128xi32, #tpu.memory_space<vmem>>
      %dma_start3A_655 = arith.constant 0 : i32
      %dma_start3A_656 = arith.constant 0 : i32
      %dma_start3A_657 = tpu.memref_slice %arg34[%dma_start3A_655, %dma_start3A_656] : memref<10000x16xf32, #tpu.memory_space<vmem_shared>> -> memref<10000x16xf32, #tpu.memory_space<vmem_shared>>
      tpu.enqueue_indirect_dma source(%arg23 : memref<128x16xf32, #tpu.memory_space<vmem>>) target(%dma_start3A_657 : memref<10000x16xf32, #tpu.memory_space<vmem_shared>>) offsets(%dma_start3A_654 : memref<128xi32, #tpu.memory_space<vmem>>) semaphore(%arg51 : memref<!tpu.dma_semaphore, #tpu.memory_space<semaphore_mem>>) {add = true}
      %dma_wait3A_658 = arith.constant 0 : i32
      %dma_wait3A_659 = arith.constant 0 : i32
      %dma_wait3A_660 = tpu.memref_slice %arg5[%dma_wait3A_658, %dma_wait3A_659] : memref<79x128xi32, #tpu.memory_space<vmem>> -> memref<1x128xi32, #tpu.memory_space<vmem>>
      %dma_wait3A_661 = tpu.memref_squeeze %dma_wait3A_660 : memref<1x128xi32, #tpu.memory_space<vmem>> -> memref<128xi32, #tpu.memory_space<vmem>>
      %dma_wait3A_662 = arith.constant 0 : i32
      %dma_wait3A_663 = arith.constant 0 : i32
      %dma_wait3A_664 = tpu.memref_slice %arg3[%dma_wait3A_662, %dma_wait3A_663] : memref<10000x16xf32, #tpu.memory_space<hbm>> -> memref<10000x16xf32, #tpu.memory_space<hbm>>
      tpu.wait_indirect_dma semaphore(%arg52 : memref<!tpu.dma_semaphore, #tpu.memory_space<semaphore_mem>>) src(%dma_wait3A_664 : memref<10000x16xf32, #tpu.memory_space<hbm>>) dst(%arg24 : memref<128x16xf32, #tpu.memory_space<vmem>>)
      %add3A_665 = arith.constant 17 : i32
      %add3A_666 = arith.addi %mul3A_402, %add3A_665 : i32
      %dma_start3A_667 = arith.constant 0 : i32
      %dma_start3A_668 = tpu.memref_slice %arg6[%add3A_666, %dma_start3A_667] : memref<79x128xi32, #tpu.memory_space<vmem>> -> memref<1x128xi32, #tpu.memory_space<vmem>>
      %dma_start3A_669 = tpu.memref_squeeze %dma_start3A_668 : memref<1x128xi32, #tpu.memory_space<vmem>> -> memref<128xi32, #tpu.memory_space<vmem>>
      %dma_start3A_670 = arith.constant 0 : i32
      %dma_start3A_671 = arith.constant 0 : i32
      %dma_start3A_672 = tpu.memref_slice %arg34[%dma_start3A_670, %dma_start3A_671] : memref<10000x16xf32, #tpu.memory_space<vmem_shared>> -> memref<10000x16xf32, #tpu.memory_space<vmem_shared>>
      tpu.enqueue_indirect_dma source(%arg24 : memref<128x16xf32, #tpu.memory_space<vmem>>) target(%dma_start3A_672 : memref<10000x16xf32, #tpu.memory_space<vmem_shared>>) offsets(%dma_start3A_669 : memref<128xi32, #tpu.memory_space<vmem>>) semaphore(%arg52 : memref<!tpu.dma_semaphore, #tpu.memory_space<semaphore_mem>>) {add = true}
      %dma_wait3A_673 = arith.constant 0 : i32
      %dma_wait3A_674 = arith.constant 0 : i32
      %dma_wait3A_675 = tpu.memref_slice %arg5[%dma_wait3A_673, %dma_wait3A_674] : memref<79x128xi32, #tpu.memory_space<vmem>> -> memref<1x128xi32, #tpu.memory_space<vmem>>
      %dma_wait3A_676 = tpu.memref_squeeze %dma_wait3A_675 : memref<1x128xi32, #tpu.memory_space<vmem>> -> memref<128xi32, #tpu.memory_space<vmem>>
      %dma_wait3A_677 = arith.constant 0 : i32
      %dma_wait3A_678 = arith.constant 0 : i32
      %dma_wait3A_679 = tpu.memref_slice %arg3[%dma_wait3A_677, %dma_wait3A_678] : memref<10000x16xf32, #tpu.memory_space<hbm>> -> memref<10000x16xf32, #tpu.memory_space<hbm>>
      tpu.wait_indirect_dma semaphore(%arg53 : memref<!tpu.dma_semaphore, #tpu.memory_space<semaphore_mem>>) src(%dma_wait3A_679 : memref<10000x16xf32, #tpu.memory_space<hbm>>) dst(%arg25 : memref<128x16xf32, #tpu.memory_space<vmem>>)
      %add3A_680 = arith.constant 18 : i32
      %add3A_681 = arith.addi %mul3A_402, %add3A_680 : i32
      %dma_start3A_682 = arith.constant 0 : i32
      %dma_start3A_683 = tpu.memref_slice %arg6[%add3A_681, %dma_start3A_682] : memref<79x128xi32, #tpu.memory_space<vmem>> -> memref<1x128xi32, #tpu.memory_space<vmem>>
      %dma_start3A_684 = tpu.memref_squeeze %dma_start3A_683 : memref<1x128xi32, #tpu.memory_space<vmem>> -> memref<128xi32, #tpu.memory_space<vmem>>
      %dma_start3A_685 = arith.constant 0 : i32
      %dma_start3A_686 = arith.constant 0 : i32
      %dma_start3A_687 = tpu.memref_slice %arg34[%dma_start3A_685, %dma_start3A_686] : memref<10000x16xf32, #tpu.memory_space<vmem_shared>> -> memref<10000x16xf32, #tpu.memory_space<vmem_shared>>
      tpu.enqueue_indirect_dma source(%arg25 : memref<128x16xf32, #tpu.memory_space<vmem>>) target(%dma_start3A_687 : memref<10000x16xf32, #tpu.memory_space<vmem_shared>>) offsets(%dma_start3A_684 : memref<128xi32, #tpu.memory_space<vmem>>) semaphore(%arg53 : memref<!tpu.dma_semaphore, #tpu.memory_space<semaphore_mem>>) {add = true}
      %dma_wait3A_688 = arith.constant 0 : i32
      %dma_wait3A_689 = arith.constant 0 : i32
      %dma_wait3A_690 = tpu.memref_slice %arg5[%dma_wait3A_688, %dma_wait3A_689] : memref<79x128xi32, #tpu.memory_space<vmem>> -> memref<1x128xi32, #tpu.memory_space<vmem>>
      %dma_wait3A_691 = tpu.memref_squeeze %dma_wait3A_690 : memref<1x128xi32, #tpu.memory_space<vmem>> -> memref<128xi32, #tpu.memory_space<vmem>>
      %dma_wait3A_692 = arith.constant 0 : i32
      %dma_wait3A_693 = arith.constant 0 : i32
      %dma_wait3A_694 = tpu.memref_slice %arg3[%dma_wait3A_692, %dma_wait3A_693] : memref<10000x16xf32, #tpu.memory_space<hbm>> -> memref<10000x16xf32, #tpu.memory_space<hbm>>
      tpu.wait_indirect_dma semaphore(%arg54 : memref<!tpu.dma_semaphore, #tpu.memory_space<semaphore_mem>>) src(%dma_wait3A_694 : memref<10000x16xf32, #tpu.memory_space<hbm>>) dst(%arg26 : memref<128x16xf32, #tpu.memory_space<vmem>>)
      %add3A_695 = arith.constant 19 : i32
      %add3A_696 = arith.addi %mul3A_402, %add3A_695 : i32
      %dma_start3A_697 = arith.constant 0 : i32
      %dma_start3A_698 = tpu.memref_slice %arg6[%add3A_696, %dma_start3A_697] : memref<79x128xi32, #tpu.memory_space<vmem>> -> memref<1x128xi32, #tpu.memory_space<vmem>>
      %dma_start3A_699 = tpu.memref_squeeze %dma_start3A_698 : memref<1x128xi32, #tpu.memory_space<vmem>> -> memref<128xi32, #tpu.memory_space<vmem>>
      %dma_start3A_700 = arith.constant 0 : i32
      %dma_start3A_701 = arith.constant 0 : i32
      %dma_start3A_702 = tpu.memref_slice %arg34[%dma_start3A_700, %dma_start3A_701] : memref<10000x16xf32, #tpu.memory_space<vmem_shared>> -> memref<10000x16xf32, #tpu.memory_space<vmem_shared>>
      tpu.enqueue_indirect_dma source(%arg26 : memref<128x16xf32, #tpu.memory_space<vmem>>) target(%dma_start3A_702 : memref<10000x16xf32, #tpu.memory_space<vmem_shared>>) offsets(%dma_start3A_699 : memref<128xi32, #tpu.memory_space<vmem>>) semaphore(%arg54 : memref<!tpu.dma_semaphore, #tpu.memory_space<semaphore_mem>>) {add = true}
      %dma_wait3A_703 = arith.constant 0 : i32
      %dma_wait3A_704 = arith.constant 0 : i32
      %dma_wait3A_705 = tpu.memref_slice %arg5[%dma_wait3A_703, %dma_wait3A_704] : memref<79x128xi32, #tpu.memory_space<vmem>> -> memref<1x128xi32, #tpu.memory_space<vmem>>
      %dma_wait3A_706 = tpu.memref_squeeze %dma_wait3A_705 : memref<1x128xi32, #tpu.memory_space<vmem>> -> memref<128xi32, #tpu.memory_space<vmem>>
      %dma_wait3A_707 = arith.constant 0 : i32
      %dma_wait3A_708 = arith.constant 0 : i32
      %dma_wait3A_709 = tpu.memref_slice %arg3[%dma_wait3A_707, %dma_wait3A_708] : memref<10000x16xf32, #tpu.memory_space<hbm>> -> memref<10000x16xf32, #tpu.memory_space<hbm>>
      tpu.wait_indirect_dma semaphore(%arg55 : memref<!tpu.dma_semaphore, #tpu.memory_space<semaphore_mem>>) src(%dma_wait3A_709 : memref<10000x16xf32, #tpu.memory_space<hbm>>) dst(%arg27 : memref<128x16xf32, #tpu.memory_space<vmem>>)
      %add3A_710 = arith.constant 20 : i32
      %add3A_711 = arith.addi %mul3A_402, %add3A_710 : i32
      %dma_start3A_712 = arith.constant 0 : i32
      %dma_start3A_713 = tpu.memref_slice %arg6[%add3A_711, %dma_start3A_712] : memref<79x128xi32, #tpu.memory_space<vmem>> -> memref<1x128xi32, #tpu.memory_space<vmem>>
      %dma_start3A_714 = tpu.memref_squeeze %dma_start3A_713 : memref<1x128xi32, #tpu.memory_space<vmem>> -> memref<128xi32, #tpu.memory_space<vmem>>
      %dma_start3A_715 = arith.constant 0 : i32
      %dma_start3A_716 = arith.constant 0 : i32
      %dma_start3A_717 = tpu.memref_slice %arg34[%dma_start3A_715, %dma_start3A_716] : memref<10000x16xf32, #tpu.memory_space<vmem_shared>> -> memref<10000x16xf32, #tpu.memory_space<vmem_shared>>
      tpu.enqueue_indirect_dma source(%arg27 : memref<128x16xf32, #tpu.memory_space<vmem>>) target(%dma_start3A_717 : memref<10000x16xf32, #tpu.memory_space<vmem_shared>>) offsets(%dma_start3A_714 : memref<128xi32, #tpu.memory_space<vmem>>) semaphore(%arg55 : memref<!tpu.dma_semaphore, #tpu.memory_space<semaphore_mem>>) {add = true}
      %dma_wait3A_718 = arith.constant 0 : i32
      %dma_wait3A_719 = arith.constant 0 : i32
      %dma_wait3A_720 = tpu.memref_slice %arg5[%dma_wait3A_718, %dma_wait3A_719] : memref<79x128xi32, #tpu.memory_space<vmem>> -> memref<1x128xi32, #tpu.memory_space<vmem>>
      %dma_wait3A_721 = tpu.memref_squeeze %dma_wait3A_720 : memref<1x128xi32, #tpu.memory_space<vmem>> -> memref<128xi32, #tpu.memory_space<vmem>>
      %dma_wait3A_722 = arith.constant 0 : i32
      %dma_wait3A_723 = arith.constant 0 : i32
      %dma_wait3A_724 = tpu.memref_slice %arg3[%dma_wait3A_722, %dma_wait3A_723] : memref<10000x16xf32, #tpu.memory_space<hbm>> -> memref<10000x16xf32, #tpu.memory_space<hbm>>
      tpu.wait_indirect_dma semaphore(%arg56 : memref<!tpu.dma_semaphore, #tpu.memory_space<semaphore_mem>>) src(%dma_wait3A_724 : memref<10000x16xf32, #tpu.memory_space<hbm>>) dst(%arg28 : memref<128x16xf32, #tpu.memory_space<vmem>>)
      %add3A_725 = arith.constant 21 : i32
      %add3A_726 = arith.addi %mul3A_402, %add3A_725 : i32
      %dma_start3A_727 = arith.constant 0 : i32
      %dma_start3A_728 = tpu.memref_slice %arg6[%add3A_726, %dma_start3A_727] : memref<79x128xi32, #tpu.memory_space<vmem>> -> memref<1x128xi32, #tpu.memory_space<vmem>>
      %dma_start3A_729 = tpu.memref_squeeze %dma_start3A_728 : memref<1x128xi32, #tpu.memory_space<vmem>> -> memref<128xi32, #tpu.memory_space<vmem>>
      %dma_start3A_730 = arith.constant 0 : i32
      %dma_start3A_731 = arith.constant 0 : i32
      %dma_start3A_732 = tpu.memref_slice %arg34[%dma_start3A_730, %dma_start3A_731] : memref<10000x16xf32, #tpu.memory_space<vmem_shared>> -> memref<10000x16xf32, #tpu.memory_space<vmem_shared>>
      tpu.enqueue_indirect_dma source(%arg28 : memref<128x16xf32, #tpu.memory_space<vmem>>) target(%dma_start3A_732 : memref<10000x16xf32, #tpu.memory_space<vmem_shared>>) offsets(%dma_start3A_729 : memref<128xi32, #tpu.memory_space<vmem>>) semaphore(%arg56 : memref<!tpu.dma_semaphore, #tpu.memory_space<semaphore_mem>>) {add = true}
      %dma_wait3A_733 = arith.constant 0 : i32
      %dma_wait3A_734 = arith.constant 0 : i32
      %dma_wait3A_735 = tpu.memref_slice %arg5[%dma_wait3A_733, %dma_wait3A_734] : memref<79x128xi32, #tpu.memory_space<vmem>> -> memref<1x128xi32, #tpu.memory_space<vmem>>
      %dma_wait3A_736 = tpu.memref_squeeze %dma_wait3A_735 : memref<1x128xi32, #tpu.memory_space<vmem>> -> memref<128xi32, #tpu.memory_space<vmem>>
      %dma_wait3A_737 = arith.constant 0 : i32
      %dma_wait3A_738 = arith.constant 0 : i32
      %dma_wait3A_739 = tpu.memref_slice %arg3[%dma_wait3A_737, %dma_wait3A_738] : memref<10000x16xf32, #tpu.memory_space<hbm>> -> memref<10000x16xf32, #tpu.memory_space<hbm>>
      tpu.wait_indirect_dma semaphore(%arg57 : memref<!tpu.dma_semaphore, #tpu.memory_space<semaphore_mem>>) src(%dma_wait3A_739 : memref<10000x16xf32, #tpu.memory_space<hbm>>) dst(%arg29 : memref<128x16xf32, #tpu.memory_space<vmem>>)
      %add3A_740 = arith.constant 22 : i32
      %add3A_741 = arith.addi %mul3A_402, %add3A_740 : i32
      %dma_start3A_742 = arith.constant 0 : i32
      %dma_start3A_743 = tpu.memref_slice %arg6[%add3A_741, %dma_start3A_742] : memref<79x128xi32, #tpu.memory_space<vmem>> -> memref<1x128xi32, #tpu.memory_space<vmem>>
      %dma_start3A_744 = tpu.memref_squeeze %dma_start3A_743 : memref<1x128xi32, #tpu.memory_space<vmem>> -> memref<128xi32, #tpu.memory_space<vmem>>
      %dma_start3A_745 = arith.constant 0 : i32
      %dma_start3A_746 = arith.constant 0 : i32
      %dma_start3A_747 = tpu.memref_slice %arg34[%dma_start3A_745, %dma_start3A_746] : memref<10000x16xf32, #tpu.memory_space<vmem_shared>> -> memref<10000x16xf32, #tpu.memory_space<vmem_shared>>
      tpu.enqueue_indirect_dma source(%arg29 : memref<128x16xf32, #tpu.memory_space<vmem>>) target(%dma_start3A_747 : memref<10000x16xf32, #tpu.memory_space<vmem_shared>>) offsets(%dma_start3A_744 : memref<128xi32, #tpu.memory_space<vmem>>) semaphore(%arg57 : memref<!tpu.dma_semaphore, #tpu.memory_space<semaphore_mem>>) {add = true}
      %dma_wait3A_748 = arith.constant 0 : i32
      %dma_wait3A_749 = arith.constant 0 : i32
      %dma_wait3A_750 = tpu.memref_slice %arg5[%dma_wait3A_748, %dma_wait3A_749] : memref<79x128xi32, #tpu.memory_space<vmem>> -> memref<1x128xi32, #tpu.memory_space<vmem>>
      %dma_wait3A_751 = tpu.memref_squeeze %dma_wait3A_750 : memref<1x128xi32, #tpu.memory_space<vmem>> -> memref<128xi32, #tpu.memory_space<vmem>>
      %dma_wait3A_752 = arith.constant 0 : i32
      %dma_wait3A_753 = arith.constant 0 : i32
      %dma_wait3A_754 = tpu.memref_slice %arg3[%dma_wait3A_752, %dma_wait3A_753] : memref<10000x16xf32, #tpu.memory_space<hbm>> -> memref<10000x16xf32, #tpu.memory_space<hbm>>
      tpu.wait_indirect_dma semaphore(%arg58 : memref<!tpu.dma_semaphore, #tpu.memory_space<semaphore_mem>>) src(%dma_wait3A_754 : memref<10000x16xf32, #tpu.memory_space<hbm>>) dst(%arg30 : memref<128x16xf32, #tpu.memory_space<vmem>>)
      %add3A_755 = arith.constant 23 : i32
      %add3A_756 = arith.addi %mul3A_402, %add3A_755 : i32
      %dma_start3A_757 = arith.constant 0 : i32
      %dma_start3A_758 = tpu.memref_slice %arg6[%add3A_756, %dma_start3A_757] : memref<79x128xi32, #tpu.memory_space<vmem>> -> memref<1x128xi32, #tpu.memory_space<vmem>>
      %dma_start3A_759 = tpu.memref_squeeze %dma_start3A_758 : memref<1x128xi32, #tpu.memory_space<vmem>> -> memref<128xi32, #tpu.memory_space<vmem>>
      %dma_start3A_760 = arith.constant 0 : i32
      %dma_start3A_761 = arith.constant 0 : i32
      %dma_start3A_762 = tpu.memref_slice %arg34[%dma_start3A_760, %dma_start3A_761] : memref<10000x16xf32, #tpu.memory_space<vmem_shared>> -> memref<10000x16xf32, #tpu.memory_space<vmem_shared>>
      tpu.enqueue_indirect_dma source(%arg30 : memref<128x16xf32, #tpu.memory_space<vmem>>) target(%dma_start3A_762 : memref<10000x16xf32, #tpu.memory_space<vmem_shared>>) offsets(%dma_start3A_759 : memref<128xi32, #tpu.memory_space<vmem>>) semaphore(%arg58 : memref<!tpu.dma_semaphore, #tpu.memory_space<semaphore_mem>>) {add = true}
      %dma_wait3A_763 = arith.constant 0 : i32
      %dma_wait3A_764 = arith.constant 0 : i32
      %dma_wait3A_765 = tpu.memref_slice %arg5[%dma_wait3A_763, %dma_wait3A_764] : memref<79x128xi32, #tpu.memory_space<vmem>> -> memref<1x128xi32, #tpu.memory_space<vmem>>
      %dma_wait3A_766 = tpu.memref_squeeze %dma_wait3A_765 : memref<1x128xi32, #tpu.memory_space<vmem>> -> memref<128xi32, #tpu.memory_space<vmem>>
      %dma_wait3A_767 = arith.constant 0 : i32
      %dma_wait3A_768 = arith.constant 0 : i32
      %dma_wait3A_769 = tpu.memref_slice %arg3[%dma_wait3A_767, %dma_wait3A_768] : memref<10000x16xf32, #tpu.memory_space<hbm>> -> memref<10000x16xf32, #tpu.memory_space<hbm>>
      tpu.wait_indirect_dma semaphore(%arg59 : memref<!tpu.dma_semaphore, #tpu.memory_space<semaphore_mem>>) src(%dma_wait3A_769 : memref<10000x16xf32, #tpu.memory_space<hbm>>) dst(%arg31 : memref<128x16xf32, #tpu.memory_space<vmem>>)
      %add3A_770 = arith.constant 24 : i32
      %add3A_771 = arith.addi %mul3A_402, %add3A_770 : i32
      %dma_start3A_772 = arith.constant 0 : i32
      %dma_start3A_773 = tpu.memref_slice %arg6[%add3A_771, %dma_start3A_772] : memref<79x128xi32, #tpu.memory_space<vmem>> -> memref<1x128xi32, #tpu.memory_space<vmem>>
      %dma_start3A_774 = tpu.memref_squeeze %dma_start3A_773 : memref<1x128xi32, #tpu.memory_space<vmem>> -> memref<128xi32, #tpu.memory_space<vmem>>
      %dma_start3A_775 = arith.constant 0 : i32
      %dma_start3A_776 = arith.constant 0 : i32
      %dma_start3A_777 = tpu.memref_slice %arg34[%dma_start3A_775, %dma_start3A_776] : memref<10000x16xf32, #tpu.memory_space<vmem_shared>> -> memref<10000x16xf32, #tpu.memory_space<vmem_shared>>
      tpu.enqueue_indirect_dma source(%arg31 : memref<128x16xf32, #tpu.memory_space<vmem>>) target(%dma_start3A_777 : memref<10000x16xf32, #tpu.memory_space<vmem_shared>>) offsets(%dma_start3A_774 : memref<128xi32, #tpu.memory_space<vmem>>) semaphore(%arg59 : memref<!tpu.dma_semaphore, #tpu.memory_space<semaphore_mem>>) {add = true}
      %dma_wait3A_778 = arith.constant 0 : i32
      %dma_wait3A_779 = arith.constant 0 : i32
      %dma_wait3A_780 = tpu.memref_slice %arg5[%dma_wait3A_778, %dma_wait3A_779] : memref<79x128xi32, #tpu.memory_space<vmem>> -> memref<1x128xi32, #tpu.memory_space<vmem>>
      %dma_wait3A_781 = tpu.memref_squeeze %dma_wait3A_780 : memref<1x128xi32, #tpu.memory_space<vmem>> -> memref<128xi32, #tpu.memory_space<vmem>>
      %dma_wait3A_782 = arith.constant 0 : i32
      %dma_wait3A_783 = arith.constant 0 : i32
      %dma_wait3A_784 = tpu.memref_slice %arg3[%dma_wait3A_782, %dma_wait3A_783] : memref<10000x16xf32, #tpu.memory_space<hbm>> -> memref<10000x16xf32, #tpu.memory_space<hbm>>
      tpu.wait_indirect_dma semaphore(%arg60 : memref<!tpu.dma_semaphore, #tpu.memory_space<semaphore_mem>>) src(%dma_wait3A_784 : memref<10000x16xf32, #tpu.memory_space<hbm>>) dst(%arg32 : memref<128x16xf32, #tpu.memory_space<vmem>>)
      %add3A_785 = arith.constant 25 : i32
      %add3A_786 = arith.addi %mul3A_402, %add3A_785 : i32
      %dma_start3A_787 = arith.constant 0 : i32
      %dma_start3A_788 = tpu.memref_slice %arg6[%add3A_786, %dma_start3A_787] : memref<79x128xi32, #tpu.memory_space<vmem>> -> memref<1x128xi32, #tpu.memory_space<vmem>>
      %dma_start3A_789 = tpu.memref_squeeze %dma_start3A_788 : memref<1x128xi32, #tpu.memory_space<vmem>> -> memref<128xi32, #tpu.memory_space<vmem>>
      %dma_start3A_790 = arith.constant 0 : i32
      %dma_start3A_791 = arith.constant 0 : i32
      %dma_start3A_792 = tpu.memref_slice %arg34[%dma_start3A_790, %dma_start3A_791] : memref<10000x16xf32, #tpu.memory_space<vmem_shared>> -> memref<10000x16xf32, #tpu.memory_space<vmem_shared>>
      tpu.enqueue_indirect_dma source(%arg32 : memref<128x16xf32, #tpu.memory_space<vmem>>) target(%dma_start3A_792 : memref<10000x16xf32, #tpu.memory_space<vmem_shared>>) offsets(%dma_start3A_789 : memref<128xi32, #tpu.memory_space<vmem>>) semaphore(%arg60 : memref<!tpu.dma_semaphore, #tpu.memory_space<semaphore_mem>>) {add = true}
      %lt3A_793 = arith.constant 2 : i32
      %lt3A_794 = arith.cmpi slt, %add3A_400, %lt3A_793 : i32
      %convert_element_type3A_795 = arith.extui %lt3A_794 : i1 to i32
      %cond3A_796 = arith.constant 0 : i32
      %cond3A_797 = arith.cmpi ne, %convert_element_type3A_795, %cond3A_796 : i32
      scf.if %cond3A_797 {
        %dma_wait3A_798 = arith.constant 0 : i32
        %dma_wait3A_799 = arith.constant 0 : i32
        %dma_wait3A_800 = tpu.memref_slice %arg5[%dma_wait3A_798, %dma_wait3A_799] : memref<79x128xi32, #tpu.memory_space<vmem>> -> memref<1x128xi32, #tpu.memory_space<vmem>>
        %dma_wait3A_801 = tpu.memref_squeeze %dma_wait3A_800 : memref<1x128xi32, #tpu.memory_space<vmem>> -> memref<128xi32, #tpu.memory_space<vmem>>
        %dma_wait3A_802 = arith.constant 0 : i32
        %dma_wait3A_803 = arith.constant 0 : i32
        %dma_wait3A_804 = tpu.memref_slice %arg3[%dma_wait3A_802, %dma_wait3A_803] : memref<10000x16xf32, #tpu.memory_space<hbm>> -> memref<10000x16xf32, #tpu.memory_space<hbm>>
        tpu.wait_indirect_dma semaphore(%arg35 : memref<!tpu.dma_semaphore, #tpu.memory_space<semaphore_mem>>) src(%dma_wait3A_804 : memref<10000x16xf32, #tpu.memory_space<hbm>>) dst(%arg7 : memref<128x16xf32, #tpu.memory_space<vmem>>)
        %add3A_805 = arith.constant 26 : i32
        %add3A_806 = arith.addi %mul3A_402, %add3A_805 : i32
        %add3A_807 = arith.constant 0 : i32
        %add3A_808 = arith.addi %add3A_806, %add3A_807 : i32
        %dma_start3A_809 = arith.constant 0 : i32
        %dma_start3A_810 = tpu.memref_slice %arg5[%add3A_808, %dma_start3A_809] : memref<79x128xi32, #tpu.memory_space<vmem>> -> memref<1x128xi32, #tpu.memory_space<vmem>>
        %dma_start3A_811 = tpu.memref_squeeze %dma_start3A_810 : memref<1x128xi32, #tpu.memory_space<vmem>> -> memref<128xi32, #tpu.memory_space<vmem>>
        %dma_start3A_812 = arith.constant 0 : i32
        %dma_start3A_813 = arith.constant 0 : i32
        %dma_start3A_814 = tpu.memref_slice %arg3[%dma_start3A_812, %dma_start3A_813] : memref<10000x16xf32, #tpu.memory_space<hbm>> -> memref<10000x16xf32, #tpu.memory_space<hbm>>
        tpu.enqueue_indirect_dma source(%dma_start3A_814 : memref<10000x16xf32, #tpu.memory_space<hbm>>) target(%arg7 : memref<128x16xf32, #tpu.memory_space<vmem>>) offsets(%dma_start3A_811 : memref<128xi32, #tpu.memory_space<vmem>>) semaphore(%arg35 : memref<!tpu.dma_semaphore, #tpu.memory_space<semaphore_mem>>)
        %dma_wait3A_815 = arith.constant 0 : i32
        %dma_wait3A_816 = arith.constant 0 : i32
        %dma_wait3A_817 = tpu.memref_slice %arg5[%dma_wait3A_815, %dma_wait3A_816] : memref<79x128xi32, #tpu.memory_space<vmem>> -> memref<1x128xi32, #tpu.memory_space<vmem>>
        %dma_wait3A_818 = tpu.memref_squeeze %dma_wait3A_817 : memref<1x128xi32, #tpu.memory_space<vmem>> -> memref<128xi32, #tpu.memory_space<vmem>>
        %dma_wait3A_819 = arith.constant 0 : i32
        %dma_wait3A_820 = arith.constant 0 : i32
        %dma_wait3A_821 = tpu.memref_slice %arg3[%dma_wait3A_819, %dma_wait3A_820] : memref<10000x16xf32, #tpu.memory_space<hbm>> -> memref<10000x16xf32, #tpu.memory_space<hbm>>
        tpu.wait_indirect_dma semaphore(%arg36 : memref<!tpu.dma_semaphore, #tpu.memory_space<semaphore_mem>>) src(%dma_wait3A_821 : memref<10000x16xf32, #tpu.memory_space<hbm>>) dst(%arg8 : memref<128x16xf32, #tpu.memory_space<vmem>>)
        %add3A_822 = arith.constant 26 : i32
        %add3A_823 = arith.addi %mul3A_402, %add3A_822 : i32
        %add3A_824 = arith.constant 1 : i32
        %add3A_825 = arith.addi %add3A_823, %add3A_824 : i32
        %dma_start3A_826 = arith.constant 0 : i32
        %dma_start3A_827 = tpu.memref_slice %arg5[%add3A_825, %dma_start3A_826] : memref<79x128xi32, #tpu.memory_space<vmem>> -> memref<1x128xi32, #tpu.memory_space<vmem>>
        %dma_start3A_828 = tpu.memref_squeeze %dma_start3A_827 : memref<1x128xi32, #tpu.memory_space<vmem>> -> memref<128xi32, #tpu.memory_space<vmem>>
        %dma_start3A_829 = arith.constant 0 : i32
        %dma_start3A_830 = arith.constant 0 : i32
        %dma_start3A_831 = tpu.memref_slice %arg3[%dma_start3A_829, %dma_start3A_830] : memref<10000x16xf32, #tpu.memory_space<hbm>> -> memref<10000x16xf32, #tpu.memory_space<hbm>>
        tpu.enqueue_indirect_dma source(%dma_start3A_831 : memref<10000x16xf32, #tpu.memory_space<hbm>>) target(%arg8 : memref<128x16xf32, #tpu.memory_space<vmem>>) offsets(%dma_start3A_828 : memref<128xi32, #tpu.memory_space<vmem>>) semaphore(%arg36 : memref<!tpu.dma_semaphore, #tpu.memory_space<semaphore_mem>>)
        %dma_wait3A_832 = arith.constant 0 : i32
        %dma_wait3A_833 = arith.constant 0 : i32
        %dma_wait3A_834 = tpu.memref_slice %arg5[%dma_wait3A_832, %dma_wait3A_833] : memref<79x128xi32, #tpu.memory_space<vmem>> -> memref<1x128xi32, #tpu.memory_space<vmem>>
        %dma_wait3A_835 = tpu.memref_squeeze %dma_wait3A_834 : memref<1x128xi32, #tpu.memory_space<vmem>> -> memref<128xi32, #tpu.memory_space<vmem>>
        %dma_wait3A_836 = arith.constant 0 : i32
        %dma_wait3A_837 = arith.constant 0 : i32
        %dma_wait3A_838 = tpu.memref_slice %arg3[%dma_wait3A_836, %dma_wait3A_837] : memref<10000x16xf32, #tpu.memory_space<hbm>> -> memref<10000x16xf32, #tpu.memory_space<hbm>>
        tpu.wait_indirect_dma semaphore(%arg37 : memref<!tpu.dma_semaphore, #tpu.memory_space<semaphore_mem>>) src(%dma_wait3A_838 : memref<10000x16xf32, #tpu.memory_space<hbm>>) dst(%arg9 : memref<128x16xf32, #tpu.memory_space<vmem>>)
        %add3A_839 = arith.constant 26 : i32
        %add3A_840 = arith.addi %mul3A_402, %add3A_839 : i32
        %add3A_841 = arith.constant 2 : i32
        %add3A_842 = arith.addi %add3A_840, %add3A_841 : i32
        %dma_start3A_843 = arith.constant 0 : i32
        %dma_start3A_844 = tpu.memref_slice %arg5[%add3A_842, %dma_start3A_843] : memref<79x128xi32, #tpu.memory_space<vmem>> -> memref<1x128xi32, #tpu.memory_space<vmem>>
        %dma_start3A_845 = tpu.memref_squeeze %dma_start3A_844 : memref<1x128xi32, #tpu.memory_space<vmem>> -> memref<128xi32, #tpu.memory_space<vmem>>
        %dma_start3A_846 = arith.constant 0 : i32
        %dma_start3A_847 = arith.constant 0 : i32
        %dma_start3A_848 = tpu.memref_slice %arg3[%dma_start3A_846, %dma_start3A_847] : memref<10000x16xf32, #tpu.memory_space<hbm>> -> memref<10000x16xf32, #tpu.memory_space<hbm>>
        tpu.enqueue_indirect_dma source(%dma_start3A_848 : memref<10000x16xf32, #tpu.memory_space<hbm>>) target(%arg9 : memref<128x16xf32, #tpu.memory_space<vmem>>) offsets(%dma_start3A_845 : memref<128xi32, #tpu.memory_space<vmem>>) semaphore(%arg37 : memref<!tpu.dma_semaphore, #tpu.memory_space<semaphore_mem>>)
        %dma_wait3A_849 = arith.constant 0 : i32
        %dma_wait3A_850 = arith.constant 0 : i32
        %dma_wait3A_851 = tpu.memref_slice %arg5[%dma_wait3A_849, %dma_wait3A_850] : memref<79x128xi32, #tpu.memory_space<vmem>> -> memref<1x128xi32, #tpu.memory_space<vmem>>
        %dma_wait3A_852 = tpu.memref_squeeze %dma_wait3A_851 : memref<1x128xi32, #tpu.memory_space<vmem>> -> memref<128xi32, #tpu.memory_space<vmem>>
        %dma_wait3A_853 = arith.constant 0 : i32
        %dma_wait3A_854 = arith.constant 0 : i32
        %dma_wait3A_855 = tpu.memref_slice %arg3[%dma_wait3A_853, %dma_wait3A_854] : memref<10000x16xf32, #tpu.memory_space<hbm>> -> memref<10000x16xf32, #tpu.memory_space<hbm>>
        tpu.wait_indirect_dma semaphore(%arg38 : memref<!tpu.dma_semaphore, #tpu.memory_space<semaphore_mem>>) src(%dma_wait3A_855 : memref<10000x16xf32, #tpu.memory_space<hbm>>) dst(%arg10 : memref<128x16xf32, #tpu.memory_space<vmem>>)
        %add3A_856 = arith.constant 26 : i32
        %add3A_857 = arith.addi %mul3A_402, %add3A_856 : i32
        %add3A_858 = arith.constant 3 : i32
        %add3A_859 = arith.addi %add3A_857, %add3A_858 : i32
        %dma_start3A_860 = arith.constant 0 : i32
        %dma_start3A_861 = tpu.memref_slice %arg5[%add3A_859, %dma_start3A_860] : memref<79x128xi32, #tpu.memory_space<vmem>> -> memref<1x128xi32, #tpu.memory_space<vmem>>
        %dma_start3A_862 = tpu.memref_squeeze %dma_start3A_861 : memref<1x128xi32, #tpu.memory_space<vmem>> -> memref<128xi32, #tpu.memory_space<vmem>>
        %dma_start3A_863 = arith.constant 0 : i32
        %dma_start3A_864 = arith.constant 0 : i32
        %dma_start3A_865 = tpu.memref_slice %arg3[%dma_start3A_863, %dma_start3A_864] : memref<10000x16xf32, #tpu.memory_space<hbm>> -> memref<10000x16xf32, #tpu.memory_space<hbm>>
        tpu.enqueue_indirect_dma source(%dma_start3A_865 : memref<10000x16xf32, #tpu.memory_space<hbm>>) target(%arg10 : memref<128x16xf32, #tpu.memory_space<vmem>>) offsets(%dma_start3A_862 : memref<128xi32, #tpu.memory_space<vmem>>) semaphore(%arg38 : memref<!tpu.dma_semaphore, #tpu.memory_space<semaphore_mem>>)
        %dma_wait3A_866 = arith.constant 0 : i32
        %dma_wait3A_867 = arith.constant 0 : i32
        %dma_wait3A_868 = tpu.memref_slice %arg5[%dma_wait3A_866, %dma_wait3A_867] : memref<79x128xi32, #tpu.memory_space<vmem>> -> memref<1x128xi32, #tpu.memory_space<vmem>>
        %dma_wait3A_869 = tpu.memref_squeeze %dma_wait3A_868 : memref<1x128xi32, #tpu.memory_space<vmem>> -> memref<128xi32, #tpu.memory_space<vmem>>
        %dma_wait3A_870 = arith.constant 0 : i32
        %dma_wait3A_871 = arith.constant 0 : i32
        %dma_wait3A_872 = tpu.memref_slice %arg3[%dma_wait3A_870, %dma_wait3A_871] : memref<10000x16xf32, #tpu.memory_space<hbm>> -> memref<10000x16xf32, #tpu.memory_space<hbm>>
        tpu.wait_indirect_dma semaphore(%arg39 : memref<!tpu.dma_semaphore, #tpu.memory_space<semaphore_mem>>) src(%dma_wait3A_872 : memref<10000x16xf32, #tpu.memory_space<hbm>>) dst(%arg11 : memref<128x16xf32, #tpu.memory_space<vmem>>)
        %add3A_873 = arith.constant 26 : i32
        %add3A_874 = arith.addi %mul3A_402, %add3A_873 : i32
        %add3A_875 = arith.constant 4 : i32
        %add3A_876 = arith.addi %add3A_874, %add3A_875 : i32
        %dma_start3A_877 = arith.constant 0 : i32
        %dma_start3A_878 = tpu.memref_slice %arg5[%add3A_876, %dma_start3A_877] : memref<79x128xi32, #tpu.memory_space<vmem>> -> memref<1x128xi32, #tpu.memory_space<vmem>>
        %dma_start3A_879 = tpu.memref_squeeze %dma_start3A_878 : memref<1x128xi32, #tpu.memory_space<vmem>> -> memref<128xi32, #tpu.memory_space<vmem>>
        %dma_start3A_880 = arith.constant 0 : i32
        %dma_start3A_881 = arith.constant 0 : i32
        %dma_start3A_882 = tpu.memref_slice %arg3[%dma_start3A_880, %dma_start3A_881] : memref<10000x16xf32, #tpu.memory_space<hbm>> -> memref<10000x16xf32, #tpu.memory_space<hbm>>
        tpu.enqueue_indirect_dma source(%dma_start3A_882 : memref<10000x16xf32, #tpu.memory_space<hbm>>) target(%arg11 : memref<128x16xf32, #tpu.memory_space<vmem>>) offsets(%dma_start3A_879 : memref<128xi32, #tpu.memory_space<vmem>>) semaphore(%arg39 : memref<!tpu.dma_semaphore, #tpu.memory_space<semaphore_mem>>)
        %dma_wait3A_883 = arith.constant 0 : i32
        %dma_wait3A_884 = arith.constant 0 : i32
        %dma_wait3A_885 = tpu.memref_slice %arg5[%dma_wait3A_883, %dma_wait3A_884] : memref<79x128xi32, #tpu.memory_space<vmem>> -> memref<1x128xi32, #tpu.memory_space<vmem>>
        %dma_wait3A_886 = tpu.memref_squeeze %dma_wait3A_885 : memref<1x128xi32, #tpu.memory_space<vmem>> -> memref<128xi32, #tpu.memory_space<vmem>>
        %dma_wait3A_887 = arith.constant 0 : i32
        %dma_wait3A_888 = arith.constant 0 : i32
        %dma_wait3A_889 = tpu.memref_slice %arg3[%dma_wait3A_887, %dma_wait3A_888] : memref<10000x16xf32, #tpu.memory_space<hbm>> -> memref<10000x16xf32, #tpu.memory_space<hbm>>
        tpu.wait_indirect_dma semaphore(%arg40 : memref<!tpu.dma_semaphore, #tpu.memory_space<semaphore_mem>>) src(%dma_wait3A_889 : memref<10000x16xf32, #tpu.memory_space<hbm>>) dst(%arg12 : memref<128x16xf32, #tpu.memory_space<vmem>>)
        %add3A_890 = arith.constant 26 : i32
        %add3A_891 = arith.addi %mul3A_402, %add3A_890 : i32
        %add3A_892 = arith.constant 5 : i32
        %add3A_893 = arith.addi %add3A_891, %add3A_892 : i32
        %dma_start3A_894 = arith.constant 0 : i32
        %dma_start3A_895 = tpu.memref_slice %arg5[%add3A_893, %dma_start3A_894] : memref<79x128xi32, #tpu.memory_space<vmem>> -> memref<1x128xi32, #tpu.memory_space<vmem>>
        %dma_start3A_896 = tpu.memref_squeeze %dma_start3A_895 : memref<1x128xi32, #tpu.memory_space<vmem>> -> memref<128xi32, #tpu.memory_space<vmem>>
        %dma_start3A_897 = arith.constant 0 : i32
        %dma_start3A_898 = arith.constant 0 : i32
        %dma_start3A_899 = tpu.memref_slice %arg3[%dma_start3A_897, %dma_start3A_898] : memref<10000x16xf32, #tpu.memory_space<hbm>> -> memref<10000x16xf32, #tpu.memory_space<hbm>>
        tpu.enqueue_indirect_dma source(%dma_start3A_899 : memref<10000x16xf32, #tpu.memory_space<hbm>>) target(%arg12 : memref<128x16xf32, #tpu.memory_space<vmem>>) offsets(%dma_start3A_896 : memref<128xi32, #tpu.memory_space<vmem>>) semaphore(%arg40 : memref<!tpu.dma_semaphore, #tpu.memory_space<semaphore_mem>>)
        %dma_wait3A_900 = arith.constant 0 : i32
        %dma_wait3A_901 = arith.constant 0 : i32
        %dma_wait3A_902 = tpu.memref_slice %arg5[%dma_wait3A_900, %dma_wait3A_901] : memref<79x128xi32, #tpu.memory_space<vmem>> -> memref<1x128xi32, #tpu.memory_space<vmem>>
        %dma_wait3A_903 = tpu.memref_squeeze %dma_wait3A_902 : memref<1x128xi32, #tpu.memory_space<vmem>> -> memref<128xi32, #tpu.memory_space<vmem>>
        %dma_wait3A_904 = arith.constant 0 : i32
        %dma_wait3A_905 = arith.constant 0 : i32
        %dma_wait3A_906 = tpu.memref_slice %arg3[%dma_wait3A_904, %dma_wait3A_905] : memref<10000x16xf32, #tpu.memory_space<hbm>> -> memref<10000x16xf32, #tpu.memory_space<hbm>>
        tpu.wait_indirect_dma semaphore(%arg41 : memref<!tpu.dma_semaphore, #tpu.memory_space<semaphore_mem>>) src(%dma_wait3A_906 : memref<10000x16xf32, #tpu.memory_space<hbm>>) dst(%arg13 : memref<128x16xf32, #tpu.memory_space<vmem>>)
        %add3A_907 = arith.constant 26 : i32
        %add3A_908 = arith.addi %mul3A_402, %add3A_907 : i32
        %add3A_909 = arith.constant 6 : i32
        %add3A_910 = arith.addi %add3A_908, %add3A_909 : i32
        %dma_start3A_911 = arith.constant 0 : i32
        %dma_start3A_912 = tpu.memref_slice %arg5[%add3A_910, %dma_start3A_911] : memref<79x128xi32, #tpu.memory_space<vmem>> -> memref<1x128xi32, #tpu.memory_space<vmem>>
        %dma_start3A_913 = tpu.memref_squeeze %dma_start3A_912 : memref<1x128xi32, #tpu.memory_space<vmem>> -> memref<128xi32, #tpu.memory_space<vmem>>
        %dma_start3A_914 = arith.constant 0 : i32
        %dma_start3A_915 = arith.constant 0 : i32
        %dma_start3A_916 = tpu.memref_slice %arg3[%dma_start3A_914, %dma_start3A_915] : memref<10000x16xf32, #tpu.memory_space<hbm>> -> memref<10000x16xf32, #tpu.memory_space<hbm>>
        tpu.enqueue_indirect_dma source(%dma_start3A_916 : memref<10000x16xf32, #tpu.memory_space<hbm>>) target(%arg13 : memref<128x16xf32, #tpu.memory_space<vmem>>) offsets(%dma_start3A_913 : memref<128xi32, #tpu.memory_space<vmem>>) semaphore(%arg41 : memref<!tpu.dma_semaphore, #tpu.memory_space<semaphore_mem>>)
        %dma_wait3A_917 = arith.constant 0 : i32
        %dma_wait3A_918 = arith.constant 0 : i32
        %dma_wait3A_919 = tpu.memref_slice %arg5[%dma_wait3A_917, %dma_wait3A_918] : memref<79x128xi32, #tpu.memory_space<vmem>> -> memref<1x128xi32, #tpu.memory_space<vmem>>
        %dma_wait3A_920 = tpu.memref_squeeze %dma_wait3A_919 : memref<1x128xi32, #tpu.memory_space<vmem>> -> memref<128xi32, #tpu.memory_space<vmem>>
        %dma_wait3A_921 = arith.constant 0 : i32
        %dma_wait3A_922 = arith.constant 0 : i32
        %dma_wait3A_923 = tpu.memref_slice %arg3[%dma_wait3A_921, %dma_wait3A_922] : memref<10000x16xf32, #tpu.memory_space<hbm>> -> memref<10000x16xf32, #tpu.memory_space<hbm>>
        tpu.wait_indirect_dma semaphore(%arg42 : memref<!tpu.dma_semaphore, #tpu.memory_space<semaphore_mem>>) src(%dma_wait3A_923 : memref<10000x16xf32, #tpu.memory_space<hbm>>) dst(%arg14 : memref<128x16xf32, #tpu.memory_space<vmem>>)
        %add3A_924 = arith.constant 26 : i32
        %add3A_925 = arith.addi %mul3A_402, %add3A_924 : i32
        %add3A_926 = arith.constant 7 : i32
        %add3A_927 = arith.addi %add3A_925, %add3A_926 : i32
        %dma_start3A_928 = arith.constant 0 : i32
        %dma_start3A_929 = tpu.memref_slice %arg5[%add3A_927, %dma_start3A_928] : memref<79x128xi32, #tpu.memory_space<vmem>> -> memref<1x128xi32, #tpu.memory_space<vmem>>
        %dma_start3A_930 = tpu.memref_squeeze %dma_start3A_929 : memref<1x128xi32, #tpu.memory_space<vmem>> -> memref<128xi32, #tpu.memory_space<vmem>>
        %dma_start3A_931 = arith.constant 0 : i32
        %dma_start3A_932 = arith.constant 0 : i32
        %dma_start3A_933 = tpu.memref_slice %arg3[%dma_start3A_931, %dma_start3A_932] : memref<10000x16xf32, #tpu.memory_space<hbm>> -> memref<10000x16xf32, #tpu.memory_space<hbm>>
        tpu.enqueue_indirect_dma source(%dma_start3A_933 : memref<10000x16xf32, #tpu.memory_space<hbm>>) target(%arg14 : memref<128x16xf32, #tpu.memory_space<vmem>>) offsets(%dma_start3A_930 : memref<128xi32, #tpu.memory_space<vmem>>) semaphore(%arg42 : memref<!tpu.dma_semaphore, #tpu.memory_space<semaphore_mem>>)
        %dma_wait3A_934 = arith.constant 0 : i32
        %dma_wait3A_935 = arith.constant 0 : i32
        %dma_wait3A_936 = tpu.memref_slice %arg5[%dma_wait3A_934, %dma_wait3A_935] : memref<79x128xi32, #tpu.memory_space<vmem>> -> memref<1x128xi32, #tpu.memory_space<vmem>>
        %dma_wait3A_937 = tpu.memref_squeeze %dma_wait3A_936 : memref<1x128xi32, #tpu.memory_space<vmem>> -> memref<128xi32, #tpu.memory_space<vmem>>
        %dma_wait3A_938 = arith.constant 0 : i32
        %dma_wait3A_939 = arith.constant 0 : i32
        %dma_wait3A_940 = tpu.memref_slice %arg3[%dma_wait3A_938, %dma_wait3A_939] : memref<10000x16xf32, #tpu.memory_space<hbm>> -> memref<10000x16xf32, #tpu.memory_space<hbm>>
        tpu.wait_indirect_dma semaphore(%arg43 : memref<!tpu.dma_semaphore, #tpu.memory_space<semaphore_mem>>) src(%dma_wait3A_940 : memref<10000x16xf32, #tpu.memory_space<hbm>>) dst(%arg15 : memref<128x16xf32, #tpu.memory_space<vmem>>)
        %add3A_941 = arith.constant 26 : i32
        %add3A_942 = arith.addi %mul3A_402, %add3A_941 : i32
        %add3A_943 = arith.constant 8 : i32
        %add3A_944 = arith.addi %add3A_942, %add3A_943 : i32
        %dma_start3A_945 = arith.constant 0 : i32
        %dma_start3A_946 = tpu.memref_slice %arg5[%add3A_944, %dma_start3A_945] : memref<79x128xi32, #tpu.memory_space<vmem>> -> memref<1x128xi32, #tpu.memory_space<vmem>>
        %dma_start3A_947 = tpu.memref_squeeze %dma_start3A_946 : memref<1x128xi32, #tpu.memory_space<vmem>> -> memref<128xi32, #tpu.memory_space<vmem>>
        %dma_start3A_948 = arith.constant 0 : i32
        %dma_start3A_949 = arith.constant 0 : i32
        %dma_start3A_950 = tpu.memref_slice %arg3[%dma_start3A_948, %dma_start3A_949] : memref<10000x16xf32, #tpu.memory_space<hbm>> -> memref<10000x16xf32, #tpu.memory_space<hbm>>
        tpu.enqueue_indirect_dma source(%dma_start3A_950 : memref<10000x16xf32, #tpu.memory_space<hbm>>) target(%arg15 : memref<128x16xf32, #tpu.memory_space<vmem>>) offsets(%dma_start3A_947 : memref<128xi32, #tpu.memory_space<vmem>>) semaphore(%arg43 : memref<!tpu.dma_semaphore, #tpu.memory_space<semaphore_mem>>)
        %dma_wait3A_951 = arith.constant 0 : i32
        %dma_wait3A_952 = arith.constant 0 : i32
        %dma_wait3A_953 = tpu.memref_slice %arg5[%dma_wait3A_951, %dma_wait3A_952] : memref<79x128xi32, #tpu.memory_space<vmem>> -> memref<1x128xi32, #tpu.memory_space<vmem>>
        %dma_wait3A_954 = tpu.memref_squeeze %dma_wait3A_953 : memref<1x128xi32, #tpu.memory_space<vmem>> -> memref<128xi32, #tpu.memory_space<vmem>>
        %dma_wait3A_955 = arith.constant 0 : i32
        %dma_wait3A_956 = arith.constant 0 : i32
        %dma_wait3A_957 = tpu.memref_slice %arg3[%dma_wait3A_955, %dma_wait3A_956] : memref<10000x16xf32, #tpu.memory_space<hbm>> -> memref<10000x16xf32, #tpu.memory_space<hbm>>
        tpu.wait_indirect_dma semaphore(%arg44 : memref<!tpu.dma_semaphore, #tpu.memory_space<semaphore_mem>>) src(%dma_wait3A_957 : memref<10000x16xf32, #tpu.memory_space<hbm>>) dst(%arg16 : memref<128x16xf32, #tpu.memory_space<vmem>>)
        %add3A_958 = arith.constant 26 : i32
        %add3A_959 = arith.addi %mul3A_402, %add3A_958 : i32
        %add3A_960 = arith.constant 9 : i32
        %add3A_961 = arith.addi %add3A_959, %add3A_960 : i32
        %dma_start3A_962 = arith.constant 0 : i32
        %dma_start3A_963 = tpu.memref_slice %arg5[%add3A_961, %dma_start3A_962] : memref<79x128xi32, #tpu.memory_space<vmem>> -> memref<1x128xi32, #tpu.memory_space<vmem>>
        %dma_start3A_964 = tpu.memref_squeeze %dma_start3A_963 : memref<1x128xi32, #tpu.memory_space<vmem>> -> memref<128xi32, #tpu.memory_space<vmem>>
        %dma_start3A_965 = arith.constant 0 : i32
        %dma_start3A_966 = arith.constant 0 : i32
        %dma_start3A_967 = tpu.memref_slice %arg3[%dma_start3A_965, %dma_start3A_966] : memref<10000x16xf32, #tpu.memory_space<hbm>> -> memref<10000x16xf32, #tpu.memory_space<hbm>>
        tpu.enqueue_indirect_dma source(%dma_start3A_967 : memref<10000x16xf32, #tpu.memory_space<hbm>>) target(%arg16 : memref<128x16xf32, #tpu.memory_space<vmem>>) offsets(%dma_start3A_964 : memref<128xi32, #tpu.memory_space<vmem>>) semaphore(%arg44 : memref<!tpu.dma_semaphore, #tpu.memory_space<semaphore_mem>>)
        %dma_wait3A_968 = arith.constant 0 : i32
        %dma_wait3A_969 = arith.constant 0 : i32
        %dma_wait3A_970 = tpu.memref_slice %arg5[%dma_wait3A_968, %dma_wait3A_969] : memref<79x128xi32, #tpu.memory_space<vmem>> -> memref<1x128xi32, #tpu.memory_space<vmem>>
        %dma_wait3A_971 = tpu.memref_squeeze %dma_wait3A_970 : memref<1x128xi32, #tpu.memory_space<vmem>> -> memref<128xi32, #tpu.memory_space<vmem>>
        %dma_wait3A_972 = arith.constant 0 : i32
        %dma_wait3A_973 = arith.constant 0 : i32
        %dma_wait3A_974 = tpu.memref_slice %arg3[%dma_wait3A_972, %dma_wait3A_973] : memref<10000x16xf32, #tpu.memory_space<hbm>> -> memref<10000x16xf32, #tpu.memory_space<hbm>>
        tpu.wait_indirect_dma semaphore(%arg45 : memref<!tpu.dma_semaphore, #tpu.memory_space<semaphore_mem>>) src(%dma_wait3A_974 : memref<10000x16xf32, #tpu.memory_space<hbm>>) dst(%arg17 : memref<128x16xf32, #tpu.memory_space<vmem>>)
        %add3A_975 = arith.constant 26 : i32
        %add3A_976 = arith.addi %mul3A_402, %add3A_975 : i32
        %add3A_977 = arith.constant 10 : i32
        %add3A_978 = arith.addi %add3A_976, %add3A_977 : i32
        %dma_start3A_979 = arith.constant 0 : i32
        %dma_start3A_980 = tpu.memref_slice %arg5[%add3A_978, %dma_start3A_979] : memref<79x128xi32, #tpu.memory_space<vmem>> -> memref<1x128xi32, #tpu.memory_space<vmem>>
        %dma_start3A_981 = tpu.memref_squeeze %dma_start3A_980 : memref<1x128xi32, #tpu.memory_space<vmem>> -> memref<128xi32, #tpu.memory_space<vmem>>
        %dma_start3A_982 = arith.constant 0 : i32
        %dma_start3A_983 = arith.constant 0 : i32
        %dma_start3A_984 = tpu.memref_slice %arg3[%dma_start3A_982, %dma_start3A_983] : memref<10000x16xf32, #tpu.memory_space<hbm>> -> memref<10000x16xf32, #tpu.memory_space<hbm>>
        tpu.enqueue_indirect_dma source(%dma_start3A_984 : memref<10000x16xf32, #tpu.memory_space<hbm>>) target(%arg17 : memref<128x16xf32, #tpu.memory_space<vmem>>) offsets(%dma_start3A_981 : memref<128xi32, #tpu.memory_space<vmem>>) semaphore(%arg45 : memref<!tpu.dma_semaphore, #tpu.memory_space<semaphore_mem>>)
        %dma_wait3A_985 = arith.constant 0 : i32
        %dma_wait3A_986 = arith.constant 0 : i32
        %dma_wait3A_987 = tpu.memref_slice %arg5[%dma_wait3A_985, %dma_wait3A_986] : memref<79x128xi32, #tpu.memory_space<vmem>> -> memref<1x128xi32, #tpu.memory_space<vmem>>
        %dma_wait3A_988 = tpu.memref_squeeze %dma_wait3A_987 : memref<1x128xi32, #tpu.memory_space<vmem>> -> memref<128xi32, #tpu.memory_space<vmem>>
        %dma_wait3A_989 = arith.constant 0 : i32
        %dma_wait3A_990 = arith.constant 0 : i32
        %dma_wait3A_991 = tpu.memref_slice %arg3[%dma_wait3A_989, %dma_wait3A_990] : memref<10000x16xf32, #tpu.memory_space<hbm>> -> memref<10000x16xf32, #tpu.memory_space<hbm>>
        tpu.wait_indirect_dma semaphore(%arg46 : memref<!tpu.dma_semaphore, #tpu.memory_space<semaphore_mem>>) src(%dma_wait3A_991 : memref<10000x16xf32, #tpu.memory_space<hbm>>) dst(%arg18 : memref<128x16xf32, #tpu.memory_space<vmem>>)
        %add3A_992 = arith.constant 26 : i32
        %add3A_993 = arith.addi %mul3A_402, %add3A_992 : i32
        %add3A_994 = arith.constant 11 : i32
        %add3A_995 = arith.addi %add3A_993, %add3A_994 : i32
        %dma_start3A_996 = arith.constant 0 : i32
        %dma_start3A_997 = tpu.memref_slice %arg5[%add3A_995, %dma_start3A_996] : memref<79x128xi32, #tpu.memory_space<vmem>> -> memref<1x128xi32, #tpu.memory_space<vmem>>
        %dma_start3A_998 = tpu.memref_squeeze %dma_start3A_997 : memref<1x128xi32, #tpu.memory_space<vmem>> -> memref<128xi32, #tpu.memory_space<vmem>>
        %dma_start3A_999 = arith.constant 0 : i32
        %dma_start3A_1000 = arith.constant 0 : i32
        %dma_start3A_1001 = tpu.memref_slice %arg3[%dma_start3A_999, %dma_start3A_1000] : memref<10000x16xf32, #tpu.memory_space<hbm>> -> memref<10000x16xf32, #tpu.memory_space<hbm>>
        tpu.enqueue_indirect_dma source(%dma_start3A_1001 : memref<10000x16xf32, #tpu.memory_space<hbm>>) target(%arg18 : memref<128x16xf32, #tpu.memory_space<vmem>>) offsets(%dma_start3A_998 : memref<128xi32, #tpu.memory_space<vmem>>) semaphore(%arg46 : memref<!tpu.dma_semaphore, #tpu.memory_space<semaphore_mem>>)
        %dma_wait3A_1002 = arith.constant 0 : i32
        %dma_wait3A_1003 = arith.constant 0 : i32
        %dma_wait3A_1004 = tpu.memref_slice %arg5[%dma_wait3A_1002, %dma_wait3A_1003] : memref<79x128xi32, #tpu.memory_space<vmem>> -> memref<1x128xi32, #tpu.memory_space<vmem>>
        %dma_wait3A_1005 = tpu.memref_squeeze %dma_wait3A_1004 : memref<1x128xi32, #tpu.memory_space<vmem>> -> memref<128xi32, #tpu.memory_space<vmem>>
        %dma_wait3A_1006 = arith.constant 0 : i32
        %dma_wait3A_1007 = arith.constant 0 : i32
        %dma_wait3A_1008 = tpu.memref_slice %arg3[%dma_wait3A_1006, %dma_wait3A_1007] : memref<10000x16xf32, #tpu.memory_space<hbm>> -> memref<10000x16xf32, #tpu.memory_space<hbm>>
        tpu.wait_indirect_dma semaphore(%arg47 : memref<!tpu.dma_semaphore, #tpu.memory_space<semaphore_mem>>) src(%dma_wait3A_1008 : memref<10000x16xf32, #tpu.memory_space<hbm>>) dst(%arg19 : memref<128x16xf32, #tpu.memory_space<vmem>>)
        %add3A_1009 = arith.constant 26 : i32
        %add3A_1010 = arith.addi %mul3A_402, %add3A_1009 : i32
        %add3A_1011 = arith.constant 12 : i32
        %add3A_1012 = arith.addi %add3A_1010, %add3A_1011 : i32
        %dma_start3A_1013 = arith.constant 0 : i32
        %dma_start3A_1014 = tpu.memref_slice %arg5[%add3A_1012, %dma_start3A_1013] : memref<79x128xi32, #tpu.memory_space<vmem>> -> memref<1x128xi32, #tpu.memory_space<vmem>>
        %dma_start3A_1015 = tpu.memref_squeeze %dma_start3A_1014 : memref<1x128xi32, #tpu.memory_space<vmem>> -> memref<128xi32, #tpu.memory_space<vmem>>
        %dma_start3A_1016 = arith.constant 0 : i32
        %dma_start3A_1017 = arith.constant 0 : i32
        %dma_start3A_1018 = tpu.memref_slice %arg3[%dma_start3A_1016, %dma_start3A_1017] : memref<10000x16xf32, #tpu.memory_space<hbm>> -> memref<10000x16xf32, #tpu.memory_space<hbm>>
        tpu.enqueue_indirect_dma source(%dma_start3A_1018 : memref<10000x16xf32, #tpu.memory_space<hbm>>) target(%arg19 : memref<128x16xf32, #tpu.memory_space<vmem>>) offsets(%dma_start3A_1015 : memref<128xi32, #tpu.memory_space<vmem>>) semaphore(%arg47 : memref<!tpu.dma_semaphore, #tpu.memory_space<semaphore_mem>>)
        %dma_wait3A_1019 = arith.constant 0 : i32
        %dma_wait3A_1020 = arith.constant 0 : i32
        %dma_wait3A_1021 = tpu.memref_slice %arg5[%dma_wait3A_1019, %dma_wait3A_1020] : memref<79x128xi32, #tpu.memory_space<vmem>> -> memref<1x128xi32, #tpu.memory_space<vmem>>
        %dma_wait3A_1022 = tpu.memref_squeeze %dma_wait3A_1021 : memref<1x128xi32, #tpu.memory_space<vmem>> -> memref<128xi32, #tpu.memory_space<vmem>>
        %dma_wait3A_1023 = arith.constant 0 : i32
        %dma_wait3A_1024 = arith.constant 0 : i32
        %dma_wait3A_1025 = tpu.memref_slice %arg3[%dma_wait3A_1023, %dma_wait3A_1024] : memref<10000x16xf32, #tpu.memory_space<hbm>> -> memref<10000x16xf32, #tpu.memory_space<hbm>>
        tpu.wait_indirect_dma semaphore(%arg48 : memref<!tpu.dma_semaphore, #tpu.memory_space<semaphore_mem>>) src(%dma_wait3A_1025 : memref<10000x16xf32, #tpu.memory_space<hbm>>) dst(%arg20 : memref<128x16xf32, #tpu.memory_space<vmem>>)
        %add3A_1026 = arith.constant 26 : i32
        %add3A_1027 = arith.addi %mul3A_402, %add3A_1026 : i32
        %add3A_1028 = arith.constant 13 : i32
        %add3A_1029 = arith.addi %add3A_1027, %add3A_1028 : i32
        %dma_start3A_1030 = arith.constant 0 : i32
        %dma_start3A_1031 = tpu.memref_slice %arg5[%add3A_1029, %dma_start3A_1030] : memref<79x128xi32, #tpu.memory_space<vmem>> -> memref<1x128xi32, #tpu.memory_space<vmem>>
        %dma_start3A_1032 = tpu.memref_squeeze %dma_start3A_1031 : memref<1x128xi32, #tpu.memory_space<vmem>> -> memref<128xi32, #tpu.memory_space<vmem>>
        %dma_start3A_1033 = arith.constant 0 : i32
        %dma_start3A_1034 = arith.constant 0 : i32
        %dma_start3A_1035 = tpu.memref_slice %arg3[%dma_start3A_1033, %dma_start3A_1034] : memref<10000x16xf32, #tpu.memory_space<hbm>> -> memref<10000x16xf32, #tpu.memory_space<hbm>>
        tpu.enqueue_indirect_dma source(%dma_start3A_1035 : memref<10000x16xf32, #tpu.memory_space<hbm>>) target(%arg20 : memref<128x16xf32, #tpu.memory_space<vmem>>) offsets(%dma_start3A_1032 : memref<128xi32, #tpu.memory_space<vmem>>) semaphore(%arg48 : memref<!tpu.dma_semaphore, #tpu.memory_space<semaphore_mem>>)
        %dma_wait3A_1036 = arith.constant 0 : i32
        %dma_wait3A_1037 = arith.constant 0 : i32
        %dma_wait3A_1038 = tpu.memref_slice %arg5[%dma_wait3A_1036, %dma_wait3A_1037] : memref<79x128xi32, #tpu.memory_space<vmem>> -> memref<1x128xi32, #tpu.memory_space<vmem>>
        %dma_wait3A_1039 = tpu.memref_squeeze %dma_wait3A_1038 : memref<1x128xi32, #tpu.memory_space<vmem>> -> memref<128xi32, #tpu.memory_space<vmem>>
        %dma_wait3A_1040 = arith.constant 0 : i32
        %dma_wait3A_1041 = arith.constant 0 : i32
        %dma_wait3A_1042 = tpu.memref_slice %arg3[%dma_wait3A_1040, %dma_wait3A_1041] : memref<10000x16xf32, #tpu.memory_space<hbm>> -> memref<10000x16xf32, #tpu.memory_space<hbm>>
        tpu.wait_indirect_dma semaphore(%arg49 : memref<!tpu.dma_semaphore, #tpu.memory_space<semaphore_mem>>) src(%dma_wait3A_1042 : memref<10000x16xf32, #tpu.memory_space<hbm>>) dst(%arg21 : memref<128x16xf32, #tpu.memory_space<vmem>>)
        %add3A_1043 = arith.constant 26 : i32
        %add3A_1044 = arith.addi %mul3A_402, %add3A_1043 : i32
        %add3A_1045 = arith.constant 14 : i32
        %add3A_1046 = arith.addi %add3A_1044, %add3A_1045 : i32
        %dma_start3A_1047 = arith.constant 0 : i32
        %dma_start3A_1048 = tpu.memref_slice %arg5[%add3A_1046, %dma_start3A_1047] : memref<79x128xi32, #tpu.memory_space<vmem>> -> memref<1x128xi32, #tpu.memory_space<vmem>>
        %dma_start3A_1049 = tpu.memref_squeeze %dma_start3A_1048 : memref<1x128xi32, #tpu.memory_space<vmem>> -> memref<128xi32, #tpu.memory_space<vmem>>
        %dma_start3A_1050 = arith.constant 0 : i32
        %dma_start3A_1051 = arith.constant 0 : i32
        %dma_start3A_1052 = tpu.memref_slice %arg3[%dma_start3A_1050, %dma_start3A_1051] : memref<10000x16xf32, #tpu.memory_space<hbm>> -> memref<10000x16xf32, #tpu.memory_space<hbm>>
        tpu.enqueue_indirect_dma source(%dma_start3A_1052 : memref<10000x16xf32, #tpu.memory_space<hbm>>) target(%arg21 : memref<128x16xf32, #tpu.memory_space<vmem>>) offsets(%dma_start3A_1049 : memref<128xi32, #tpu.memory_space<vmem>>) semaphore(%arg49 : memref<!tpu.dma_semaphore, #tpu.memory_space<semaphore_mem>>)
        %dma_wait3A_1053 = arith.constant 0 : i32
        %dma_wait3A_1054 = arith.constant 0 : i32
        %dma_wait3A_1055 = tpu.memref_slice %arg5[%dma_wait3A_1053, %dma_wait3A_1054] : memref<79x128xi32, #tpu.memory_space<vmem>> -> memref<1x128xi32, #tpu.memory_space<vmem>>
        %dma_wait3A_1056 = tpu.memref_squeeze %dma_wait3A_1055 : memref<1x128xi32, #tpu.memory_space<vmem>> -> memref<128xi32, #tpu.memory_space<vmem>>
        %dma_wait3A_1057 = arith.constant 0 : i32
        %dma_wait3A_1058 = arith.constant 0 : i32
        %dma_wait3A_1059 = tpu.memref_slice %arg3[%dma_wait3A_1057, %dma_wait3A_1058] : memref<10000x16xf32, #tpu.memory_space<hbm>> -> memref<10000x16xf32, #tpu.memory_space<hbm>>
        tpu.wait_indirect_dma semaphore(%arg50 : memref<!tpu.dma_semaphore, #tpu.memory_space<semaphore_mem>>) src(%dma_wait3A_1059 : memref<10000x16xf32, #tpu.memory_space<hbm>>) dst(%arg22 : memref<128x16xf32, #tpu.memory_space<vmem>>)
        %add3A_1060 = arith.constant 26 : i32
        %add3A_1061 = arith.addi %mul3A_402, %add3A_1060 : i32
        %add3A_1062 = arith.constant 15 : i32
        %add3A_1063 = arith.addi %add3A_1061, %add3A_1062 : i32
        %dma_start3A_1064 = arith.constant 0 : i32
        %dma_start3A_1065 = tpu.memref_slice %arg5[%add3A_1063, %dma_start3A_1064] : memref<79x128xi32, #tpu.memory_space<vmem>> -> memref<1x128xi32, #tpu.memory_space<vmem>>
        %dma_start3A_1066 = tpu.memref_squeeze %dma_start3A_1065 : memref<1x128xi32, #tpu.memory_space<vmem>> -> memref<128xi32, #tpu.memory_space<vmem>>
        %dma_start3A_1067 = arith.constant 0 : i32
        %dma_start3A_1068 = arith.constant 0 : i32
        %dma_start3A_1069 = tpu.memref_slice %arg3[%dma_start3A_1067, %dma_start3A_1068] : memref<10000x16xf32, #tpu.memory_space<hbm>> -> memref<10000x16xf32, #tpu.memory_space<hbm>>
        tpu.enqueue_indirect_dma source(%dma_start3A_1069 : memref<10000x16xf32, #tpu.memory_space<hbm>>) target(%arg22 : memref<128x16xf32, #tpu.memory_space<vmem>>) offsets(%dma_start3A_1066 : memref<128xi32, #tpu.memory_space<vmem>>) semaphore(%arg50 : memref<!tpu.dma_semaphore, #tpu.memory_space<semaphore_mem>>)
        %dma_wait3A_1070 = arith.constant 0 : i32
        %dma_wait3A_1071 = arith.constant 0 : i32
        %dma_wait3A_1072 = tpu.memref_slice %arg5[%dma_wait3A_1070, %dma_wait3A_1071] : memref<79x128xi32, #tpu.memory_space<vmem>> -> memref<1x128xi32, #tpu.memory_space<vmem>>
        %dma_wait3A_1073 = tpu.memref_squeeze %dma_wait3A_1072 : memref<1x128xi32, #tpu.memory_space<vmem>> -> memref<128xi32, #tpu.memory_space<vmem>>
        %dma_wait3A_1074 = arith.constant 0 : i32
        %dma_wait3A_1075 = arith.constant 0 : i32
        %dma_wait3A_1076 = tpu.memref_slice %arg3[%dma_wait3A_1074, %dma_wait3A_1075] : memref<10000x16xf32, #tpu.memory_space<hbm>> -> memref<10000x16xf32, #tpu.memory_space<hbm>>
        tpu.wait_indirect_dma semaphore(%arg51 : memref<!tpu.dma_semaphore, #tpu.memory_space<semaphore_mem>>) src(%dma_wait3A_1076 : memref<10000x16xf32, #tpu.memory_space<hbm>>) dst(%arg23 : memref<128x16xf32, #tpu.memory_space<vmem>>)
        %add3A_1077 = arith.constant 26 : i32
        %add3A_1078 = arith.addi %mul3A_402, %add3A_1077 : i32
        %add3A_1079 = arith.constant 16 : i32
        %add3A_1080 = arith.addi %add3A_1078, %add3A_1079 : i32
        %dma_start3A_1081 = arith.constant 0 : i32
        %dma_start3A_1082 = tpu.memref_slice %arg5[%add3A_1080, %dma_start3A_1081] : memref<79x128xi32, #tpu.memory_space<vmem>> -> memref<1x128xi32, #tpu.memory_space<vmem>>
        %dma_start3A_1083 = tpu.memref_squeeze %dma_start3A_1082 : memref<1x128xi32, #tpu.memory_space<vmem>> -> memref<128xi32, #tpu.memory_space<vmem>>
        %dma_start3A_1084 = arith.constant 0 : i32
        %dma_start3A_1085 = arith.constant 0 : i32
        %dma_start3A_1086 = tpu.memref_slice %arg3[%dma_start3A_1084, %dma_start3A_1085] : memref<10000x16xf32, #tpu.memory_space<hbm>> -> memref<10000x16xf32, #tpu.memory_space<hbm>>
        tpu.enqueue_indirect_dma source(%dma_start3A_1086 : memref<10000x16xf32, #tpu.memory_space<hbm>>) target(%arg23 : memref<128x16xf32, #tpu.memory_space<vmem>>) offsets(%dma_start3A_1083 : memref<128xi32, #tpu.memory_space<vmem>>) semaphore(%arg51 : memref<!tpu.dma_semaphore, #tpu.memory_space<semaphore_mem>>)
        %dma_wait3A_1087 = arith.constant 0 : i32
        %dma_wait3A_1088 = arith.constant 0 : i32
        %dma_wait3A_1089 = tpu.memref_slice %arg5[%dma_wait3A_1087, %dma_wait3A_1088] : memref<79x128xi32, #tpu.memory_space<vmem>> -> memref<1x128xi32, #tpu.memory_space<vmem>>
        %dma_wait3A_1090 = tpu.memref_squeeze %dma_wait3A_1089 : memref<1x128xi32, #tpu.memory_space<vmem>> -> memref<128xi32, #tpu.memory_space<vmem>>
        %dma_wait3A_1091 = arith.constant 0 : i32
        %dma_wait3A_1092 = arith.constant 0 : i32
        %dma_wait3A_1093 = tpu.memref_slice %arg3[%dma_wait3A_1091, %dma_wait3A_1092] : memref<10000x16xf32, #tpu.memory_space<hbm>> -> memref<10000x16xf32, #tpu.memory_space<hbm>>
        tpu.wait_indirect_dma semaphore(%arg52 : memref<!tpu.dma_semaphore, #tpu.memory_space<semaphore_mem>>) src(%dma_wait3A_1093 : memref<10000x16xf32, #tpu.memory_space<hbm>>) dst(%arg24 : memref<128x16xf32, #tpu.memory_space<vmem>>)
        %add3A_1094 = arith.constant 26 : i32
        %add3A_1095 = arith.addi %mul3A_402, %add3A_1094 : i32
        %add3A_1096 = arith.constant 17 : i32
        %add3A_1097 = arith.addi %add3A_1095, %add3A_1096 : i32
        %dma_start3A_1098 = arith.constant 0 : i32
        %dma_start3A_1099 = tpu.memref_slice %arg5[%add3A_1097, %dma_start3A_1098] : memref<79x128xi32, #tpu.memory_space<vmem>> -> memref<1x128xi32, #tpu.memory_space<vmem>>
        %dma_start3A_1100 = tpu.memref_squeeze %dma_start3A_1099 : memref<1x128xi32, #tpu.memory_space<vmem>> -> memref<128xi32, #tpu.memory_space<vmem>>
        %dma_start3A_1101 = arith.constant 0 : i32
        %dma_start3A_1102 = arith.constant 0 : i32
        %dma_start3A_1103 = tpu.memref_slice %arg3[%dma_start3A_1101, %dma_start3A_1102] : memref<10000x16xf32, #tpu.memory_space<hbm>> -> memref<10000x16xf32, #tpu.memory_space<hbm>>
        tpu.enqueue_indirect_dma source(%dma_start3A_1103 : memref<10000x16xf32, #tpu.memory_space<hbm>>) target(%arg24 : memref<128x16xf32, #tpu.memory_space<vmem>>) offsets(%dma_start3A_1100 : memref<128xi32, #tpu.memory_space<vmem>>) semaphore(%arg52 : memref<!tpu.dma_semaphore, #tpu.memory_space<semaphore_mem>>)
        %dma_wait3A_1104 = arith.constant 0 : i32
        %dma_wait3A_1105 = arith.constant 0 : i32
        %dma_wait3A_1106 = tpu.memref_slice %arg5[%dma_wait3A_1104, %dma_wait3A_1105] : memref<79x128xi32, #tpu.memory_space<vmem>> -> memref<1x128xi32, #tpu.memory_space<vmem>>
        %dma_wait3A_1107 = tpu.memref_squeeze %dma_wait3A_1106 : memref<1x128xi32, #tpu.memory_space<vmem>> -> memref<128xi32, #tpu.memory_space<vmem>>
        %dma_wait3A_1108 = arith.constant 0 : i32
        %dma_wait3A_1109 = arith.constant 0 : i32
        %dma_wait3A_1110 = tpu.memref_slice %arg3[%dma_wait3A_1108, %dma_wait3A_1109] : memref<10000x16xf32, #tpu.memory_space<hbm>> -> memref<10000x16xf32, #tpu.memory_space<hbm>>
        tpu.wait_indirect_dma semaphore(%arg53 : memref<!tpu.dma_semaphore, #tpu.memory_space<semaphore_mem>>) src(%dma_wait3A_1110 : memref<10000x16xf32, #tpu.memory_space<hbm>>) dst(%arg25 : memref<128x16xf32, #tpu.memory_space<vmem>>)
        %add3A_1111 = arith.constant 26 : i32
        %add3A_1112 = arith.addi %mul3A_402, %add3A_1111 : i32
        %add3A_1113 = arith.constant 18 : i32
        %add3A_1114 = arith.addi %add3A_1112, %add3A_1113 : i32
        %dma_start3A_1115 = arith.constant 0 : i32
        %dma_start3A_1116 = tpu.memref_slice %arg5[%add3A_1114, %dma_start3A_1115] : memref<79x128xi32, #tpu.memory_space<vmem>> -> memref<1x128xi32, #tpu.memory_space<vmem>>
        %dma_start3A_1117 = tpu.memref_squeeze %dma_start3A_1116 : memref<1x128xi32, #tpu.memory_space<vmem>> -> memref<128xi32, #tpu.memory_space<vmem>>
        %dma_start3A_1118 = arith.constant 0 : i32
        %dma_start3A_1119 = arith.constant 0 : i32
        %dma_start3A_1120 = tpu.memref_slice %arg3[%dma_start3A_1118, %dma_start3A_1119] : memref<10000x16xf32, #tpu.memory_space<hbm>> -> memref<10000x16xf32, #tpu.memory_space<hbm>>
        tpu.enqueue_indirect_dma source(%dma_start3A_1120 : memref<10000x16xf32, #tpu.memory_space<hbm>>) target(%arg25 : memref<128x16xf32, #tpu.memory_space<vmem>>) offsets(%dma_start3A_1117 : memref<128xi32, #tpu.memory_space<vmem>>) semaphore(%arg53 : memref<!tpu.dma_semaphore, #tpu.memory_space<semaphore_mem>>)
        %dma_wait3A_1121 = arith.constant 0 : i32
        %dma_wait3A_1122 = arith.constant 0 : i32
        %dma_wait3A_1123 = tpu.memref_slice %arg5[%dma_wait3A_1121, %dma_wait3A_1122] : memref<79x128xi32, #tpu.memory_space<vmem>> -> memref<1x128xi32, #tpu.memory_space<vmem>>
        %dma_wait3A_1124 = tpu.memref_squeeze %dma_wait3A_1123 : memref<1x128xi32, #tpu.memory_space<vmem>> -> memref<128xi32, #tpu.memory_space<vmem>>
        %dma_wait3A_1125 = arith.constant 0 : i32
        %dma_wait3A_1126 = arith.constant 0 : i32
        %dma_wait3A_1127 = tpu.memref_slice %arg3[%dma_wait3A_1125, %dma_wait3A_1126] : memref<10000x16xf32, #tpu.memory_space<hbm>> -> memref<10000x16xf32, #tpu.memory_space<hbm>>
        tpu.wait_indirect_dma semaphore(%arg54 : memref<!tpu.dma_semaphore, #tpu.memory_space<semaphore_mem>>) src(%dma_wait3A_1127 : memref<10000x16xf32, #tpu.memory_space<hbm>>) dst(%arg26 : memref<128x16xf32, #tpu.memory_space<vmem>>)
        %add3A_1128 = arith.constant 26 : i32
        %add3A_1129 = arith.addi %mul3A_402, %add3A_1128 : i32
        %add3A_1130 = arith.constant 19 : i32
        %add3A_1131 = arith.addi %add3A_1129, %add3A_1130 : i32
        %dma_start3A_1132 = arith.constant 0 : i32
        %dma_start3A_1133 = tpu.memref_slice %arg5[%add3A_1131, %dma_start3A_1132] : memref<79x128xi32, #tpu.memory_space<vmem>> -> memref<1x128xi32, #tpu.memory_space<vmem>>
        %dma_start3A_1134 = tpu.memref_squeeze %dma_start3A_1133 : memref<1x128xi32, #tpu.memory_space<vmem>> -> memref<128xi32, #tpu.memory_space<vmem>>
        %dma_start3A_1135 = arith.constant 0 : i32
        %dma_start3A_1136 = arith.constant 0 : i32
        %dma_start3A_1137 = tpu.memref_slice %arg3[%dma_start3A_1135, %dma_start3A_1136] : memref<10000x16xf32, #tpu.memory_space<hbm>> -> memref<10000x16xf32, #tpu.memory_space<hbm>>
        tpu.enqueue_indirect_dma source(%dma_start3A_1137 : memref<10000x16xf32, #tpu.memory_space<hbm>>) target(%arg26 : memref<128x16xf32, #tpu.memory_space<vmem>>) offsets(%dma_start3A_1134 : memref<128xi32, #tpu.memory_space<vmem>>) semaphore(%arg54 : memref<!tpu.dma_semaphore, #tpu.memory_space<semaphore_mem>>)
        %dma_wait3A_1138 = arith.constant 0 : i32
        %dma_wait3A_1139 = arith.constant 0 : i32
        %dma_wait3A_1140 = tpu.memref_slice %arg5[%dma_wait3A_1138, %dma_wait3A_1139] : memref<79x128xi32, #tpu.memory_space<vmem>> -> memref<1x128xi32, #tpu.memory_space<vmem>>
        %dma_wait3A_1141 = tpu.memref_squeeze %dma_wait3A_1140 : memref<1x128xi32, #tpu.memory_space<vmem>> -> memref<128xi32, #tpu.memory_space<vmem>>
        %dma_wait3A_1142 = arith.constant 0 : i32
        %dma_wait3A_1143 = arith.constant 0 : i32
        %dma_wait3A_1144 = tpu.memref_slice %arg3[%dma_wait3A_1142, %dma_wait3A_1143] : memref<10000x16xf32, #tpu.memory_space<hbm>> -> memref<10000x16xf32, #tpu.memory_space<hbm>>
        tpu.wait_indirect_dma semaphore(%arg55 : memref<!tpu.dma_semaphore, #tpu.memory_space<semaphore_mem>>) src(%dma_wait3A_1144 : memref<10000x16xf32, #tpu.memory_space<hbm>>) dst(%arg27 : memref<128x16xf32, #tpu.memory_space<vmem>>)
        %add3A_1145 = arith.constant 26 : i32
        %add3A_1146 = arith.addi %mul3A_402, %add3A_1145 : i32
        %add3A_1147 = arith.constant 20 : i32
        %add3A_1148 = arith.addi %add3A_1146, %add3A_1147 : i32
        %dma_start3A_1149 = arith.constant 0 : i32
        %dma_start3A_1150 = tpu.memref_slice %arg5[%add3A_1148, %dma_start3A_1149] : memref<79x128xi32, #tpu.memory_space<vmem>> -> memref<1x128xi32, #tpu.memory_space<vmem>>
        %dma_start3A_1151 = tpu.memref_squeeze %dma_start3A_1150 : memref<1x128xi32, #tpu.memory_space<vmem>> -> memref<128xi32, #tpu.memory_space<vmem>>
        %dma_start3A_1152 = arith.constant 0 : i32
        %dma_start3A_1153 = arith.constant 0 : i32
        %dma_start3A_1154 = tpu.memref_slice %arg3[%dma_start3A_1152, %dma_start3A_1153] : memref<10000x16xf32, #tpu.memory_space<hbm>> -> memref<10000x16xf32, #tpu.memory_space<hbm>>
        tpu.enqueue_indirect_dma source(%dma_start3A_1154 : memref<10000x16xf32, #tpu.memory_space<hbm>>) target(%arg27 : memref<128x16xf32, #tpu.memory_space<vmem>>) offsets(%dma_start3A_1151 : memref<128xi32, #tpu.memory_space<vmem>>) semaphore(%arg55 : memref<!tpu.dma_semaphore, #tpu.memory_space<semaphore_mem>>)
        %dma_wait3A_1155 = arith.constant 0 : i32
        %dma_wait3A_1156 = arith.constant 0 : i32
        %dma_wait3A_1157 = tpu.memref_slice %arg5[%dma_wait3A_1155, %dma_wait3A_1156] : memref<79x128xi32, #tpu.memory_space<vmem>> -> memref<1x128xi32, #tpu.memory_space<vmem>>
        %dma_wait3A_1158 = tpu.memref_squeeze %dma_wait3A_1157 : memref<1x128xi32, #tpu.memory_space<vmem>> -> memref<128xi32, #tpu.memory_space<vmem>>
        %dma_wait3A_1159 = arith.constant 0 : i32
        %dma_wait3A_1160 = arith.constant 0 : i32
        %dma_wait3A_1161 = tpu.memref_slice %arg3[%dma_wait3A_1159, %dma_wait3A_1160] : memref<10000x16xf32, #tpu.memory_space<hbm>> -> memref<10000x16xf32, #tpu.memory_space<hbm>>
        tpu.wait_indirect_dma semaphore(%arg56 : memref<!tpu.dma_semaphore, #tpu.memory_space<semaphore_mem>>) src(%dma_wait3A_1161 : memref<10000x16xf32, #tpu.memory_space<hbm>>) dst(%arg28 : memref<128x16xf32, #tpu.memory_space<vmem>>)
        %add3A_1162 = arith.constant 26 : i32
        %add3A_1163 = arith.addi %mul3A_402, %add3A_1162 : i32
        %add3A_1164 = arith.constant 21 : i32
        %add3A_1165 = arith.addi %add3A_1163, %add3A_1164 : i32
        %dma_start3A_1166 = arith.constant 0 : i32
        %dma_start3A_1167 = tpu.memref_slice %arg5[%add3A_1165, %dma_start3A_1166] : memref<79x128xi32, #tpu.memory_space<vmem>> -> memref<1x128xi32, #tpu.memory_space<vmem>>
        %dma_start3A_1168 = tpu.memref_squeeze %dma_start3A_1167 : memref<1x128xi32, #tpu.memory_space<vmem>> -> memref<128xi32, #tpu.memory_space<vmem>>
        %dma_start3A_1169 = arith.constant 0 : i32
        %dma_start3A_1170 = arith.constant 0 : i32
        %dma_start3A_1171 = tpu.memref_slice %arg3[%dma_start3A_1169, %dma_start3A_1170] : memref<10000x16xf32, #tpu.memory_space<hbm>> -> memref<10000x16xf32, #tpu.memory_space<hbm>>
        tpu.enqueue_indirect_dma source(%dma_start3A_1171 : memref<10000x16xf32, #tpu.memory_space<hbm>>) target(%arg28 : memref<128x16xf32, #tpu.memory_space<vmem>>) offsets(%dma_start3A_1168 : memref<128xi32, #tpu.memory_space<vmem>>) semaphore(%arg56 : memref<!tpu.dma_semaphore, #tpu.memory_space<semaphore_mem>>)
        %dma_wait3A_1172 = arith.constant 0 : i32
        %dma_wait3A_1173 = arith.constant 0 : i32
        %dma_wait3A_1174 = tpu.memref_slice %arg5[%dma_wait3A_1172, %dma_wait3A_1173] : memref<79x128xi32, #tpu.memory_space<vmem>> -> memref<1x128xi32, #tpu.memory_space<vmem>>
        %dma_wait3A_1175 = tpu.memref_squeeze %dma_wait3A_1174 : memref<1x128xi32, #tpu.memory_space<vmem>> -> memref<128xi32, #tpu.memory_space<vmem>>
        %dma_wait3A_1176 = arith.constant 0 : i32
        %dma_wait3A_1177 = arith.constant 0 : i32
        %dma_wait3A_1178 = tpu.memref_slice %arg3[%dma_wait3A_1176, %dma_wait3A_1177] : memref<10000x16xf32, #tpu.memory_space<hbm>> -> memref<10000x16xf32, #tpu.memory_space<hbm>>
        tpu.wait_indirect_dma semaphore(%arg57 : memref<!tpu.dma_semaphore, #tpu.memory_space<semaphore_mem>>) src(%dma_wait3A_1178 : memref<10000x16xf32, #tpu.memory_space<hbm>>) dst(%arg29 : memref<128x16xf32, #tpu.memory_space<vmem>>)
        %add3A_1179 = arith.constant 26 : i32
        %add3A_1180 = arith.addi %mul3A_402, %add3A_1179 : i32
        %add3A_1181 = arith.constant 22 : i32
        %add3A_1182 = arith.addi %add3A_1180, %add3A_1181 : i32
        %dma_start3A_1183 = arith.constant 0 : i32
        %dma_start3A_1184 = tpu.memref_slice %arg5[%add3A_1182, %dma_start3A_1183] : memref<79x128xi32, #tpu.memory_space<vmem>> -> memref<1x128xi32, #tpu.memory_space<vmem>>
        %dma_start3A_1185 = tpu.memref_squeeze %dma_start3A_1184 : memref<1x128xi32, #tpu.memory_space<vmem>> -> memref<128xi32, #tpu.memory_space<vmem>>
        %dma_start3A_1186 = arith.constant 0 : i32
        %dma_start3A_1187 = arith.constant 0 : i32
        %dma_start3A_1188 = tpu.memref_slice %arg3[%dma_start3A_1186, %dma_start3A_1187] : memref<10000x16xf32, #tpu.memory_space<hbm>> -> memref<10000x16xf32, #tpu.memory_space<hbm>>
        tpu.enqueue_indirect_dma source(%dma_start3A_1188 : memref<10000x16xf32, #tpu.memory_space<hbm>>) target(%arg29 : memref<128x16xf32, #tpu.memory_space<vmem>>) offsets(%dma_start3A_1185 : memref<128xi32, #tpu.memory_space<vmem>>) semaphore(%arg57 : memref<!tpu.dma_semaphore, #tpu.memory_space<semaphore_mem>>)
        %dma_wait3A_1189 = arith.constant 0 : i32
        %dma_wait3A_1190 = arith.constant 0 : i32
        %dma_wait3A_1191 = tpu.memref_slice %arg5[%dma_wait3A_1189, %dma_wait3A_1190] : memref<79x128xi32, #tpu.memory_space<vmem>> -> memref<1x128xi32, #tpu.memory_space<vmem>>
        %dma_wait3A_1192 = tpu.memref_squeeze %dma_wait3A_1191 : memref<1x128xi32, #tpu.memory_space<vmem>> -> memref<128xi32, #tpu.memory_space<vmem>>
        %dma_wait3A_1193 = arith.constant 0 : i32
        %dma_wait3A_1194 = arith.constant 0 : i32
        %dma_wait3A_1195 = tpu.memref_slice %arg3[%dma_wait3A_1193, %dma_wait3A_1194] : memref<10000x16xf32, #tpu.memory_space<hbm>> -> memref<10000x16xf32, #tpu.memory_space<hbm>>
        tpu.wait_indirect_dma semaphore(%arg58 : memref<!tpu.dma_semaphore, #tpu.memory_space<semaphore_mem>>) src(%dma_wait3A_1195 : memref<10000x16xf32, #tpu.memory_space<hbm>>) dst(%arg30 : memref<128x16xf32, #tpu.memory_space<vmem>>)
        %add3A_1196 = arith.constant 26 : i32
        %add3A_1197 = arith.addi %mul3A_402, %add3A_1196 : i32
        %add3A_1198 = arith.constant 23 : i32
        %add3A_1199 = arith.addi %add3A_1197, %add3A_1198 : i32
        %dma_start3A_1200 = arith.constant 0 : i32
        %dma_start3A_1201 = tpu.memref_slice %arg5[%add3A_1199, %dma_start3A_1200] : memref<79x128xi32, #tpu.memory_space<vmem>> -> memref<1x128xi32, #tpu.memory_space<vmem>>
        %dma_start3A_1202 = tpu.memref_squeeze %dma_start3A_1201 : memref<1x128xi32, #tpu.memory_space<vmem>> -> memref<128xi32, #tpu.memory_space<vmem>>
        %dma_start3A_1203 = arith.constant 0 : i32
        %dma_start3A_1204 = arith.constant 0 : i32
        %dma_start3A_1205 = tpu.memref_slice %arg3[%dma_start3A_1203, %dma_start3A_1204] : memref<10000x16xf32, #tpu.memory_space<hbm>> -> memref<10000x16xf32, #tpu.memory_space<hbm>>
        tpu.enqueue_indirect_dma source(%dma_start3A_1205 : memref<10000x16xf32, #tpu.memory_space<hbm>>) target(%arg30 : memref<128x16xf32, #tpu.memory_space<vmem>>) offsets(%dma_start3A_1202 : memref<128xi32, #tpu.memory_space<vmem>>) semaphore(%arg58 : memref<!tpu.dma_semaphore, #tpu.memory_space<semaphore_mem>>)
        %dma_wait3A_1206 = arith.constant 0 : i32
        %dma_wait3A_1207 = arith.constant 0 : i32
        %dma_wait3A_1208 = tpu.memref_slice %arg5[%dma_wait3A_1206, %dma_wait3A_1207] : memref<79x128xi32, #tpu.memory_space<vmem>> -> memref<1x128xi32, #tpu.memory_space<vmem>>
        %dma_wait3A_1209 = tpu.memref_squeeze %dma_wait3A_1208 : memref<1x128xi32, #tpu.memory_space<vmem>> -> memref<128xi32, #tpu.memory_space<vmem>>
        %dma_wait3A_1210 = arith.constant 0 : i32
        %dma_wait3A_1211 = arith.constant 0 : i32
        %dma_wait3A_1212 = tpu.memref_slice %arg3[%dma_wait3A_1210, %dma_wait3A_1211] : memref<10000x16xf32, #tpu.memory_space<hbm>> -> memref<10000x16xf32, #tpu.memory_space<hbm>>
        tpu.wait_indirect_dma semaphore(%arg59 : memref<!tpu.dma_semaphore, #tpu.memory_space<semaphore_mem>>) src(%dma_wait3A_1212 : memref<10000x16xf32, #tpu.memory_space<hbm>>) dst(%arg31 : memref<128x16xf32, #tpu.memory_space<vmem>>)
        %add3A_1213 = arith.constant 26 : i32
        %add3A_1214 = arith.addi %mul3A_402, %add3A_1213 : i32
        %add3A_1215 = arith.constant 24 : i32
        %add3A_1216 = arith.addi %add3A_1214, %add3A_1215 : i32
        %dma_start3A_1217 = arith.constant 0 : i32
        %dma_start3A_1218 = tpu.memref_slice %arg5[%add3A_1216, %dma_start3A_1217] : memref<79x128xi32, #tpu.memory_space<vmem>> -> memref<1x128xi32, #tpu.memory_space<vmem>>
        %dma_start3A_1219 = tpu.memref_squeeze %dma_start3A_1218 : memref<1x128xi32, #tpu.memory_space<vmem>> -> memref<128xi32, #tpu.memory_space<vmem>>
        %dma_start3A_1220 = arith.constant 0 : i32
        %dma_start3A_1221 = arith.constant 0 : i32
        %dma_start3A_1222 = tpu.memref_slice %arg3[%dma_start3A_1220, %dma_start3A_1221] : memref<10000x16xf32, #tpu.memory_space<hbm>> -> memref<10000x16xf32, #tpu.memory_space<hbm>>
        tpu.enqueue_indirect_dma source(%dma_start3A_1222 : memref<10000x16xf32, #tpu.memory_space<hbm>>) target(%arg31 : memref<128x16xf32, #tpu.memory_space<vmem>>) offsets(%dma_start3A_1219 : memref<128xi32, #tpu.memory_space<vmem>>) semaphore(%arg59 : memref<!tpu.dma_semaphore, #tpu.memory_space<semaphore_mem>>)
        %dma_wait3A_1223 = arith.constant 0 : i32
        %dma_wait3A_1224 = arith.constant 0 : i32
        %dma_wait3A_1225 = tpu.memref_slice %arg5[%dma_wait3A_1223, %dma_wait3A_1224] : memref<79x128xi32, #tpu.memory_space<vmem>> -> memref<1x128xi32, #tpu.memory_space<vmem>>
        %dma_wait3A_1226 = tpu.memref_squeeze %dma_wait3A_1225 : memref<1x128xi32, #tpu.memory_space<vmem>> -> memref<128xi32, #tpu.memory_space<vmem>>
        %dma_wait3A_1227 = arith.constant 0 : i32
        %dma_wait3A_1228 = arith.constant 0 : i32
        %dma_wait3A_1229 = tpu.memref_slice %arg3[%dma_wait3A_1227, %dma_wait3A_1228] : memref<10000x16xf32, #tpu.memory_space<hbm>> -> memref<10000x16xf32, #tpu.memory_space<hbm>>
        tpu.wait_indirect_dma semaphore(%arg60 : memref<!tpu.dma_semaphore, #tpu.memory_space<semaphore_mem>>) src(%dma_wait3A_1229 : memref<10000x16xf32, #tpu.memory_space<hbm>>) dst(%arg32 : memref<128x16xf32, #tpu.memory_space<vmem>>)
        %add3A_1230 = arith.constant 26 : i32
        %add3A_1231 = arith.addi %mul3A_402, %add3A_1230 : i32
        %add3A_1232 = arith.constant 25 : i32
        %add3A_1233 = arith.addi %add3A_1231, %add3A_1232 : i32
        %dma_start3A_1234 = arith.constant 0 : i32
        %dma_start3A_1235 = tpu.memref_slice %arg5[%add3A_1233, %dma_start3A_1234] : memref<79x128xi32, #tpu.memory_space<vmem>> -> memref<1x128xi32, #tpu.memory_space<vmem>>
        %dma_start3A_1236 = tpu.memref_squeeze %dma_start3A_1235 : memref<1x128xi32, #tpu.memory_space<vmem>> -> memref<128xi32, #tpu.memory_space<vmem>>
        %dma_start3A_1237 = arith.constant 0 : i32
        %dma_start3A_1238 = arith.constant 0 : i32
        %dma_start3A_1239 = tpu.memref_slice %arg3[%dma_start3A_1237, %dma_start3A_1238] : memref<10000x16xf32, #tpu.memory_space<hbm>> -> memref<10000x16xf32, #tpu.memory_space<hbm>>
        tpu.enqueue_indirect_dma source(%dma_start3A_1239 : memref<10000x16xf32, #tpu.memory_space<hbm>>) target(%arg32 : memref<128x16xf32, #tpu.memory_space<vmem>>) offsets(%dma_start3A_1236 : memref<128xi32, #tpu.memory_space<vmem>>) semaphore(%arg60 : memref<!tpu.dma_semaphore, #tpu.memory_space<semaphore_mem>>)
      } else {
      }
    }
    %scan3A_203 = arith.constant 3 : i32
    %dma_wait3A = arith.constant 0 : i32
    %dma_wait3A_204 = arith.constant 0 : i32
    %dma_wait3A_205 = tpu.memref_slice %arg5[%dma_wait3A, %dma_wait3A_204] : memref<79x128xi32, #tpu.memory_space<vmem>> -> memref<1x128xi32, #tpu.memory_space<vmem>>
    %dma_wait3A_206 = tpu.memref_squeeze %dma_wait3A_205 : memref<1x128xi32, #tpu.memory_space<vmem>> -> memref<128xi32, #tpu.memory_space<vmem>>
    %dma_wait3A_207 = arith.constant 0 : i32
    %dma_wait3A_208 = arith.constant 0 : i32
    %dma_wait3A_209 = tpu.memref_slice %arg3[%dma_wait3A_207, %dma_wait3A_208] : memref<10000x16xf32, #tpu.memory_space<hbm>> -> memref<10000x16xf32, #tpu.memory_space<hbm>>
    tpu.wait_indirect_dma semaphore(%arg35 : memref<!tpu.dma_semaphore, #tpu.memory_space<semaphore_mem>>) src(%dma_wait3A_209 : memref<10000x16xf32, #tpu.memory_space<hbm>>) dst(%arg7 : memref<128x16xf32, #tpu.memory_space<vmem>>)
    %dma_wait3A_210 = arith.constant 0 : i32
    %dma_wait3A_211 = arith.constant 0 : i32
    %dma_wait3A_212 = tpu.memref_slice %arg5[%dma_wait3A_210, %dma_wait3A_211] : memref<79x128xi32, #tpu.memory_space<vmem>> -> memref<1x128xi32, #tpu.memory_space<vmem>>
    %dma_wait3A_213 = tpu.memref_squeeze %dma_wait3A_212 : memref<1x128xi32, #tpu.memory_space<vmem>> -> memref<128xi32, #tpu.memory_space<vmem>>
    %dma_wait3A_214 = arith.constant 0 : i32
    %dma_wait3A_215 = arith.constant 0 : i32
    %dma_wait3A_216 = tpu.memref_slice %arg3[%dma_wait3A_214, %dma_wait3A_215] : memref<10000x16xf32, #tpu.memory_space<hbm>> -> memref<10000x16xf32, #tpu.memory_space<hbm>>
    tpu.wait_indirect_dma semaphore(%arg36 : memref<!tpu.dma_semaphore, #tpu.memory_space<semaphore_mem>>) src(%dma_wait3A_216 : memref<10000x16xf32, #tpu.memory_space<hbm>>) dst(%arg8 : memref<128x16xf32, #tpu.memory_space<vmem>>)
    %dma_wait3A_217 = arith.constant 0 : i32
    %dma_wait3A_218 = arith.constant 0 : i32
    %dma_wait3A_219 = tpu.memref_slice %arg5[%dma_wait3A_217, %dma_wait3A_218] : memref<79x128xi32, #tpu.memory_space<vmem>> -> memref<1x128xi32, #tpu.memory_space<vmem>>
    %dma_wait3A_220 = tpu.memref_squeeze %dma_wait3A_219 : memref<1x128xi32, #tpu.memory_space<vmem>> -> memref<128xi32, #tpu.memory_space<vmem>>
    %dma_wait3A_221 = arith.constant 0 : i32
    %dma_wait3A_222 = arith.constant 0 : i32
    %dma_wait3A_223 = tpu.memref_slice %arg3[%dma_wait3A_221, %dma_wait3A_222] : memref<10000x16xf32, #tpu.memory_space<hbm>> -> memref<10000x16xf32, #tpu.memory_space<hbm>>
    tpu.wait_indirect_dma semaphore(%arg37 : memref<!tpu.dma_semaphore, #tpu.memory_space<semaphore_mem>>) src(%dma_wait3A_223 : memref<10000x16xf32, #tpu.memory_space<hbm>>) dst(%arg9 : memref<128x16xf32, #tpu.memory_space<vmem>>)
    %dma_wait3A_224 = arith.constant 0 : i32
    %dma_wait3A_225 = arith.constant 0 : i32
    %dma_wait3A_226 = tpu.memref_slice %arg5[%dma_wait3A_224, %dma_wait3A_225] : memref<79x128xi32, #tpu.memory_space<vmem>> -> memref<1x128xi32, #tpu.memory_space<vmem>>
    %dma_wait3A_227 = tpu.memref_squeeze %dma_wait3A_226 : memref<1x128xi32, #tpu.memory_space<vmem>> -> memref<128xi32, #tpu.memory_space<vmem>>
    %dma_wait3A_228 = arith.constant 0 : i32
    %dma_wait3A_229 = arith.constant 0 : i32
    %dma_wait3A_230 = tpu.memref_slice %arg3[%dma_wait3A_228, %dma_wait3A_229] : memref<10000x16xf32, #tpu.memory_space<hbm>> -> memref<10000x16xf32, #tpu.memory_space<hbm>>
    tpu.wait_indirect_dma semaphore(%arg38 : memref<!tpu.dma_semaphore, #tpu.memory_space<semaphore_mem>>) src(%dma_wait3A_230 : memref<10000x16xf32, #tpu.memory_space<hbm>>) dst(%arg10 : memref<128x16xf32, #tpu.memory_space<vmem>>)
    %dma_wait3A_231 = arith.constant 0 : i32
    %dma_wait3A_232 = arith.constant 0 : i32
    %dma_wait3A_233 = tpu.memref_slice %arg5[%dma_wait3A_231, %dma_wait3A_232] : memref<79x128xi32, #tpu.memory_space<vmem>> -> memref<1x128xi32, #tpu.memory_space<vmem>>
    %dma_wait3A_234 = tpu.memref_squeeze %dma_wait3A_233 : memref<1x128xi32, #tpu.memory_space<vmem>> -> memref<128xi32, #tpu.memory_space<vmem>>
    %dma_wait3A_235 = arith.constant 0 : i32
    %dma_wait3A_236 = arith.constant 0 : i32
    %dma_wait3A_237 = tpu.memref_slice %arg3[%dma_wait3A_235, %dma_wait3A_236] : memref<10000x16xf32, #tpu.memory_space<hbm>> -> memref<10000x16xf32, #tpu.memory_space<hbm>>
    tpu.wait_indirect_dma semaphore(%arg39 : memref<!tpu.dma_semaphore, #tpu.memory_space<semaphore_mem>>) src(%dma_wait3A_237 : memref<10000x16xf32, #tpu.memory_space<hbm>>) dst(%arg11 : memref<128x16xf32, #tpu.memory_space<vmem>>)
    %dma_wait3A_238 = arith.constant 0 : i32
    %dma_wait3A_239 = arith.constant 0 : i32
    %dma_wait3A_240 = tpu.memref_slice %arg5[%dma_wait3A_238, %dma_wait3A_239] : memref<79x128xi32, #tpu.memory_space<vmem>> -> memref<1x128xi32, #tpu.memory_space<vmem>>
    %dma_wait3A_241 = tpu.memref_squeeze %dma_wait3A_240 : memref<1x128xi32, #tpu.memory_space<vmem>> -> memref<128xi32, #tpu.memory_space<vmem>>
    %dma_wait3A_242 = arith.constant 0 : i32
    %dma_wait3A_243 = arith.constant 0 : i32
    %dma_wait3A_244 = tpu.memref_slice %arg3[%dma_wait3A_242, %dma_wait3A_243] : memref<10000x16xf32, #tpu.memory_space<hbm>> -> memref<10000x16xf32, #tpu.memory_space<hbm>>
    tpu.wait_indirect_dma semaphore(%arg40 : memref<!tpu.dma_semaphore, #tpu.memory_space<semaphore_mem>>) src(%dma_wait3A_244 : memref<10000x16xf32, #tpu.memory_space<hbm>>) dst(%arg12 : memref<128x16xf32, #tpu.memory_space<vmem>>)
    %dma_wait3A_245 = arith.constant 0 : i32
    %dma_wait3A_246 = arith.constant 0 : i32
    %dma_wait3A_247 = tpu.memref_slice %arg5[%dma_wait3A_245, %dma_wait3A_246] : memref<79x128xi32, #tpu.memory_space<vmem>> -> memref<1x128xi32, #tpu.memory_space<vmem>>
    %dma_wait3A_248 = tpu.memref_squeeze %dma_wait3A_247 : memref<1x128xi32, #tpu.memory_space<vmem>> -> memref<128xi32, #tpu.memory_space<vmem>>
    %dma_wait3A_249 = arith.constant 0 : i32
    %dma_wait3A_250 = arith.constant 0 : i32
    %dma_wait3A_251 = tpu.memref_slice %arg3[%dma_wait3A_249, %dma_wait3A_250] : memref<10000x16xf32, #tpu.memory_space<hbm>> -> memref<10000x16xf32, #tpu.memory_space<hbm>>
    tpu.wait_indirect_dma semaphore(%arg41 : memref<!tpu.dma_semaphore, #tpu.memory_space<semaphore_mem>>) src(%dma_wait3A_251 : memref<10000x16xf32, #tpu.memory_space<hbm>>) dst(%arg13 : memref<128x16xf32, #tpu.memory_space<vmem>>)
    %dma_wait3A_252 = arith.constant 0 : i32
    %dma_wait3A_253 = arith.constant 0 : i32
    %dma_wait3A_254 = tpu.memref_slice %arg5[%dma_wait3A_252, %dma_wait3A_253] : memref<79x128xi32, #tpu.memory_space<vmem>> -> memref<1x128xi32, #tpu.memory_space<vmem>>
    %dma_wait3A_255 = tpu.memref_squeeze %dma_wait3A_254 : memref<1x128xi32, #tpu.memory_space<vmem>> -> memref<128xi32, #tpu.memory_space<vmem>>
    %dma_wait3A_256 = arith.constant 0 : i32
    %dma_wait3A_257 = arith.constant 0 : i32
    %dma_wait3A_258 = tpu.memref_slice %arg3[%dma_wait3A_256, %dma_wait3A_257] : memref<10000x16xf32, #tpu.memory_space<hbm>> -> memref<10000x16xf32, #tpu.memory_space<hbm>>
    tpu.wait_indirect_dma semaphore(%arg42 : memref<!tpu.dma_semaphore, #tpu.memory_space<semaphore_mem>>) src(%dma_wait3A_258 : memref<10000x16xf32, #tpu.memory_space<hbm>>) dst(%arg14 : memref<128x16xf32, #tpu.memory_space<vmem>>)
    %dma_wait3A_259 = arith.constant 0 : i32
    %dma_wait3A_260 = arith.constant 0 : i32
    %dma_wait3A_261 = tpu.memref_slice %arg5[%dma_wait3A_259, %dma_wait3A_260] : memref<79x128xi32, #tpu.memory_space<vmem>> -> memref<1x128xi32, #tpu.memory_space<vmem>>
    %dma_wait3A_262 = tpu.memref_squeeze %dma_wait3A_261 : memref<1x128xi32, #tpu.memory_space<vmem>> -> memref<128xi32, #tpu.memory_space<vmem>>
    %dma_wait3A_263 = arith.constant 0 : i32
    %dma_wait3A_264 = arith.constant 0 : i32
    %dma_wait3A_265 = tpu.memref_slice %arg3[%dma_wait3A_263, %dma_wait3A_264] : memref<10000x16xf32, #tpu.memory_space<hbm>> -> memref<10000x16xf32, #tpu.memory_space<hbm>>
    tpu.wait_indirect_dma semaphore(%arg43 : memref<!tpu.dma_semaphore, #tpu.memory_space<semaphore_mem>>) src(%dma_wait3A_265 : memref<10000x16xf32, #tpu.memory_space<hbm>>) dst(%arg15 : memref<128x16xf32, #tpu.memory_space<vmem>>)
    %dma_wait3A_266 = arith.constant 0 : i32
    %dma_wait3A_267 = arith.constant 0 : i32
    %dma_wait3A_268 = tpu.memref_slice %arg5[%dma_wait3A_266, %dma_wait3A_267] : memref<79x128xi32, #tpu.memory_space<vmem>> -> memref<1x128xi32, #tpu.memory_space<vmem>>
    %dma_wait3A_269 = tpu.memref_squeeze %dma_wait3A_268 : memref<1x128xi32, #tpu.memory_space<vmem>> -> memref<128xi32, #tpu.memory_space<vmem>>
    %dma_wait3A_270 = arith.constant 0 : i32
    %dma_wait3A_271 = arith.constant 0 : i32
    %dma_wait3A_272 = tpu.memref_slice %arg3[%dma_wait3A_270, %dma_wait3A_271] : memref<10000x16xf32, #tpu.memory_space<hbm>> -> memref<10000x16xf32, #tpu.memory_space<hbm>>
    tpu.wait_indirect_dma semaphore(%arg44 : memref<!tpu.dma_semaphore, #tpu.memory_space<semaphore_mem>>) src(%dma_wait3A_272 : memref<10000x16xf32, #tpu.memory_space<hbm>>) dst(%arg16 : memref<128x16xf32, #tpu.memory_space<vmem>>)
    %dma_wait3A_273 = arith.constant 0 : i32
    %dma_wait3A_274 = arith.constant 0 : i32
    %dma_wait3A_275 = tpu.memref_slice %arg5[%dma_wait3A_273, %dma_wait3A_274] : memref<79x128xi32, #tpu.memory_space<vmem>> -> memref<1x128xi32, #tpu.memory_space<vmem>>
    %dma_wait3A_276 = tpu.memref_squeeze %dma_wait3A_275 : memref<1x128xi32, #tpu.memory_space<vmem>> -> memref<128xi32, #tpu.memory_space<vmem>>
    %dma_wait3A_277 = arith.constant 0 : i32
    %dma_wait3A_278 = arith.constant 0 : i32
    %dma_wait3A_279 = tpu.memref_slice %arg3[%dma_wait3A_277, %dma_wait3A_278] : memref<10000x16xf32, #tpu.memory_space<hbm>> -> memref<10000x16xf32, #tpu.memory_space<hbm>>
    tpu.wait_indirect_dma semaphore(%arg45 : memref<!tpu.dma_semaphore, #tpu.memory_space<semaphore_mem>>) src(%dma_wait3A_279 : memref<10000x16xf32, #tpu.memory_space<hbm>>) dst(%arg17 : memref<128x16xf32, #tpu.memory_space<vmem>>)
    %dma_wait3A_280 = arith.constant 0 : i32
    %dma_wait3A_281 = arith.constant 0 : i32
    %dma_wait3A_282 = tpu.memref_slice %arg5[%dma_wait3A_280, %dma_wait3A_281] : memref<79x128xi32, #tpu.memory_space<vmem>> -> memref<1x128xi32, #tpu.memory_space<vmem>>
    %dma_wait3A_283 = tpu.memref_squeeze %dma_wait3A_282 : memref<1x128xi32, #tpu.memory_space<vmem>> -> memref<128xi32, #tpu.memory_space<vmem>>
    %dma_wait3A_284 = arith.constant 0 : i32
    %dma_wait3A_285 = arith.constant 0 : i32
    %dma_wait3A_286 = tpu.memref_slice %arg3[%dma_wait3A_284, %dma_wait3A_285] : memref<10000x16xf32, #tpu.memory_space<hbm>> -> memref<10000x16xf32, #tpu.memory_space<hbm>>
    tpu.wait_indirect_dma semaphore(%arg46 : memref<!tpu.dma_semaphore, #tpu.memory_space<semaphore_mem>>) src(%dma_wait3A_286 : memref<10000x16xf32, #tpu.memory_space<hbm>>) dst(%arg18 : memref<128x16xf32, #tpu.memory_space<vmem>>)
    %dma_wait3A_287 = arith.constant 0 : i32
    %dma_wait3A_288 = arith.constant 0 : i32
    %dma_wait3A_289 = tpu.memref_slice %arg5[%dma_wait3A_287, %dma_wait3A_288] : memref<79x128xi32, #tpu.memory_space<vmem>> -> memref<1x128xi32, #tpu.memory_space<vmem>>
    %dma_wait3A_290 = tpu.memref_squeeze %dma_wait3A_289 : memref<1x128xi32, #tpu.memory_space<vmem>> -> memref<128xi32, #tpu.memory_space<vmem>>
    %dma_wait3A_291 = arith.constant 0 : i32
    %dma_wait3A_292 = arith.constant 0 : i32
    %dma_wait3A_293 = tpu.memref_slice %arg3[%dma_wait3A_291, %dma_wait3A_292] : memref<10000x16xf32, #tpu.memory_space<hbm>> -> memref<10000x16xf32, #tpu.memory_space<hbm>>
    tpu.wait_indirect_dma semaphore(%arg47 : memref<!tpu.dma_semaphore, #tpu.memory_space<semaphore_mem>>) src(%dma_wait3A_293 : memref<10000x16xf32, #tpu.memory_space<hbm>>) dst(%arg19 : memref<128x16xf32, #tpu.memory_space<vmem>>)
    %dma_wait3A_294 = arith.constant 0 : i32
    %dma_wait3A_295 = arith.constant 0 : i32
    %dma_wait3A_296 = tpu.memref_slice %arg5[%dma_wait3A_294, %dma_wait3A_295] : memref<79x128xi32, #tpu.memory_space<vmem>> -> memref<1x128xi32, #tpu.memory_space<vmem>>
    %dma_wait3A_297 = tpu.memref_squeeze %dma_wait3A_296 : memref<1x128xi32, #tpu.memory_space<vmem>> -> memref<128xi32, #tpu.memory_space<vmem>>
    %dma_wait3A_298 = arith.constant 0 : i32
    %dma_wait3A_299 = arith.constant 0 : i32
    %dma_wait3A_300 = tpu.memref_slice %arg3[%dma_wait3A_298, %dma_wait3A_299] : memref<10000x16xf32, #tpu.memory_space<hbm>> -> memref<10000x16xf32, #tpu.memory_space<hbm>>
    tpu.wait_indirect_dma semaphore(%arg48 : memref<!tpu.dma_semaphore, #tpu.memory_space<semaphore_mem>>) src(%dma_wait3A_300 : memref<10000x16xf32, #tpu.memory_space<hbm>>) dst(%arg20 : memref<128x16xf32, #tpu.memory_space<vmem>>)
    %dma_wait3A_301 = arith.constant 0 : i32
    %dma_wait3A_302 = arith.constant 0 : i32
    %dma_wait3A_303 = tpu.memref_slice %arg5[%dma_wait3A_301, %dma_wait3A_302] : memref<79x128xi32, #tpu.memory_space<vmem>> -> memref<1x128xi32, #tpu.memory_space<vmem>>
    %dma_wait3A_304 = tpu.memref_squeeze %dma_wait3A_303 : memref<1x128xi32, #tpu.memory_space<vmem>> -> memref<128xi32, #tpu.memory_space<vmem>>
    %dma_wait3A_305 = arith.constant 0 : i32
    %dma_wait3A_306 = arith.constant 0 : i32
    %dma_wait3A_307 = tpu.memref_slice %arg3[%dma_wait3A_305, %dma_wait3A_306] : memref<10000x16xf32, #tpu.memory_space<hbm>> -> memref<10000x16xf32, #tpu.memory_space<hbm>>
    tpu.wait_indirect_dma semaphore(%arg49 : memref<!tpu.dma_semaphore, #tpu.memory_space<semaphore_mem>>) src(%dma_wait3A_307 : memref<10000x16xf32, #tpu.memory_space<hbm>>) dst(%arg21 : memref<128x16xf32, #tpu.memory_space<vmem>>)
    %dma_wait3A_308 = arith.constant 0 : i32
    %dma_wait3A_309 = arith.constant 0 : i32
    %dma_wait3A_310 = tpu.memref_slice %arg5[%dma_wait3A_308, %dma_wait3A_309] : memref<79x128xi32, #tpu.memory_space<vmem>> -> memref<1x128xi32, #tpu.memory_space<vmem>>
    %dma_wait3A_311 = tpu.memref_squeeze %dma_wait3A_310 : memref<1x128xi32, #tpu.memory_space<vmem>> -> memref<128xi32, #tpu.memory_space<vmem>>
    %dma_wait3A_312 = arith.constant 0 : i32
    %dma_wait3A_313 = arith.constant 0 : i32
    %dma_wait3A_314 = tpu.memref_slice %arg3[%dma_wait3A_312, %dma_wait3A_313] : memref<10000x16xf32, #tpu.memory_space<hbm>> -> memref<10000x16xf32, #tpu.memory_space<hbm>>
    tpu.wait_indirect_dma semaphore(%arg50 : memref<!tpu.dma_semaphore, #tpu.memory_space<semaphore_mem>>) src(%dma_wait3A_314 : memref<10000x16xf32, #tpu.memory_space<hbm>>) dst(%arg22 : memref<128x16xf32, #tpu.memory_space<vmem>>)
    %dma_wait3A_315 = arith.constant 0 : i32
    %dma_wait3A_316 = arith.constant 0 : i32
    %dma_wait3A_317 = tpu.memref_slice %arg5[%dma_wait3A_315, %dma_wait3A_316] : memref<79x128xi32, #tpu.memory_space<vmem>> -> memref<1x128xi32, #tpu.memory_space<vmem>>
    %dma_wait3A_318 = tpu.memref_squeeze %dma_wait3A_317 : memref<1x128xi32, #tpu.memory_space<vmem>> -> memref<128xi32, #tpu.memory_space<vmem>>
    %dma_wait3A_319 = arith.constant 0 : i32
    %dma_wait3A_320 = arith.constant 0 : i32
    %dma_wait3A_321 = tpu.memref_slice %arg3[%dma_wait3A_319, %dma_wait3A_320] : memref<10000x16xf32, #tpu.memory_space<hbm>> -> memref<10000x16xf32, #tpu.memory_space<hbm>>
    tpu.wait_indirect_dma semaphore(%arg51 : memref<!tpu.dma_semaphore, #tpu.memory_space<semaphore_mem>>) src(%dma_wait3A_321 : memref<10000x16xf32, #tpu.memory_space<hbm>>) dst(%arg23 : memref<128x16xf32, #tpu.memory_space<vmem>>)
    %dma_wait3A_322 = arith.constant 0 : i32
    %dma_wait3A_323 = arith.constant 0 : i32
    %dma_wait3A_324 = tpu.memref_slice %arg5[%dma_wait3A_322, %dma_wait3A_323] : memref<79x128xi32, #tpu.memory_space<vmem>> -> memref<1x128xi32, #tpu.memory_space<vmem>>
    %dma_wait3A_325 = tpu.memref_squeeze %dma_wait3A_324 : memref<1x128xi32, #tpu.memory_space<vmem>> -> memref<128xi32, #tpu.memory_space<vmem>>
    %dma_wait3A_326 = arith.constant 0 : i32
    %dma_wait3A_327 = arith.constant 0 : i32
    %dma_wait3A_328 = tpu.memref_slice %arg3[%dma_wait3A_326, %dma_wait3A_327] : memref<10000x16xf32, #tpu.memory_space<hbm>> -> memref<10000x16xf32, #tpu.memory_space<hbm>>
    tpu.wait_indirect_dma semaphore(%arg52 : memref<!tpu.dma_semaphore, #tpu.memory_space<semaphore_mem>>) src(%dma_wait3A_328 : memref<10000x16xf32, #tpu.memory_space<hbm>>) dst(%arg24 : memref<128x16xf32, #tpu.memory_space<vmem>>)
    %dma_wait3A_329 = arith.constant 0 : i32
    %dma_wait3A_330 = arith.constant 0 : i32
    %dma_wait3A_331 = tpu.memref_slice %arg5[%dma_wait3A_329, %dma_wait3A_330] : memref<79x128xi32, #tpu.memory_space<vmem>> -> memref<1x128xi32, #tpu.memory_space<vmem>>
    %dma_wait3A_332 = tpu.memref_squeeze %dma_wait3A_331 : memref<1x128xi32, #tpu.memory_space<vmem>> -> memref<128xi32, #tpu.memory_space<vmem>>
    %dma_wait3A_333 = arith.constant 0 : i32
    %dma_wait3A_334 = arith.constant 0 : i32
    %dma_wait3A_335 = tpu.memref_slice %arg3[%dma_wait3A_333, %dma_wait3A_334] : memref<10000x16xf32, #tpu.memory_space<hbm>> -> memref<10000x16xf32, #tpu.memory_space<hbm>>
    tpu.wait_indirect_dma semaphore(%arg53 : memref<!tpu.dma_semaphore, #tpu.memory_space<semaphore_mem>>) src(%dma_wait3A_335 : memref<10000x16xf32, #tpu.memory_space<hbm>>) dst(%arg25 : memref<128x16xf32, #tpu.memory_space<vmem>>)
    %dma_wait3A_336 = arith.constant 0 : i32
    %dma_wait3A_337 = arith.constant 0 : i32
    %dma_wait3A_338 = tpu.memref_slice %arg5[%dma_wait3A_336, %dma_wait3A_337] : memref<79x128xi32, #tpu.memory_space<vmem>> -> memref<1x128xi32, #tpu.memory_space<vmem>>
    %dma_wait3A_339 = tpu.memref_squeeze %dma_wait3A_338 : memref<1x128xi32, #tpu.memory_space<vmem>> -> memref<128xi32, #tpu.memory_space<vmem>>
    %dma_wait3A_340 = arith.constant 0 : i32
    %dma_wait3A_341 = arith.constant 0 : i32
    %dma_wait3A_342 = tpu.memref_slice %arg3[%dma_wait3A_340, %dma_wait3A_341] : memref<10000x16xf32, #tpu.memory_space<hbm>> -> memref<10000x16xf32, #tpu.memory_space<hbm>>
    tpu.wait_indirect_dma semaphore(%arg54 : memref<!tpu.dma_semaphore, #tpu.memory_space<semaphore_mem>>) src(%dma_wait3A_342 : memref<10000x16xf32, #tpu.memory_space<hbm>>) dst(%arg26 : memref<128x16xf32, #tpu.memory_space<vmem>>)
    %dma_wait3A_343 = arith.constant 0 : i32
    %dma_wait3A_344 = arith.constant 0 : i32
    %dma_wait3A_345 = tpu.memref_slice %arg5[%dma_wait3A_343, %dma_wait3A_344] : memref<79x128xi32, #tpu.memory_space<vmem>> -> memref<1x128xi32, #tpu.memory_space<vmem>>
    %dma_wait3A_346 = tpu.memref_squeeze %dma_wait3A_345 : memref<1x128xi32, #tpu.memory_space<vmem>> -> memref<128xi32, #tpu.memory_space<vmem>>
    %dma_wait3A_347 = arith.constant 0 : i32
    %dma_wait3A_348 = arith.constant 0 : i32
    %dma_wait3A_349 = tpu.memref_slice %arg3[%dma_wait3A_347, %dma_wait3A_348] : memref<10000x16xf32, #tpu.memory_space<hbm>> -> memref<10000x16xf32, #tpu.memory_space<hbm>>
    tpu.wait_indirect_dma semaphore(%arg55 : memref<!tpu.dma_semaphore, #tpu.memory_space<semaphore_mem>>) src(%dma_wait3A_349 : memref<10000x16xf32, #tpu.memory_space<hbm>>) dst(%arg27 : memref<128x16xf32, #tpu.memory_space<vmem>>)
    %dma_wait3A_350 = arith.constant 0 : i32
    %dma_wait3A_351 = arith.constant 0 : i32
    %dma_wait3A_352 = tpu.memref_slice %arg5[%dma_wait3A_350, %dma_wait3A_351] : memref<79x128xi32, #tpu.memory_space<vmem>> -> memref<1x128xi32, #tpu.memory_space<vmem>>
    %dma_wait3A_353 = tpu.memref_squeeze %dma_wait3A_352 : memref<1x128xi32, #tpu.memory_space<vmem>> -> memref<128xi32, #tpu.memory_space<vmem>>
    %dma_wait3A_354 = arith.constant 0 : i32
    %dma_wait3A_355 = arith.constant 0 : i32
    %dma_wait3A_356 = tpu.memref_slice %arg3[%dma_wait3A_354, %dma_wait3A_355] : memref<10000x16xf32, #tpu.memory_space<hbm>> -> memref<10000x16xf32, #tpu.memory_space<hbm>>
    tpu.wait_indirect_dma semaphore(%arg56 : memref<!tpu.dma_semaphore, #tpu.memory_space<semaphore_mem>>) src(%dma_wait3A_356 : memref<10000x16xf32, #tpu.memory_space<hbm>>) dst(%arg28 : memref<128x16xf32, #tpu.memory_space<vmem>>)
    %dma_wait3A_357 = arith.constant 0 : i32
    %dma_wait3A_358 = arith.constant 0 : i32
    %dma_wait3A_359 = tpu.memref_slice %arg5[%dma_wait3A_357, %dma_wait3A_358] : memref<79x128xi32, #tpu.memory_space<vmem>> -> memref<1x128xi32, #tpu.memory_space<vmem>>
    %dma_wait3A_360 = tpu.memref_squeeze %dma_wait3A_359 : memref<1x128xi32, #tpu.memory_space<vmem>> -> memref<128xi32, #tpu.memory_space<vmem>>
    %dma_wait3A_361 = arith.constant 0 : i32
    %dma_wait3A_362 = arith.constant 0 : i32
    %dma_wait3A_363 = tpu.memref_slice %arg3[%dma_wait3A_361, %dma_wait3A_362] : memref<10000x16xf32, #tpu.memory_space<hbm>> -> memref<10000x16xf32, #tpu.memory_space<hbm>>
    tpu.wait_indirect_dma semaphore(%arg57 : memref<!tpu.dma_semaphore, #tpu.memory_space<semaphore_mem>>) src(%dma_wait3A_363 : memref<10000x16xf32, #tpu.memory_space<hbm>>) dst(%arg29 : memref<128x16xf32, #tpu.memory_space<vmem>>)
    %dma_wait3A_364 = arith.constant 0 : i32
    %dma_wait3A_365 = arith.constant 0 : i32
    %dma_wait3A_366 = tpu.memref_slice %arg5[%dma_wait3A_364, %dma_wait3A_365] : memref<79x128xi32, #tpu.memory_space<vmem>> -> memref<1x128xi32, #tpu.memory_space<vmem>>
    %dma_wait3A_367 = tpu.memref_squeeze %dma_wait3A_366 : memref<1x128xi32, #tpu.memory_space<vmem>> -> memref<128xi32, #tpu.memory_space<vmem>>
    %dma_wait3A_368 = arith.constant 0 : i32
    %dma_wait3A_369 = arith.constant 0 : i32
    %dma_wait3A_370 = tpu.memref_slice %arg3[%dma_wait3A_368, %dma_wait3A_369] : memref<10000x16xf32, #tpu.memory_space<hbm>> -> memref<10000x16xf32, #tpu.memory_space<hbm>>
    tpu.wait_indirect_dma semaphore(%arg58 : memref<!tpu.dma_semaphore, #tpu.memory_space<semaphore_mem>>) src(%dma_wait3A_370 : memref<10000x16xf32, #tpu.memory_space<hbm>>) dst(%arg30 : memref<128x16xf32, #tpu.memory_space<vmem>>)
    %dma_wait3A_371 = arith.constant 0 : i32
    %dma_wait3A_372 = arith.constant 0 : i32
    %dma_wait3A_373 = tpu.memref_slice %arg5[%dma_wait3A_371, %dma_wait3A_372] : memref<79x128xi32, #tpu.memory_space<vmem>> -> memref<1x128xi32, #tpu.memory_space<vmem>>
    %dma_wait3A_374 = tpu.memref_squeeze %dma_wait3A_373 : memref<1x128xi32, #tpu.memory_space<vmem>> -> memref<128xi32, #tpu.memory_space<vmem>>
    %dma_wait3A_375 = arith.constant 0 : i32
    %dma_wait3A_376 = arith.constant 0 : i32
    %dma_wait3A_377 = tpu.memref_slice %arg3[%dma_wait3A_375, %dma_wait3A_376] : memref<10000x16xf32, #tpu.memory_space<hbm>> -> memref<10000x16xf32, #tpu.memory_space<hbm>>
    tpu.wait_indirect_dma semaphore(%arg59 : memref<!tpu.dma_semaphore, #tpu.memory_space<semaphore_mem>>) src(%dma_wait3A_377 : memref<10000x16xf32, #tpu.memory_space<hbm>>) dst(%arg31 : memref<128x16xf32, #tpu.memory_space<vmem>>)
    %dma_wait3A_378 = arith.constant 0 : i32
    %dma_wait3A_379 = arith.constant 0 : i32
    %dma_wait3A_380 = tpu.memref_slice %arg5[%dma_wait3A_378, %dma_wait3A_379] : memref<79x128xi32, #tpu.memory_space<vmem>> -> memref<1x128xi32, #tpu.memory_space<vmem>>
    %dma_wait3A_381 = tpu.memref_squeeze %dma_wait3A_380 : memref<1x128xi32, #tpu.memory_space<vmem>> -> memref<128xi32, #tpu.memory_space<vmem>>
    %dma_wait3A_382 = arith.constant 0 : i32
    %dma_wait3A_383 = arith.constant 0 : i32
    %dma_wait3A_384 = tpu.memref_slice %arg3[%dma_wait3A_382, %dma_wait3A_383] : memref<10000x16xf32, #tpu.memory_space<hbm>> -> memref<10000x16xf32, #tpu.memory_space<hbm>>
    tpu.wait_indirect_dma semaphore(%arg60 : memref<!tpu.dma_semaphore, #tpu.memory_space<semaphore_mem>>) src(%dma_wait3A_384 : memref<10000x16xf32, #tpu.memory_space<hbm>>) dst(%arg32 : memref<128x16xf32, #tpu.memory_space<vmem>>)
    %lt3A_385 = arith.constant 4 : i32
    %lt3A_386 = arith.cmpi slt, %add3A, %lt3A_385 : i32
    %convert_element_type3A_387 = arith.extui %lt3A_386 : i1 to i32
    %cond3A_388 = arith.constant 0 : i32
    %cond3A_389 = arith.cmpi ne, %convert_element_type3A_387, %cond3A_388 : i32
    scf.if %cond3A_389 {
      %dma_start3A_396 = arith.constant 78 : i32
      %dma_start3A_397 = arith.constant 0 : i32
      %dma_start3A_398 = tpu.memref_slice %arg5[%dma_start3A_396, %dma_start3A_397] : memref<79x128xi32, #tpu.memory_space<vmem>> -> memref<1x128xi32, #tpu.memory_space<vmem>>
      %dma_start3A_399 = tpu.memref_squeeze %dma_start3A_398 : memref<1x128xi32, #tpu.memory_space<vmem>> -> memref<128xi32, #tpu.memory_space<vmem>>
      %dma_start3A_400 = arith.constant 0 : i32
      %dma_start3A_401 = arith.constant 0 : i32
      %dma_start3A_402 = tpu.memref_slice %arg3[%dma_start3A_400, %dma_start3A_401] : memref<10000x16xf32, #tpu.memory_space<hbm>> -> memref<10000x16xf32, #tpu.memory_space<hbm>>
      tpu.enqueue_indirect_dma source(%dma_start3A_402 : memref<10000x16xf32, #tpu.memory_space<hbm>>) target(%arg7 : memref<128x16xf32, #tpu.memory_space<vmem>>) offsets(%dma_start3A_399 : memref<128xi32, #tpu.memory_space<vmem>>) semaphore(%arg35 : memref<!tpu.dma_semaphore, #tpu.memory_space<semaphore_mem>>)
      %dma_wait3A_403 = arith.constant 0 : i32
      %dma_wait3A_404 = arith.constant 0 : i32
      %dma_wait3A_405 = tpu.memref_slice %arg5[%dma_wait3A_403, %dma_wait3A_404] : memref<79x128xi32, #tpu.memory_space<vmem>> -> memref<1x128xi32, #tpu.memory_space<vmem>>
      %dma_wait3A_406 = tpu.memref_squeeze %dma_wait3A_405 : memref<1x128xi32, #tpu.memory_space<vmem>> -> memref<128xi32, #tpu.memory_space<vmem>>
      %dma_wait3A_407 = arith.constant 0 : i32
      %dma_wait3A_408 = arith.constant 0 : i32
      %dma_wait3A_409 = tpu.memref_slice %arg3[%dma_wait3A_407, %dma_wait3A_408] : memref<10000x16xf32, #tpu.memory_space<hbm>> -> memref<10000x16xf32, #tpu.memory_space<hbm>>
      tpu.wait_indirect_dma semaphore(%arg35 : memref<!tpu.dma_semaphore, #tpu.memory_space<semaphore_mem>>) src(%dma_wait3A_409 : memref<10000x16xf32, #tpu.memory_space<hbm>>) dst(%arg7 : memref<128x16xf32, #tpu.memory_space<vmem>>)
      %dma_start3A_410 = arith.constant 78 : i32
      %dma_start3A_411 = arith.constant 0 : i32
      %dma_start3A_412 = tpu.memref_slice %arg6[%dma_start3A_410, %dma_start3A_411] : memref<79x128xi32, #tpu.memory_space<vmem>> -> memref<1x128xi32, #tpu.memory_space<vmem>>
      %dma_start3A_413 = tpu.memref_squeeze %dma_start3A_412 : memref<1x128xi32, #tpu.memory_space<vmem>> -> memref<128xi32, #tpu.memory_space<vmem>>
      %dma_start3A_414 = arith.constant 0 : i32
      %dma_start3A_415 = arith.constant 0 : i32
      %dma_start3A_416 = tpu.memref_slice %arg34[%dma_start3A_414, %dma_start3A_415] : memref<10000x16xf32, #tpu.memory_space<vmem_shared>> -> memref<10000x16xf32, #tpu.memory_space<vmem_shared>>
      tpu.enqueue_indirect_dma source(%arg7 : memref<128x16xf32, #tpu.memory_space<vmem>>) target(%dma_start3A_416 : memref<10000x16xf32, #tpu.memory_space<vmem_shared>>) offsets(%dma_start3A_413 : memref<128xi32, #tpu.memory_space<vmem>>) semaphore(%arg35 : memref<!tpu.dma_semaphore, #tpu.memory_space<semaphore_mem>>) {add = true}
      %dma_wait3A_417 = arith.constant 0 : i32
      %dma_wait3A_418 = arith.constant 0 : i32
      %dma_wait3A_419 = tpu.memref_slice %arg5[%dma_wait3A_417, %dma_wait3A_418] : memref<79x128xi32, #tpu.memory_space<vmem>> -> memref<1x128xi32, #tpu.memory_space<vmem>>
      %dma_wait3A_420 = tpu.memref_squeeze %dma_wait3A_419 : memref<1x128xi32, #tpu.memory_space<vmem>> -> memref<128xi32, #tpu.memory_space<vmem>>
      %dma_wait3A_421 = arith.constant 0 : i32
      %dma_wait3A_422 = arith.constant 0 : i32
      %dma_wait3A_423 = tpu.memref_slice %arg3[%dma_wait3A_421, %dma_wait3A_422] : memref<10000x16xf32, #tpu.memory_space<hbm>> -> memref<10000x16xf32, #tpu.memory_space<hbm>>
      tpu.wait_indirect_dma semaphore(%arg35 : memref<!tpu.dma_semaphore, #tpu.memory_space<semaphore_mem>>) src(%dma_wait3A_423 : memref<10000x16xf32, #tpu.memory_space<hbm>>) dst(%arg7 : memref<128x16xf32, #tpu.memory_space<vmem>>)
    } else {
    }
    %barrier3A_390 = arith.constant 0 : index
    tpu.barrier barrier_id(%barrier3A_390)
    "tpu.region"() ({
      %run_scoped3A_396 = tpu.sem_alloc : memref<!tpu.dma_semaphore, #tpu.memory_space<semaphore_mem>>
      %dma_start3A_397 = arith.constant 0 : i32
      %dma_start3A_398 = tpu.memref_slice %arg4[%arg0, %mul3A_13, %dma_start3A_397] : memref<2x10048x16xf32, #tpu.memory_space<hbm>> -> memref<1x624x16xf32, #tpu.memory_space<hbm>>
      %dma_start3A_399 = tpu.memref_squeeze %dma_start3A_398 : memref<1x624x16xf32, #tpu.memory_space<hbm>> -> memref<624x16xf32, #tpu.memory_space<hbm>>
      %dma_start3A_400 = arith.constant 0 : i32
      %dma_start3A_401 = tpu.memref_slice %arg34[%mul3A_13, %dma_start3A_400] : memref<10000x16xf32, #tpu.memory_space<vmem_shared>> -> memref<624x16xf32, #tpu.memory_space<vmem_shared>>
      tpu.enqueue_dma source(%dma_start3A_401 : memref<624x16xf32, #tpu.memory_space<vmem_shared>>) target(%dma_start3A_399 : memref<624x16xf32, #tpu.memory_space<hbm>>) target_semaphore(%run_scoped3A_396 : memref<!tpu.dma_semaphore, #tpu.memory_space<semaphore_mem>>)
      %dma_wait3A_402 = arith.constant 0 : i32
      %dma_wait3A_403 = tpu.memref_slice %arg4[%arg0, %mul3A_13, %dma_wait3A_402] : memref<2x10048x16xf32, #tpu.memory_space<hbm>> -> memref<1x624x16xf32, #tpu.memory_space<hbm>>
      %dma_wait3A_404 = tpu.memref_squeeze %dma_wait3A_403 : memref<1x624x16xf32, #tpu.memory_space<hbm>> -> memref<624x16xf32, #tpu.memory_space<hbm>>
      %dma_wait3A_405 = arith.constant 0 : i32
      %dma_wait3A_406 = tpu.memref_slice %arg34[%mul3A_13, %dma_wait3A_405] : memref<10000x16xf32, #tpu.memory_space<vmem_shared>> -> memref<624x16xf32, #tpu.memory_space<vmem_shared>>
      tpu.wait_dma2 semaphore(%run_scoped3A_396 : memref<!tpu.dma_semaphore, #tpu.memory_space<semaphore_mem>>) src(%dma_wait3A_406 : memref<624x16xf32, #tpu.memory_space<vmem_shared>>) dst(%dma_wait3A_404 : memref<624x16xf32, #tpu.memory_space<hbm>>)
      tpu.yield
    }) : () -> ()
    %eq3A_391 = arith.constant 15 : i32
    %eq3A_392 = arith.cmpi eq, %arg1, %eq3A_391 : i32
    %convert_element_type3A_393 = arith.extui %eq3A_392 : i1 to i32
    %cond3A_394 = arith.constant 0 : i32
    %cond3A_395 = arith.cmpi ne, %convert_element_type3A_393, %cond3A_394 : i32
    scf.if %cond3A_395 {
      "tpu.region"() ({
        %run_scoped3A_396 = tpu.sem_alloc : memref<!tpu.dma_semaphore, #tpu.memory_space<semaphore_mem>>
        %dma_start3A_397 = arith.constant 9984 : i32
        %dma_start3A_398 = arith.constant 0 : i32
        %dma_start3A_399 = tpu.memref_slice %arg4[%arg0, %dma_start3A_397, %dma_start3A_398] : memref<2x10048x16xf32, #tpu.memory_space<hbm>> -> memref<1x16x16xf32, #tpu.memory_space<hbm>>
        %dma_start3A_400 = tpu.memref_squeeze %dma_start3A_399 : memref<1x16x16xf32, #tpu.memory_space<hbm>> -> memref<16x16xf32, #tpu.memory_space<hbm>>
        %dma_start3A_401 = arith.constant 9984 : i32
        %dma_start3A_402 = arith.constant 0 : i32
        %dma_start3A_403 = tpu.memref_slice %arg34[%dma_start3A_401, %dma_start3A_402] : memref<10000x16xf32, #tpu.memory_space<vmem_shared>> -> memref<16x16xf32, #tpu.memory_space<vmem_shared>>
        tpu.enqueue_dma source(%dma_start3A_403 : memref<16x16xf32, #tpu.memory_space<vmem_shared>>) target(%dma_start3A_400 : memref<16x16xf32, #tpu.memory_space<hbm>>) target_semaphore(%run_scoped3A_396 : memref<!tpu.dma_semaphore, #tpu.memory_space<semaphore_mem>>)
        %dma_wait3A_404 = arith.constant 9984 : i32
        %dma_wait3A_405 = arith.constant 0 : i32
        %dma_wait3A_406 = tpu.memref_slice %arg4[%arg0, %dma_wait3A_404, %dma_wait3A_405] : memref<2x10048x16xf32, #tpu.memory_space<hbm>> -> memref<1x16x16xf32, #tpu.memory_space<hbm>>
        %dma_wait3A_407 = tpu.memref_squeeze %dma_wait3A_406 : memref<1x16x16xf32, #tpu.memory_space<hbm>> -> memref<16x16xf32, #tpu.memory_space<hbm>>
        %dma_wait3A_408 = arith.constant 9984 : i32
        %dma_wait3A_409 = arith.constant 0 : i32
        %dma_wait3A_410 = tpu.memref_slice %arg34[%dma_wait3A_408, %dma_wait3A_409] : memref<10000x16xf32, #tpu.memory_space<vmem_shared>> -> memref<16x16xf32, #tpu.memory_space<vmem_shared>>
        tpu.wait_dma2 semaphore(%run_scoped3A_396 : memref<!tpu.dma_semaphore, #tpu.memory_space<semaphore_mem>>) src(%dma_wait3A_410 : memref<16x16xf32, #tpu.memory_space<vmem_shared>>) dst(%dma_wait3A_407 : memref<16x16xf32, #tpu.memory_space<hbm>>)
        tpu.yield
      }) : () -> ()
    } else {
    }
    return
  }
}

module attributes {stable_mosaic.version = 14 : i64} {
  func.func @_matmul_body(%arg0: i32, %arg1: memref<1250x1024xf32, #tpu.memory_space<vmem>>, %arg2: memref<128x16xf32, #tpu.memory_space<vmem>>, %arg3: memref<1250x128xf32, #tpu.memory_space<vmem>>) attributes {dimension_semantics = [#tpu.dimension_semantics<arbitrary>], iteration_bounds = array<i64: 1>, scalar_prefetch = 0 : i64, scratch_operands = 0 : i64, tpu.core_type = #tpu.core_type<tc>, window_params = [{pipeline_mode = #tpu.pipeline_mode<synchronous>, transform_indices = @transform_0, window_bounds = array<i64: 1250, 1024>}, {pipeline_mode = #tpu.pipeline_mode<synchronous>, transform_indices = @transform_1, window_bounds = array<i64: 128, 16>}, {pipeline_mode = #tpu.pipeline_mode<synchronous>, transform_indices = @transform_2, window_bounds = array<i64: 1250, 128>}]} {
    %get3A = arith.constant 0 : index
    %get3A_0 = arith.constant 0 : index
    %get3A_1 = vector.load %arg2[%get3A, %get3A_0] : memref<128x16xf32, #tpu.memory_space<vmem>>, vector<128x16xf32>
    %concatenate3A = tpu.concatenate %get3A_1, %get3A_1, %get3A_1, %get3A_1, %get3A_1, %get3A_1, %get3A_1, %get3A_1 in 0 : vector<128x16xf32>, vector<128x16xf32>, vector<128x16xf32>, vector<128x16xf32>, vector<128x16xf32>, vector<128x16xf32>, vector<128x16xf32>, vector<128x16xf32> -> vector<1024x16xf32>
    %concatenate3A_2 = tpu.concatenate %concatenate3A, %concatenate3A, %concatenate3A, %concatenate3A, %concatenate3A, %concatenate3A, %concatenate3A, %concatenate3A in 1 : vector<1024x16xf32>, vector<1024x16xf32>, vector<1024x16xf32>, vector<1024x16xf32>, vector<1024x16xf32>, vector<1024x16xf32>, vector<1024x16xf32>, vector<1024x16xf32> -> vector<1024x128xf32>
    %iota3A = tpu.iota {dimensions = array<i32: 0>} : vector<1024x128xi32>
    %jit3A = arith.constant 128 : i32
    %div3A = vector.broadcast %jit3A : i32 to vector<1024x128xi32>
    %div3A_3 = arith.divsi %iota3A, %div3A : vector<1024x128xi32>
    %sign3A = arith.constant 0 : i32
    %sign3A_4 = vector.broadcast %sign3A : i32 to vector<1024x128xi32>
    %sign3A_5 = arith.cmpi sgt, %iota3A, %sign3A_4 : vector<1024x128xi32>
    %sign3A_6 = arith.extui %sign3A_5 : vector<1024x128xi1> to vector<1024x128xi32>
    %sign3A_7 = arith.constant 0 : i32
    %sign3A_8 = vector.broadcast %sign3A_7 : i32 to vector<1024x128xi32>
    %sign3A_9 = arith.cmpi slt, %iota3A, %sign3A_8 : vector<1024x128xi32>
    %sign3A_10 = arith.extui %sign3A_9 : vector<1024x128xi1> to vector<1024x128xi32>
    %sign3A_11 = arith.subi %sign3A_6, %sign3A_10 : vector<1024x128xi32>
    %sign3A_12 = arith.constant 0 : i32
    %sign3A_13 = arith.cmpi sgt, %jit3A, %sign3A_12 : i32
    %sign3A_14 = arith.extui %sign3A_13 : i1 to i32
    %sign3A_15 = arith.constant 0 : i32
    %sign3A_16 = arith.cmpi slt, %jit3A, %sign3A_15 : i32
    %sign3A_17 = arith.extui %sign3A_16 : i1 to i32
    %sign3A_18 = arith.subi %sign3A_14, %sign3A_17 : i32
    %ne3A = vector.broadcast %sign3A_18 : i32 to vector<1024x128xi32>
    %ne3A_19 = arith.cmpi ne, %sign3A_11, %ne3A : vector<1024x128xi32>
    %rem3A = vector.broadcast %jit3A : i32 to vector<1024x128xi32>
    %rem3A_20 = arith.remsi %iota3A, %rem3A : vector<1024x128xi32>
    %ne3A_21 = arith.constant 0 : i32
    %ne3A_22 = vector.broadcast %ne3A_21 : i32 to vector<1024x128xi32>
    %ne3A_23 = arith.cmpi ne, %rem3A_20, %ne3A_22 : vector<1024x128xi32>
    %and3A = arith.andi %ne3A_19, %ne3A_23 : vector<1024x128xi1>
    %sub3A = arith.constant 1 : i32
    %sub3A_24 = vector.broadcast %sub3A : i32 to vector<1024x128xi32>
    %sub3A_25 = arith.subi %div3A_3, %sub3A_24 : vector<1024x128xi32>
    %select_n3A = arith.select %and3A, %sub3A_25, %div3A_3 : vector<1024x128xi1>, vector<1024x128xi32>
    %iota3A_26 = tpu.iota {dimensions = array<i32: 1>} : vector<1024x128xi32>
    %jit3A_27 = arith.constant 16 : i32
    %div3A_28 = vector.broadcast %jit3A_27 : i32 to vector<1024x128xi32>
    %div3A_29 = arith.divsi %iota3A_26, %div3A_28 : vector<1024x128xi32>
    %sign3A_30 = arith.constant 0 : i32
    %sign3A_31 = vector.broadcast %sign3A_30 : i32 to vector<1024x128xi32>
    %sign3A_32 = arith.cmpi sgt, %iota3A_26, %sign3A_31 : vector<1024x128xi32>
    %sign3A_33 = arith.extui %sign3A_32 : vector<1024x128xi1> to vector<1024x128xi32>
    %sign3A_34 = arith.constant 0 : i32
    %sign3A_35 = vector.broadcast %sign3A_34 : i32 to vector<1024x128xi32>
    %sign3A_36 = arith.cmpi slt, %iota3A_26, %sign3A_35 : vector<1024x128xi32>
    %sign3A_37 = arith.extui %sign3A_36 : vector<1024x128xi1> to vector<1024x128xi32>
    %sign3A_38 = arith.subi %sign3A_33, %sign3A_37 : vector<1024x128xi32>
    %sign3A_39 = arith.constant 0 : i32
    %sign3A_40 = arith.cmpi sgt, %jit3A_27, %sign3A_39 : i32
    %sign3A_41 = arith.extui %sign3A_40 : i1 to i32
    %sign3A_42 = arith.constant 0 : i32
    %sign3A_43 = arith.cmpi slt, %jit3A_27, %sign3A_42 : i32
    %sign3A_44 = arith.extui %sign3A_43 : i1 to i32
    %sign3A_45 = arith.subi %sign3A_41, %sign3A_44 : i32
    %ne3A_46 = vector.broadcast %sign3A_45 : i32 to vector<1024x128xi32>
    %ne3A_47 = arith.cmpi ne, %sign3A_38, %ne3A_46 : vector<1024x128xi32>
    %rem3A_48 = vector.broadcast %jit3A_27 : i32 to vector<1024x128xi32>
    %rem3A_49 = arith.remsi %iota3A_26, %rem3A_48 : vector<1024x128xi32>
    %ne3A_50 = arith.constant 0 : i32
    %ne3A_51 = vector.broadcast %ne3A_50 : i32 to vector<1024x128xi32>
    %ne3A_52 = arith.cmpi ne, %rem3A_49, %ne3A_51 : vector<1024x128xi32>
    %and3A_53 = arith.andi %ne3A_47, %ne3A_52 : vector<1024x128xi1>
    %sub3A_54 = arith.constant 1 : i32
    %sub3A_55 = vector.broadcast %sub3A_54 : i32 to vector<1024x128xi32>
    %sub3A_56 = arith.subi %div3A_29, %sub3A_55 : vector<1024x128xi32>
    %select_n3A_57 = arith.select %and3A_53, %sub3A_56, %div3A_29 : vector<1024x128xi1>, vector<1024x128xi32>
    %eq3A = arith.cmpi eq, %select_n3A, %select_n3A_57 : vector<1024x128xi32>
    %convert_element_type3A = arith.extui %eq3A : vector<1024x128xi1> to vector<1024x128xi32>
    %convert_element_type3A_58 = arith.sitofp %convert_element_type3A : vector<1024x128xi32> to vector<1024x128xf32>
    %mul3A = arith.mulf %concatenate3A_2, %convert_element_type3A_58 : vector<1024x128xf32>
    %get3A_59 = arith.constant 0 : index
    %get3A_60 = arith.constant 0 : index
    %get3A_61 = vector.load %arg1[%get3A_59, %get3A_60] : memref<1250x1024xf32, #tpu.memory_space<vmem>>, vector<1250x1024xf32>
    %dot_general3A = arith.constant dense<0.000000e+00> : vector<1250x128xf32>
    %dot_general3A_62 = tpu.matmul %get3A_61, %mul3A, %dot_general3A {dimension_numbers = #tpu.dot_dimension_numbers<[1], [0], [0], [1], [0, 0, 1, 1], [], []>, transpose_lhs_hint = false} : vector<1250x1024xf32>, vector<1024x128xf32>, vector<1250x128xf32> -> vector<1250x128xf32>
    %swap3A = arith.constant 0 : index
    %swap3A_63 = arith.constant 0 : index
    %swap3A_64 = vector.load %arg3[%swap3A, %swap3A_63] : memref<1250x128xf32, #tpu.memory_space<vmem>>, vector<1250x128xf32>
    tpu.vector_store %arg3[%swap3A, %swap3A_63], %dot_general3A_62 {strides = array<i32>} : memref<1250x128xf32, #tpu.memory_space<vmem>>, vector<1250x128xf32>,
    return
  }
  func.func @transform_0(%arg0: i32) -> (i32, i32) {
    %c0_i32 = arith.constant 0 : i32
    %c0_i32_0 = arith.constant 0 : i32
    %c0_i32_1 = arith.constant 0 : i32
    return %c0_i32, %c0_i32_0 : i32, i32
  }
  func.func @transform_1(%arg0: i32) -> (i32, i32) {
    %c0_i32 = arith.constant 0 : i32
    %c0_i32_0 = arith.constant 0 : i32
    %c0_i32_1 = arith.constant 0 : i32
    return %c0_i32, %c0_i32_0 : i32, i32
  }
  func.func @transform_2(%arg0: i32) -> (i32, i32) {
    %c0_i32 = arith.constant 0 : i32
    %c0_i32_0 = arith.constant 0 : i32
    %c0_i32_1 = arith.constant 0 : i32
    return %c0_i32, %c0_i32_0 : i32, i32
  }
}

module attributes {stable_mosaic.version = 14 : i64} {
  func.func @_scale_body(%arg0: i32, %arg1: memref<1250x128xf32, #tpu.memory_space<vmem>>, %arg2: memref<2x1256x128xf32, #tpu.memory_space<vmem>>, %arg3: memref<1250x128xf32, #tpu.memory_space<vmem>>) attributes {dimension_semantics = [#tpu.dimension_semantics<arbitrary>], iteration_bounds = array<i64: 1>, scalar_prefetch = 0 : i64, scratch_operands = 0 : i64, tpu.core_type = #tpu.core_type<tc>, window_params = [{pipeline_mode = #tpu.pipeline_mode<synchronous>, transform_indices = @transform_0, window_bounds = array<i64: 1250, 128>}, {pipeline_mode = #tpu.pipeline_mode<synchronous>, transform_indices = @transform_1, window_bounds = array<i64: 2, 1256, 128>}, {pipeline_mode = #tpu.pipeline_mode<synchronous>, transform_indices = @transform_2, window_bounds = array<i64: 1250, 128>}]} {
    %get3A = arith.constant 0 : index
    %get3A_0 = arith.constant 0 : index
    %get3A_1 = arith.constant 0 : index
    %get3A_2 = vector.load %arg2[%get3A, %get3A_0, %get3A_1] : memref<2x1256x128xf32, #tpu.memory_space<vmem>>, vector<2x1250x128xf32>
    %slice3A = vector.extract_strided_slice %get3A_2 {offsets = [0, 0, 0], sizes = [1, 1250, 128], strides = [1, 1, 1]} : vector<2x1250x128xf32> to vector<1x1250x128xf32>
    %squeeze3A = vector.shape_cast %slice3A : vector<1x1250x128xf32> to vector<1250x128xf32>
    %slice3A_3 = vector.extract_strided_slice %get3A_2 {offsets = [1, 0, 0], sizes = [1, 1250, 128], strides = [1, 1, 1]} : vector<2x1250x128xf32> to vector<1x1250x128xf32>
    %squeeze3A_4 = vector.shape_cast %slice3A_3 : vector<1x1250x128xf32> to vector<1250x128xf32>
    %add3A = arith.addf %squeeze3A, %squeeze3A_4 : vector<1250x128xf32>
    %add3A_5 = arith.constant 1.000000e+00 : f32
    %add3A_6 = vector.broadcast %add3A_5 : f32 to vector<1250x128xf32>
    %add3A_7 = arith.addf %add3A, %add3A_6 : vector<1250x128xf32>
    %get3A_8 = arith.constant 0 : index
    %get3A_9 = arith.constant 0 : index
    %get3A_10 = vector.load %arg1[%get3A_8, %get3A_9] : memref<1250x128xf32, #tpu.memory_space<vmem>>, vector<1250x128xf32>
    %rsqrt3A = math.rsqrt %add3A_7 : vector<1250x128xf32>
    %mul3A = arith.mulf %get3A_10, %rsqrt3A : vector<1250x128xf32>
    %swap3A = arith.constant 0 : index
    %swap3A_11 = arith.constant 0 : index
    %swap3A_12 = vector.load %arg3[%swap3A, %swap3A_11] : memref<1250x128xf32, #tpu.memory_space<vmem>>, vector<1250x128xf32>
    tpu.vector_store %arg3[%swap3A, %swap3A_11], %mul3A {strides = array<i32>} : memref<1250x128xf32, #tpu.memory_space<vmem>>, vector<1250x128xf32>,
    return
  }
  func.func @transform_0(%arg0: i32) -> (i32, i32) {
    %c0_i32 = arith.constant 0 : i32
    %c0_i32_0 = arith.constant 0 : i32
    %c0_i32_1 = arith.constant 0 : i32
    return %c0_i32, %c0_i32_0 : i32, i32
  }
  func.func @transform_1(%arg0: i32) -> (i32, i32, i32) {
    %c0_i32 = arith.constant 0 : i32
    %c0_i32_0 = arith.constant 0 : i32
    %c0_i32_1 = arith.constant 0 : i32
    %c0_i32_2 = arith.constant 0 : i32
    return %c0_i32, %c0_i32_0, %c0_i32_1 : i32, i32, i32
  }
  func.func @transform_2(%arg0: i32) -> (i32, i32) {
    %c0_i32 = arith.constant 0 : i32
    %c0_i32_0 = arith.constant 0 : i32
    %c0_i32_1 = arith.constant 0 : i32
    return %c0_i32, %c0_i32_0 : i32, i32
  }
}

module attributes {stable_mosaic.version = 14 : i64} {
  func.func @_final_body(%arg0: i32, %arg1: memref<2x1256x128xf32, #tpu.memory_space<vmem>>, %arg2: memref<1250x128xf32, #tpu.memory_space<vmem>>, %arg3: memref<2x1256x128xf32, #tpu.memory_space<vmem>>, %arg4: memref<1x16xf32, #tpu.memory_space<vmem>>, %arg5: memref<1250x128xf32, #tpu.memory_space<vmem>>) attributes {dimension_semantics = [#tpu.dimension_semantics<arbitrary>], iteration_bounds = array<i64: 1>, scalar_prefetch = 0 : i64, scratch_operands = 0 : i64, tpu.core_type = #tpu.core_type<tc>, window_params = [{pipeline_mode = #tpu.pipeline_mode<synchronous>, transform_indices = @transform_0, window_bounds = array<i64: 2, 1256, 128>}, {pipeline_mode = #tpu.pipeline_mode<synchronous>, transform_indices = @transform_1, window_bounds = array<i64: 1250, 128>}, {pipeline_mode = #tpu.pipeline_mode<synchronous>, transform_indices = @transform_2, window_bounds = array<i64: 2, 1256, 128>}, {pipeline_mode = #tpu.pipeline_mode<synchronous>, transform_indices = @transform_3, window_bounds = array<i64: 1, 16>}, {pipeline_mode = #tpu.pipeline_mode<synchronous>, transform_indices = @transform_4, window_bounds = array<i64: 1250, 128>}]} {
    %get3A = arith.constant 0 : index
    %get3A_0 = arith.constant 0 : index
    %get3A_1 = arith.constant 0 : index
    %get3A_2 = vector.load %arg3[%get3A, %get3A_0, %get3A_1] : memref<2x1256x128xf32, #tpu.memory_space<vmem>>, vector<2x1250x128xf32>
    %get3A_3 = arith.constant 0 : index
    %get3A_4 = arith.constant 0 : index
    %get3A_5 = arith.constant 0 : index
    %get3A_6 = vector.load %arg1[%get3A_3, %get3A_4, %get3A_5] : memref<2x1256x128xf32, #tpu.memory_space<vmem>>, vector<2x1250x128xf32>
    %slice3A = vector.extract_strided_slice %get3A_2 {offsets = [0, 0, 0], sizes = [1, 1250, 128], strides = [1, 1, 1]} : vector<2x1250x128xf32> to vector<1x1250x128xf32>
    %squeeze3A = vector.shape_cast %slice3A : vector<1x1250x128xf32> to vector<1250x128xf32>
    %slice3A_7 = vector.extract_strided_slice %get3A_2 {offsets = [1, 0, 0], sizes = [1, 1250, 128], strides = [1, 1, 1]} : vector<2x1250x128xf32> to vector<1x1250x128xf32>
    %squeeze3A_8 = vector.shape_cast %slice3A_7 : vector<1x1250x128xf32> to vector<1250x128xf32>
    %add3A = arith.addf %squeeze3A, %squeeze3A_8 : vector<1250x128xf32>
    %add3A_9 = arith.constant 1.000000e+00 : f32
    %add3A_10 = vector.broadcast %add3A_9 : f32 to vector<1250x128xf32>
    %add3A_11 = arith.addf %add3A, %add3A_10 : vector<1250x128xf32>
    %rsqrt3A = math.rsqrt %add3A_11 : vector<1250x128xf32>
    %get3A_12 = arith.constant 0 : index
    %get3A_13 = arith.constant 0 : index
    %get3A_14 = vector.load %arg4[%get3A_12, %get3A_13] : memref<1x16xf32, #tpu.memory_space<vmem>>, vector<1x16xf32>
    %concatenate3A = tpu.concatenate %get3A_14, %get3A_14, %get3A_14, %get3A_14, %get3A_14, %get3A_14, %get3A_14, %get3A_14 in 1 : vector<1x16xf32>, vector<1x16xf32>, vector<1x16xf32>, vector<1x16xf32>, vector<1x16xf32>, vector<1x16xf32>, vector<1x16xf32>, vector<1x16xf32> -> vector<1x128xf32>
    %slice3A_15 = vector.extract_strided_slice %get3A_6 {offsets = [0, 0, 0], sizes = [1, 1250, 128], strides = [1, 1, 1]} : vector<2x1250x128xf32> to vector<1x1250x128xf32>
    %squeeze3A_16 = vector.shape_cast %slice3A_15 : vector<1x1250x128xf32> to vector<1250x128xf32>
    %slice3A_17 = vector.extract_strided_slice %get3A_6 {offsets = [1, 0, 0], sizes = [1, 1250, 128], strides = [1, 1, 1]} : vector<2x1250x128xf32> to vector<1x1250x128xf32>
    %squeeze3A_18 = vector.shape_cast %slice3A_17 : vector<1x1250x128xf32> to vector<1250x128xf32>
    %add3A_19 = arith.addf %squeeze3A_16, %squeeze3A_18 : vector<1250x128xf32>
    %get3A_20 = arith.constant 0 : index
    %get3A_21 = arith.constant 0 : index
    %get3A_22 = vector.load %arg2[%get3A_20, %get3A_21] : memref<1250x128xf32, #tpu.memory_space<vmem>>, vector<1250x128xf32>
    %add3A_23 = arith.addf %add3A_19, %get3A_22 : vector<1250x128xf32>
    %mul3A = arith.mulf %rsqrt3A, %add3A_23 : vector<1250x128xf32>
    %add3A_24 = vector.broadcast %concatenate3A : vector<1x128xf32> to vector<1250x128xf32>
    %add3A_25 = arith.addf %mul3A, %add3A_24 : vector<1250x128xf32>
    %max3A = arith.constant 0.000000e+00 : f32
    %max3A_26 = vector.broadcast %max3A : f32 to vector<1250x128xf32>
    %max3A_27 = arith.maximumf %add3A_25, %max3A_26 : vector<1250x128xf32>
    %exp3A = math.exp %max3A_27 : vector<1250x128xf32>
    %iota3A = tpu.iota {dimensions = array<i32: 0>} : vector<128x128xi32>
    %jit3A = arith.constant 16 : i32
    %div3A = vector.broadcast %jit3A : i32 to vector<128x128xi32>
    %div3A_28 = arith.divsi %iota3A, %div3A : vector<128x128xi32>
    %sign3A = arith.constant 0 : i32
    %sign3A_29 = vector.broadcast %sign3A : i32 to vector<128x128xi32>
    %sign3A_30 = arith.cmpi sgt, %iota3A, %sign3A_29 : vector<128x128xi32>
    %sign3A_31 = arith.extui %sign3A_30 : vector<128x128xi1> to vector<128x128xi32>
    %sign3A_32 = arith.constant 0 : i32
    %sign3A_33 = vector.broadcast %sign3A_32 : i32 to vector<128x128xi32>
    %sign3A_34 = arith.cmpi slt, %iota3A, %sign3A_33 : vector<128x128xi32>
    %sign3A_35 = arith.extui %sign3A_34 : vector<128x128xi1> to vector<128x128xi32>
    %sign3A_36 = arith.subi %sign3A_31, %sign3A_35 : vector<128x128xi32>
    %sign3A_37 = arith.constant 0 : i32
    %sign3A_38 = arith.cmpi sgt, %jit3A, %sign3A_37 : i32
    %sign3A_39 = arith.extui %sign3A_38 : i1 to i32
    %sign3A_40 = arith.constant 0 : i32
    %sign3A_41 = arith.cmpi slt, %jit3A, %sign3A_40 : i32
    %sign3A_42 = arith.extui %sign3A_41 : i1 to i32
    %sign3A_43 = arith.subi %sign3A_39, %sign3A_42 : i32
    %ne3A = vector.broadcast %sign3A_43 : i32 to vector<128x128xi32>
    %ne3A_44 = arith.cmpi ne, %sign3A_36, %ne3A : vector<128x128xi32>
    %rem3A = vector.broadcast %jit3A : i32 to vector<128x128xi32>
    %rem3A_45 = arith.remsi %iota3A, %rem3A : vector<128x128xi32>
    %ne3A_46 = arith.constant 0 : i32
    %ne3A_47 = vector.broadcast %ne3A_46 : i32 to vector<128x128xi32>
    %ne3A_48 = arith.cmpi ne, %rem3A_45, %ne3A_47 : vector<128x128xi32>
    %and3A = arith.andi %ne3A_44, %ne3A_48 : vector<128x128xi1>
    %sub3A = arith.constant 1 : i32
    %sub3A_49 = vector.broadcast %sub3A : i32 to vector<128x128xi32>
    %sub3A_50 = arith.subi %div3A_28, %sub3A_49 : vector<128x128xi32>
    %select_n3A = arith.select %and3A, %sub3A_50, %div3A_28 : vector<128x128xi1>, vector<128x128xi32>
    %iota3A_51 = tpu.iota {dimensions = array<i32: 1>} : vector<128x128xi32>
    %jit3A_52 = arith.constant 16 : i32
    %div3A_53 = vector.broadcast %jit3A_52 : i32 to vector<128x128xi32>
    %div3A_54 = arith.divsi %iota3A_51, %div3A_53 : vector<128x128xi32>
    %sign3A_55 = arith.constant 0 : i32
    %sign3A_56 = vector.broadcast %sign3A_55 : i32 to vector<128x128xi32>
    %sign3A_57 = arith.cmpi sgt, %iota3A_51, %sign3A_56 : vector<128x128xi32>
    %sign3A_58 = arith.extui %sign3A_57 : vector<128x128xi1> to vector<128x128xi32>
    %sign3A_59 = arith.constant 0 : i32
    %sign3A_60 = vector.broadcast %sign3A_59 : i32 to vector<128x128xi32>
    %sign3A_61 = arith.cmpi slt, %iota3A_51, %sign3A_60 : vector<128x128xi32>
    %sign3A_62 = arith.extui %sign3A_61 : vector<128x128xi1> to vector<128x128xi32>
    %sign3A_63 = arith.subi %sign3A_58, %sign3A_62 : vector<128x128xi32>
    %sign3A_64 = arith.constant 0 : i32
    %sign3A_65 = arith.cmpi sgt, %jit3A_52, %sign3A_64 : i32
    %sign3A_66 = arith.extui %sign3A_65 : i1 to i32
    %sign3A_67 = arith.constant 0 : i32
    %sign3A_68 = arith.cmpi slt, %jit3A_52, %sign3A_67 : i32
    %sign3A_69 = arith.extui %sign3A_68 : i1 to i32
    %sign3A_70 = arith.subi %sign3A_66, %sign3A_69 : i32
    %ne3A_71 = vector.broadcast %sign3A_70 : i32 to vector<128x128xi32>
    %ne3A_72 = arith.cmpi ne, %sign3A_63, %ne3A_71 : vector<128x128xi32>
    %rem3A_73 = vector.broadcast %jit3A_52 : i32 to vector<128x128xi32>
    %rem3A_74 = arith.remsi %iota3A_51, %rem3A_73 : vector<128x128xi32>
    %ne3A_75 = arith.constant 0 : i32
    %ne3A_76 = vector.broadcast %ne3A_75 : i32 to vector<128x128xi32>
    %ne3A_77 = arith.cmpi ne, %rem3A_74, %ne3A_76 : vector<128x128xi32>
    %and3A_78 = arith.andi %ne3A_72, %ne3A_77 : vector<128x128xi1>
    %sub3A_79 = arith.constant 1 : i32
    %sub3A_80 = vector.broadcast %sub3A_79 : i32 to vector<128x128xi32>
    %sub3A_81 = arith.subi %div3A_54, %sub3A_80 : vector<128x128xi32>
    %select_n3A_82 = arith.select %and3A_78, %sub3A_81, %div3A_54 : vector<128x128xi1>, vector<128x128xi32>
    %eq3A = arith.cmpi eq, %select_n3A, %select_n3A_82 : vector<128x128xi32>
    %convert_element_type3A = arith.extui %eq3A : vector<128x128xi1> to vector<128x128xi32>
    %convert_element_type3A_83 = arith.sitofp %convert_element_type3A : vector<128x128xi32> to vector<128x128xf32>
    %dot_general3A = arith.constant dense<0.000000e+00> : vector<1250x128xf32>
    %dot_general3A_84 = tpu.matmul %exp3A, %convert_element_type3A_83, %dot_general3A {dimension_numbers = #tpu.dot_dimension_numbers<[1], [0], [0], [1], [0, 0, 1, 1], [], []>, transpose_lhs_hint = false} : vector<1250x128xf32>, vector<128x128xf32>, vector<1250x128xf32> -> vector<1250x128xf32>
    %log3A = math.log %dot_general3A_84 : vector<1250x128xf32>
    %sub3A_85 = arith.subf %max3A_27, %log3A : vector<1250x128xf32>
    %swap3A = arith.constant 0 : index
    %swap3A_86 = arith.constant 0 : index
    %swap3A_87 = vector.load %arg5[%swap3A, %swap3A_86] : memref<1250x128xf32, #tpu.memory_space<vmem>>, vector<1250x128xf32>
    tpu.vector_store %arg5[%swap3A, %swap3A_86], %sub3A_85 {strides = array<i32>} : memref<1250x128xf32, #tpu.memory_space<vmem>>, vector<1250x128xf32>,
    return
  }
  func.func @transform_0(%arg0: i32) -> (i32, i32, i32) {
    %c0_i32 = arith.constant 0 : i32
    %c0_i32_0 = arith.constant 0 : i32
    %c0_i32_1 = arith.constant 0 : i32
    %c0_i32_2 = arith.constant 0 : i32
    return %c0_i32, %c0_i32_0, %c0_i32_1 : i32, i32, i32
  }
  func.func @transform_1(%arg0: i32) -> (i32, i32) {
    %c0_i32 = arith.constant 0 : i32
    %c0_i32_0 = arith.constant 0 : i32
    %c0_i32_1 = arith.constant 0 : i32
    return %c0_i32, %c0_i32_0 : i32, i32
  }
  func.func @transform_2(%arg0: i32) -> (i32, i32, i32) {
    %c0_i32 = arith.constant 0 : i32
    %c0_i32_0 = arith.constant 0 : i32
    %c0_i32_1 = arith.constant 0 : i32
    %c0_i32_2 = arith.constant 0 : i32
    return %c0_i32, %c0_i32_0, %c0_i32_1 : i32, i32, i32
  }
  func.func @transform_3(%arg0: i32) -> (i32, i32) {
    %c0_i32 = arith.constant 0 : i32
    %c0_i32_0 = arith.constant 0 : i32
    %c0_i32_1 = arith.constant 0 : i32
    return %c0_i32, %c0_i32_0 : i32, i32
  }
  func.func @transform_4(%arg0: i32) -> (i32, i32) {
    %c0_i32 = arith.constant 0 : i32
    %c0_i32_0 = arith.constant 0 : i32
    %c0_i32_1 = arith.constant 0 : i32
    return %c0_i32, %c0_i32_0 : i32, i32
  }
}

</mosaic_0001>

<sc_bundles>
// kernel: kernel.10.cloned.1.call-start
scs
__scs_entry_jumppad:
0x0: {  	(pc) =	sbr.rel $0x88, $3  }
0x1: {  	(tag) =	ssettag $0x0;
	lr =	simm.s32 $0x1  }
0x2: {  	[smem:$0x3F9D] =	sst lr;
	_ =	strace $0xD0000000  }
0x3: {  	_ = 	snop  }
0x4: {  	_ = 	snop  }
0x5: {  	_ = 	snop  }
0x6: {  	_ = 	snop  }
0x7: {  	_ = 	snop  }
__scs_overlays_trampoline_lowered:
0x8: {  	[smem:$0x3FAC] =	sst s0  }
0x9: {  	[smem:$0x3FAD] =	sst s1  }
0xa: {  	[smem:$0x3FAE] =	sst s2  }
0xb: {  	[smem:$0x3FAF] =	sst s3  }
0xc: {  	[smem:$0x3FB0] =	sst s4  }
0xd: {  	[smem:$0x3FB1] =	sst s5  }
0xe: {  	[smem:$0x3FB2] =	sst s6  }
0xf: {  	[smem:$0x3FB3] =	sst s7  }
0x10: {  	[smem:$0x3FB4] =	sst s8  }
0x11: {  	[smem:$0x3FB5] =	sst s9;
	s0 =	simm.s32 @!p0 $0x0  }
0x12: {  	s1 =	sld [smem:$0x3F9B];
	s0 =	simm.s32 @p0 $0x1  }
0x13: {  	[smem:$0x3FB6] =	sst s0;
	s0 =	simm.s32 @!p1 $0x0  }
0x14: {  	s2 =	sld [smem:$0x3F9A];
	s0 =	simm.s32 @p1 $0x1  }
0x15: {  	[smem:$0x3FB7] =	sst s0;
	s0 =	simm.s32 @!p2 $0x0  }
0x16: {  	s3 =	sld [smem:$0x3FDB];
	s0 =	simm.s32 @p2 $0x1  }
0x17: {  	s4 =	simm.s32 $0x1BF5;
	[smem:$0x3FB9] =	sst s0  }
0x18: {  	s0 =	sld [smem:$0x3F9C];
	_ =	swait.ge [sflag:s4], $0x0  }
0x19: {  	s7 =	sld [smem:$0x3F9D]  }
0x1a: {  	s8 =	sadd.s32 $0xFFFFE003, lr  }
0x1b: {  	s9 =	sadd.s32 $0xFFFFFEF7, lr;
	s5 =	simm.s32 $0xFFFFFFFF;
	p2 =	slt.u32 s8, $0xFFFFF086  }
0x1c: {  	p1 =	slt.u32 s9, $0xF7A;
	s5 =	simm.s32 @!p2 $0x0  }
0x1d: {  	s5 =	simm.s32 @p1 $0x1;
	p0 =	seq.s32 s7, s2  }
0x1e: {  	s7 =	smul.u32 @!p0 $0xF7A, s2;
	p2 =	seq.s32 @!p0 s5, $0x0  }
0x1f: {  	s9 =	smul.u32 $0xF7A, s1;
	s8 =	simm.s32 @!p0 $0x1BF5;
	p2 =	por !p2, p0  }
0x20: {  	[sflag:s8] =	ssyncset.s32 @!p0 $0xFFFFF086;
	s6 =	sadd.s32 @!p0 s3, s7;
	s7 =	simm.s32 @!p0 $0x108  }
0x21: {  	s3 =	sadd.s32 s3, s9;
	s6 =	sadd.s32 @!p0 $0x88, s6;
	s7 =	simm.s32 @p2 $0x1082  }
0x22: {  	[simem:s7], [sflag:s8] =	dma.local @!p0 [hbm:s6], $0xF7A  }
0x23: {  	s9 =	sor.u32 $0xD0000000, s2;
	s6 =	simm.s32 $0x108;
	_ =	swait.ge @!p0 [sflag:s8], $0x0  }
0x24: {  	s3 =	sadd.s32 $0x88, s3;
	s6 =	simm.s32 @!p1 $0x1082;
	[sflag:s4] =	ssyncset.s32 $0xFFFFF086  }
0x25: {  	[simem:s6], [sflag:s4] =	dma.local [hbm:s3], $0xF7A  }
0x26: {  	[smem:$0x3F9D] =	sst s1;
	(tag) =	ssettag s2;
	_ =	strace s9  }
0x27: {  	s1 =	sld [smem:$0x3FAD]  }
0x28: {  	s2 =	sld [smem:$0x3FAE]  }
0x29: {  	s4 =	sld [smem:$0x3FB0]  }
0x2a: {  	p0 =	seq.s32 s5, $0x0;
	s5 =	sld [smem:$0x3FB1]  }
0x2b: {  	s6 =	sld [smem:$0x3FB2]  }
0x2c: {  	s7 =	sld [smem:$0x3FB3]  }
0x2d: {  	s3 =	simm.s32 $0x108;
	s8 =	sld [smem:$0x3FB4]  }
0x2e: {  	s3 =	simm.s32 @!p0 $0x1082;
	s9 =	sld [smem:$0x3FB5]  }
0x2f: {  	lr =	sadd.s32 s0, s3;
	s0 =	sld [smem:$0x3FAC]  }
0x30: {  	s3 =	sld [smem:$0x3FAF]  }
0x31: {  	[smem:$0x3FB8] =	sst s10  }
0x32: {  	s10 =	sld [smem:$0x3FB6];
	_ =	sdelay $0x3  }
0x33: {  	p0 =	seq.s32 s10, $0x1;
	s10 =	sld [smem:$0x3FB8];
	_ =	sdelay $0x3  }
0x34: {  	[smem:$0x3FB8] =	sst s10  }
0x35: {  	s10 =	sld [smem:$0x3FB7];
	_ =	sdelay $0x3  }
0x36: {  	p1 =	seq.s32 s10, $0x1;
	s10 =	sld [smem:$0x3FB8];
	_ =	sdelay $0x3  }
0x37: {  	[smem:$0x3FB8] =	sst s10  }
0x38: {  	s10 =	sld [smem:$0x3FB9]  }
0x39: {  	_ = 	snop;
	(pc) =	sbr.ind lr, $3  }
0x3a: {  	_ = 	snop  }
0x3b: {  	_ = 	snop  }
0x3c: {  	p2 =	seq.s32 s10, $0x1;
	s10 =	sld [smem:$0x3FB8]  }
0x3d: {  	_ =	shalt  }
0x3e: {  	_ =	shalt  }
0x3f: {  	_ =	shalt  }
0x40: {  	_ =	shalt  }
0x41: {  	_ =	shalt  }
0x42: {  	_ =	shalt  }
0x43: {  	_ =	shalt  }
0x44: {  	_ =	shalt  }
0x45: {  	_ =	shalt  }
0x46: {  	_ =	shalt  }
0x47: {  	_ =	shalt  }
0x48: {  	_ =	shalt  }
0x49: {  	_ =	shalt  }
0x4a: {  	_ =	shalt  }
0x4b: {  	_ =	shalt  }
0x4c: {  	_ =	shalt  }
0x4d: {  	_ =	shalt  }
0x4e: {  	_ =	shalt  }
0x4f: {  	_ =	shalt  }
0x50: {  	_ =	shalt  }
0x51: {  	_ =	shalt  }
0x52: {  	_ =	shalt  }
0x53: {  	_ =	shalt  }
0x54: {  	_ =	shalt  }
0x55: {  	_ =	shalt  }
0x56: {  	_ =	shalt  }
0x57: {  	_ =	shalt  }
0x58: {  	_ =	shalt  }
0x59: {  	_ =	shalt  }
0x5a: {  	_ =	shalt  }
0x5b: {  	_ =	shalt  }
0x5c: {  	_ =	shalt  }
0x5d: {  	_ =	shalt  }
0x5e: {  	_ =	shalt  }
0x5f: {  	_ =	shalt  }
0x60: {  	_ =	shalt  }
0x61: {  	_ =	shalt  }
0x62: {  	_ =	shalt  }
0x63: {  	_ =	shalt  }
0x64: {  	_ =	shalt  }
0x65: {  	_ =	shalt  }
0x66: {  	_ =	shalt  }
0x67: {  	_ =	shalt  }
0x68: {  	_ =	shalt  }
0x69: {  	_ =	shalt  }
0x6a: {  	_ =	shalt  }
0x6b: {  	_ =	shalt  }
0x6c: {  	_ =	shalt  }
0x6d: {  	_ =	shalt  }
0x6e: {  	_ =	shalt  }
0x6f: {  	_ =	shalt  }
0x70: {  	_ =	shalt  }
0x71: {  	_ =	shalt  }
0x72: {  	_ =	shalt  }
0x73: {  	_ =	shalt  }
0x74: {  	_ =	shalt  }
0x75: {  	_ =	shalt  }
0x76: {  	_ =	shalt  }
0x77: {  	_ =	shalt  }
0x78: {  	_ =	shalt  }
0x79: {  	_ =	shalt  }
0x7a: {  	_ =	shalt  }
0x7b: {  	_ =	shalt  }
0x7c: {  	_ =	shalt  }
0x7d: {  	_ =	shalt  }
0x7e: {  	_ =	shalt  }
0x7f: {  	_ =	shalt  }
0x80: {  	_ =	shalt  }
0x81: {  	_ =	shalt  }
0x82: {  	_ =	shalt  }
0x83: {  	_ =	shalt  }
0x84: {  	_ =	shalt  }
0x85: {  	_ =	shalt  }
0x86: {  	_ =	shalt  }
0x87: {  	_ =	shalt  }
.Lfunc_end0:
.L_simem_size_0:
called_computation.1_lowered:
.L_overlay_start_0:
0x88: {  	s2 =	sld [smem:$0x3FD9]  }
0x89: {  	s3 =	sld [smem:$0x3FFE];
	_ =	sdelay $0x1  }
0x8a: {  	s1 =	srdreg.scid  }
0x8b: {  	s0 =	sand.u32 $0x1, s1  }
0x8c: {  	s17 =	sshll.u32 s0, $0xA;
	s2 =	sadd.s32 s3, s2  }
0x8d: {  	s2 =	sadd.s32 s2, s17  }
0x8e: {  	[smem:$0x3FC4] =	sst s2  }
0x8f: {  	_ = 	snop  }
0x90: {  	s2 =	sld [smem:$0x3FD0];
	(tm) =	ssettm $0x1  }
0x91: {  	s18 =	sld [smem:$0x3FFB];
	_ =	sdelay $0x3  }
0x92: {  	_ =	strace s18  }
0x93: {  	s3 =	sld [smem:$0x3FFC];
	_ =	sdelay $0x3  }
0x94: {  	_ =	strace s3  }
0x95: {  	s3 =	sld [smem:$0x3FFD];
	_ =	sdelay $0x3  }
0x96: {  	_ =	strace s3  }
0x97: {  	_ =	strace $0x8FFFFFFF  }
0x98: {  	s19 =	sld [smem:$0x3FDB];
	_ =	sdelay $0x1  }
0x99: {  	s4 =	simm.s32 $_scs_section_size  }
0x9a: {  	s5 =	simm.s32 $_size__tile_overlayer_lowered;
	s6 =	simm.s32 $_tile_overlayer_lowered  }
0x9b: {  	s22 =	simm.s32 $0x1BFF;
	s21 =	sshll.u32 s6, $0x1;
	s3 =	sadd.s32 s4, s19  }
0x9c: {  	s7 =	simm.s32 $0x0;
	s20 =	sshll.u32 s5, $0x1;
	s5 =	sadd.s32 s21, s3  }
0x9d: {  	[timem:s7], [sflag:s22] =	dma.local [hbm:s5], s20  }
0x9e: {  	_ =	swait.ge [sflag:s22], s20  }
0x9f: {  	s4 =	ssub.s32 $0x0, s20;
	[sflag:s22] =	ssyncset.done $0x0  }
0xa0: {  	[sflag:s22] =	ssyncadd.s32 s4;
	_ =	sdelay $0x1  }
0xa1: {  	s23 =	simm.s32 $0x1B8B  }
0xa2: {  	_ =	swait.ge [sflag:s23], $0x1  }
0xa3: {  	[sflag:s23] =	ssyncset.done $0x0  }
0xa4: {  	s25 =	simm.s32 $0x1B8E;
	s24 =	sld [smem:$0x3FFE];
	[sflag:s23] =	ssyncadd.s32 $0xFFFFFFFF  }
0xa5: {  	s26 =	simm.s32 $execute0_lowered;
	[smem:$0x3FD2] =	sst s25  }
0xa6: {  	s5 =	sshll.u32 s26, $0x1;
	_ =	strace $0x80000049;
	[dreg:$0x1] =	wrdreg $0xFFFFFFFF  }
0xa7: {  	s28 =	simm.s32 $_size_execute0_lowered;
	s3 =	sadd.s32 s3, s5;
	[dreg:$0x0] =	wrdreg $0x0  }
0xa8: {  	s5 =	sshll.u32 s28, $0x1;
	[dreg:$0x2] =	wrdreg s3  }
0xa9: {  	[dreg:$0x3] =	wrdreg s5  }
0xaa: {  	[dreg:$0x4] =	wrdreg $0xC0  }
0xab: {  	_ =	task [dreg:s7], $0x5FFFF  }
0xac: {  	[dreg:$0x1] =	wrdreg $0xFFFFFFFF  }
0xad: {  	[dreg:$0x0] =	wrdreg $0x60  }
0xae: {  	[dreg:$0x2] =	wrdreg s24  }
0xaf: {  	[dreg:$0x3] =	wrdreg s2  }
0xb0: {  	[dreg:$0x4] =	wrdreg $0x146000  }
0xb1: {  	[dreg:$0x5] =	wrdreg $0x9  }
0xb2: {  	_ =	task.clear_ibuf [dreg:s7], $0x6FFFF;
	_ =	strace $0x90000049  }
0xb3: {  	s29 =	simm.s32 $0x9;
	_ =	strace $0x8000004B  }
0xb4: {  	_ =	swait.ge [sflag:s29], $0x1  }
0xb5: {  	[sflag:s29] =	ssyncadd.s32 $0xFFFFFFFF  }
0xb6: {  	_ =	strace $0x9000004B  }
0xb7: {  	_ =	sfence  }
0xb8: {  	s30 =	sld [smem:$0x0];
	_ =	sdelay $0x2  }
0xb9: {  	s31 =	sshll.u32 s1, $0xD;
	s1 =	sshrl.u32 s1, $0x2  }
0xba: {  	s3 =	sand.u32 $0x4000, s31;
	s1 =	sadd.s32 s1, s30  }
0xbb: {  	s0 =	sor.u32 s3, s0;
	s1 =	sshll.u32 s1, $0x11  }
0xbc: {  	s0 =	sor.u32 s1, s0  }
0xbd: {  	s0 =	sadd.s32 $0x8F2B, s0  }
0xbe: {  	[sflag:s0] =	ssyncadd.remote.s32 $0x1  }
0xbf: {  	_ =	sfence.sel $0xFFFF  }
0xc0: {  	[dreg:$0x0] =	wrdreg $0xFFFFFFFF;
	(pc) =	sbr.abs _section_cstart, $3  }
0xc1: {  	[dreg:$0x1] =	wrdreg $0xFFFFFFFF  }
0xc2: {  	_ =	task.clear_ibuf [dreg:s7], $0x2FFFF;
	_ =	strace $0x9FFFFFFF  }
0xc3: {  	(tm) =	ssettm $0x7FFFFFFF  }
tec
execute0_lowered:
.L_overlay_start_1:
0x0: {  	(tag) =	ssettag $0x1  }
0x1: {  	s0 =	rddreg [dreg:$0x0]  }
0x2: {  	s2 =	rddreg [dreg:$0x1]  }
0x3: {  	s3 =	rddreg [dreg:$0x2]  }
0x4: {  	s1 =	srdreg.scid;
	s10 =	stileid.u32;
	s5 =	simm.s32 $0x0  }
0x5: {  	s17 =	simm.s32 $0x80;
	s18 =	simm.s32 $0x2;
	s19 =	simm.s32 $0x3  }
0x6: {  	s28 =	simm.s32 $0x7;
	s30 =	simm.s32 $0x8;
	s16 =	simm.s32 $0xA  }
0x7: {  	s31 =	simm.s32 $0xD;
	s29 =	simm.s32 $0xF;
	s15 =	simm.s32 $0x11  }
0x8: {  	s11 =	simm.s32 $0x17;
	s1 =	sand.u32 $0x1, s1;
	s4 =	sshll.u32 s10, $0x1  }
0x9: {  	[smem:$0x7FF] =	sst s5;
	s7 =	sadd.s32 $0x1C00, s0;
	s0 =	sadd.s32 $0x15600, s0  }
0xa: {  	s9 =	smul.u32 $0x2700, s10;
	s24 =	sadd.s32 $0x27000, s3;
	p0 =	sgt.u32 s10, $0x1  }
0xb: {  	p1 =	sne.s32 s10, $0xF;
	s4 =	sor.u32 s1, s4;
	_ =	strace $0x8000004A  }
0xc: {  	s20 =	ssub.s32 $0x2, s1;
	s1 =	smul.u32 $0x27400, s1;
	[dreg:$0x9] =	wrdreg s24  }
0xd: {  	s24 =	simm.s32 $0x10;
	s6 =	smul.u32 $0x2700, s4;
	s4 =	sshll.u32 s4, $0x4  }
0xe: {  	s8 =	sshrl.u32 s20, $0x1;
	s23 =	sadd.s32 s9, s3;
	s4 =	sadd.s32 s4, s7  }
0xf: {  	s5 =	ssub.s32 s20, s8;
	s22 =	sadd.s32 s9, s1;
	s1 =	sshrl.u32 s1, $0x3  }
0x10: {  	[dreg:$0x8] =	wrdreg s23;
	s23 =	simm.s32 $0x5;
	s20 =	simm.s32 $0xE  }
0x11: {  	s8 =	simm.s32 $0x16;
	s6 =	sshrl.u32 s6, $0x3;
	s21 =	sadd.s32 $0x9C00, s4  }
0x12: {  	s4 =	sadd.s32 $0x13840, s4;
	s1 =	sadd.s32 s0, s1;
	[dreg:$0x6] =	wrdreg s21  }
0x13: {  	s26 =	smax.u32 s5, $0x1;
	s6 =	sadd.s32 s7, s6;
	[dreg:$0x7] =	wrdreg s4  }
0x14: {  	s4 =	sshrl.u32 s22, $0x3;
	s25 =	sadd.s32 $0x4E00, s1;
	[dreg:$0xc] =	wrdreg s26  }
.Ltmp0:
0x15: {  	s21 =	simm.s32 $0x4;
	s22 =	simm.s32 $0xB;
	(pc) =	sbr.rel .LBB2_1-.Ltmp0, $4  }
0x16: {  	s26 =	simm.s32 $0xC;
	s7 =	simm.s32 $0x15;
	[dreg:$0x4] =	wrdreg s6  }
0x17: {  	s6 =	sadd.s32 $0x9C40, s6;
	s0 =	sadd.s32 s0, s4;
	[dreg:$0xb] =	wrdreg s25  }
0x18: {  	s25 =	simm.s32 $0x6;
	s4 =	simm.s32 $0x13;
	[dreg:$0x5] =	wrdreg s6  }
0x19: {  	v0 =	vimm.f32 $0.0e+00;
	[dreg:$0xa] =	wrdreg s0;
	s0 =	simm.s32 $0x0;
	s6 =	simm.s32 $0x14  }
.LBB2_6:
0x1a: {  	_ =	swait.ge [sflag:s18], $0x800  }
0x1b: {  	[sflag:s18] =	ssyncset.done $0x0  }
0x1c: {  	[sflag:s18] =	ssyncadd.s32 $0xFFFFF800  }
0x1d: {  	_ =	swait.ge [sflag:s19], $0x800  }
0x1e: {  	[sflag:s19] =	ssyncset.done $0x0  }
0x1f: {  	[sflag:s19] =	ssyncadd.s32 $0xFFFFF800  }
0x20: {  	_ =	swait.ge [sflag:s21], $0x800  }
0x21: {  	[sflag:s21] =	ssyncset.done $0x0  }
0x22: {  	[sflag:s21] =	ssyncadd.s32 $0xFFFFF800  }
0x23: {  	_ =	swait.ge [sflag:s23], $0x800  }
0x24: {  	[sflag:s23] =	ssyncset.done $0x0  }
0x25: {  	[sflag:s23] =	ssyncadd.s32 $0xFFFFF800  }
0x26: {  	_ =	swait.ge [sflag:s25], $0x800  }
0x27: {  	[sflag:s25] =	ssyncset.done $0x0  }
0x28: {  	[sflag:s25] =	ssyncadd.s32 $0xFFFFF800  }
0x29: {  	_ =	swait.ge [sflag:s28], $0x800  }
0x2a: {  	[sflag:s28] =	ssyncset.done $0x0  }
0x2b: {  	[sflag:s28] =	ssyncadd.s32 $0xFFFFF800  }
0x2c: {  	_ =	swait.ge [sflag:s30], $0x800  }
0x2d: {  	[sflag:s30] =	ssyncset.done $0x0  }
0x2e: {  	[sflag:s30] =	ssyncadd.s32 $0xFFFFF800  }
0x2f: {  	_ =	swait.ge [sflag:s0], $0x800  }
0x30: {  	[sflag:s0] =	ssyncset.done $0x0  }
0x31: {  	[sflag:s0] =	ssyncadd.s32 $0xFFFFF800  }
0x32: {  	_ =	swait.ge [sflag:s16], $0x800  }
0x33: {  	[sflag:s16] =	ssyncset.done $0x0  }
0x34: {  	[sflag:s16] =	ssyncadd.s32 $0xFFFFF800  }
0x35: {  	_ =	swait.ge [sflag:s22], $0x800  }
0x36: {  	[sflag:s22] =	ssyncset.done $0x0  }
0x37: {  	[sflag:s22] =	ssyncadd.s32 $0xFFFFF800  }
0x38: {  	_ =	swait.ge [sflag:s26], $0x800  }
0x39: {  	[sflag:s26] =	ssyncset.done $0x0  }
0x3a: {  	[sflag:s26] =	ssyncadd.s32 $0xFFFFF800  }
0x3b: {  	_ =	swait.ge [sflag:s31], $0x800  }
0x3c: {  	[sflag:s31] =	ssyncset.done $0x0  }
0x3d: {  	[sflag:s31] =	ssyncadd.s32 $0xFFFFF800  }
0x3e: {  	_ =	swait.ge [sflag:s20], $0x800  }
0x3f: {  	[sflag:s20] =	ssyncset.done $0x0  }
0x40: {  	[sflag:s20] =	ssyncadd.s32 $0xFFFFF800  }
0x41: {  	_ =	swait.ge [sflag:s29], $0x800  }
0x42: {  	[sflag:s29] =	ssyncset.done $0x0  }
0x43: {  	[sflag:s29] =	ssyncadd.s32 $0xFFFFF800  }
0x44: {  	_ =	swait.ge [sflag:s24], $0x800  }
0x45: {  	[sflag:s24] =	ssyncset.done $0x0  }
0x46: {  	[sflag:s24] =	ssyncadd.s32 $0xFFFFF800  }
0x47: {  	_ =	swait.ge [sflag:s15], $0x800  }
0x48: {  	[sflag:s15] =	ssyncset.done $0x0  }
0x49: {  	[sflag:s15] =	ssyncadd.s32 $0xFFFFF800  }
0x4a: {  	_ =	swait.ge [sflag:s1], $0x800  }
0x4b: {  	[sflag:s1] =	ssyncset.done $0x0  }
0x4c: {  	[sflag:s1] =	ssyncadd.s32 $0xFFFFF800  }
0x4d: {  	_ =	swait.ge [sflag:s4], $0x800  }
0x4e: {  	[sflag:s4] =	ssyncset.done $0x0  }
0x4f: {  	[sflag:s4] =	ssyncadd.s32 $0xFFFFF800  }
0x50: {  	_ =	swait.ge [sflag:s6], $0x800  }
0x51: {  	[sflag:s6] =	ssyncset.done $0x0  }
0x52: {  	[sflag:s6] =	ssyncadd.s32 $0xFFFFF800  }
0x53: {  	_ =	swait.ge [sflag:s7], $0x800  }
0x54: {  	[sflag:s7] =	ssyncset.done $0x0  }
0x55: {  	[sflag:s7] =	ssyncadd.s32 $0xFFFFF800  }
0x56: {  	_ =	swait.ge [sflag:s8], $0x800  }
0x57: {  	[sflag:s8] =	ssyncset.done $0x0  }
0x58: {  	[sflag:s8] =	ssyncadd.s32 $0xFFFFF800  }
0x59: {  	_ =	swait.ge [sflag:s11], $0x800  }
0x5a: {  	[sflag:s11] =	ssyncset.done $0x0  }
0x5b: {  	s12 =	simm.s32 $0x18;
	[sflag:s11] =	ssyncadd.s32 $0xFFFFF800  }
0x5c: {  	_ =	swait.ge [sflag:s12], $0x800  }
0x5d: {  	[sflag:s12] =	ssyncset.done $0x0  }
0x5e: {  	[sflag:s12] =	ssyncadd.s32 $0xFFFFF800  }
0x5f: {  	_ =	swait.ge [sflag:s13], $0x800  }
0x60: {  	[sflag:s13] =	ssyncset.done $0x0  }
0x61: {  	[sflag:s13] =	ssyncadd.s32 $0xFFFFF800;
	s13 =	simm.s32 $0x1A  }
0x62: {  	_ =	swait.ge [sflag:s13], $0x800  }
0x63: {  	s9 =	simm.s32 @!p0 $0x2700;
	[sflag:s13] =	ssyncset.done $0x0  }
0x64: {  	s10 =	simm.s32 @!p0 $0x4F00;
	s0 =	simm.s32 @!p0 $0x80;
	[sflag:s13] =	ssyncadd.s32 $0xFFFFF800  }
0x65: {  	[tilespmem:s10], [sflag:$0x1] =	stream.indirect.gather @!p0 [hbm4b:s2+s0], $0x10, s9, s0, $0xb8;
	[tilespmem:$0x16D10] =	vst v63  }
0x66: {  	s9 =	simm.s32 @!p0 $0x1  }
0x67: {  	_ =	swait.ge @!p0 [sflag:s9], $0x800  }
0x68: {  	[sflag:s9] =	ssyncset.done @!p0 $0x0  }
0x69: {  	s5 =	simm.s32 @!p0 $0x4E80;
	[sflag:s9] =	ssyncadd.s32 @!p0 $0xFFFFF800  }
0x6a: {  	[spmem:s3] =	stream.indirect.scatter.add.f32 @!p0 [tilespmem:s10], [sflag:$0x1], $0x10, s5, s0, $0xb8;
	[tilespmem:$0x16D10] =	vst v63  }
0x6b: {  	_ =	swait.ge @!p0 [sflag:s9], $0x800  }
0x6c: {  	[sflag:s9] =	ssyncset.done @!p0 $0x0  }
0x6d: {  	[sflag:s9] =	ssyncadd.s32 @!p0 $0xFFFFF800  }
0x6e: {  	s14 =	stileid.u32;
	[bflag:$0x0] =	sbarrier.arrive $0xFFFF  }
0x6f: {  	s12 =	simm.s32 $0x1B;
	s5 =	sshll.u32 s14, $0x6;
	s0 =	rddreg [dreg:$0x8]  }
0x70: {  	s5 =	sor.u32 $0x1C1B, s5;
	s1 =	rddreg [dreg:$0xa];
	s9 =	sshrl.u32 s0, $0x3  }
0x71: {  	[hbm:s1], [sflag:s5] =	dma.local [spmem:s9], $0x4E0  }
0x72: {  	_ =	swait.ge [sflag:s12], $0x4E0  }
0x73: {  	[sflag:s12] =	ssyncset.done $0x0;
	s9 =	rddreg [dreg:$0x9]  }
0x74: {  	s10 =	rddreg [dreg:$0xb];
	[sflag:s12] =	ssyncadd.s32 $0xFFFFFB20;
	s9 =	sshrl.u32 @!p1 s9, $0x3  }
0x75: {  	[hbm:s10], [sflag:s5] =	dma.local @!p1 [spmem:s9], $0x20  }
0x76: {  	s5 =	simm.s32 @!p1 $0x1B  }
0x77: {  	_ =	swait.ge @!p1 [sflag:s5], $0x20  }
0x78: {  	s13 =	rddreg [dreg:$0xd]  }
0x79: {  	s14 =	rddreg [dreg:$0xc];
	s0 =	sadd.s32 $0x1, s13  }
0x7a: {  	p2 =	sne.s32 s0, s14  }
.Ltmp1:
0x7b: {  	_ = 	snop;
	(pc) =	sbr.rel @!p2 .LBB2_7-.Ltmp1, $3  }
0x7c: {  	_ =	sdelay $0x1  }
0x7d: {  	[sflag:s5] =	ssyncset.done @!p1 $0x0  }
0x7e: {  	[sflag:s5] =	ssyncadd.s32 @!p1 $0xFFFFFFE0  }
.LBB2_1:
0x7f: {  	[dreg:$0xd] =	wrdreg s0;
	s5 =	simm.s32 $0x40;
	s9 =	simm.s32 $0x0  }
.LBB2_2:
0x80: {  	p2 =	sne.s32 s5, $0x9BC0;
	[tilespmem:s9+$0x11F00] =	vst v0;
	s9 =	smov.u32 s5;
	s5 =	sadd.s32 $0x40, s5  }
.Ltmp2:
0x81: {  	(pc) =	sbr.rel @p2 .LBB2_2-.Ltmp2, $2  }
0x82: {  	_ =	sdelay $0x2  }
0x83: {  	s9 =	sshra.s32 s9, $0x2  }
0x84: {  	[tilespmem:s9+$0x11F00] =	vst v0;
	s5 =	simm.s32 $0x0;
	s0 =	rddreg [dreg:$0x4]  }
0x85: {  	[tilespmem:s5], [sflag:$0x1B] =	stream.linear.gather [hbm4b:s0+s5], $0x2700, $0x38;
	[tilespmem:$0x16D10] =	vst v63  }
0x86: {  	s0 =	simm.s32 $0x1B  }
0x87: {  	_ =	swait.ge [sflag:s0], $0x2700  }
0x88: {  	[sflag:s0] =	ssyncset.done $0x0  }
0x89: {  	s10 =	simm.s32 $0x2780;
	s1 =	rddreg [dreg:$0x5];
	[sflag:s0] =	ssyncadd.s32 $0xFFFFD900  }
0x8a: {  	[tilespmem:s10], [sflag:$0x1B] =	stream.linear.gather [hbm4b:s1+s5], $0x2700, $0x38;
	[tilespmem:$0x16D10] =	vst v63  }
0x8b: {  	_ =	swait.ge [sflag:s0], $0x2700  }
0x8c: {  	s9 =	simm.s32 @!p0 $0x2700;
	[sflag:s0] =	ssyncset.done $0x0  }
0x8d: {  	s1 =	simm.s32 @!p0 $0x0;
	s5 =	rddreg [dreg:$0x6];
	[sflag:s0] =	ssyncadd.s32 $0xFFFFD900  }
0x8e: {  	[tilespmem:s9], [sflag:$0x1B] =	stream.linear.gather @!p0 [hbm4b:s5+s1], $0x80, $0x38;
	[tilespmem:$0x16D10] =	vst v63  }
0x8f: {  	s9 =	simm.s32 @!p0 $0x1B  }
0x90: {  	_ =	swait.ge @!p0 [sflag:s9], $0x80  }
0x91: {  	[sflag:s9] =	ssyncset.done @!p0 $0x0  }
0x92: {  	s5 =	simm.s32 @!p0 $0x4E80;
	s10 =	rddreg [dreg:$0x7];
	[sflag:s9] =	ssyncadd.s32 @!p0 $0xFFFFFF80  }
0x93: {  	[tilespmem:s5], [sflag:$0x1B] =	stream.linear.gather @!p0 [hbm4b:s10+s1], $0x80, $0x38;
	[tilespmem:$0x16D10] =	vst v63  }
0x94: {  	_ =	swait.ge @!p0 [sflag:s9], $0x80  }
0x95: {  	[sflag:s9] =	ssyncset.done @!p0 $0x0  }
0x96: {  	s12 =	simm.s32 $0x11F00;
	s10 =	rddreg [dreg:$0x8];
	[sflag:s9] =	ssyncadd.s32 @!p0 $0xFFFFFF80  }
0x97: {  	[spmem:s10] =	stream.linear.scatter [tilespmem:s12], [sflag:$0x1B], $0x2700, $0x38;
	[tilespmem:$0x16D10] =	vst v63  }
0x98: {  	_ =	swait.ge [sflag:s0], $0x2700  }
0x99: {  	[sflag:s0] =	ssyncset.done $0x0  }
0x9a: {  	s5 =	simm.s32 @!p1 $0x11F00;
	s9 =	rddreg [dreg:$0x9];
	[sflag:s0] =	ssyncadd.s32 $0xFFFFD900  }
0x9b: {  	[spmem:s9] =	stream.linear.scatter @!p1 [tilespmem:s5], [sflag:$0x1B], $0x100, $0x38;
	[tilespmem:$0x16D10] =	vst v63  }
0x9c: {  	s5 =	simm.s32 @!p1 $0x1B  }
0x9d: {  	_ =	swait.ge @!p1 [sflag:s5], $0x100  }
0x9e: {  	[sflag:s5] =	ssyncset.done @!p1 $0x0  }
0x9f: {  	[sflag:s5] =	ssyncadd.s32 @!p1 $0xFFFFFF00  }
0xa0: {  	s13 =	simm.s32 $0x4F00;
	s5 =	simm.s32 $0x0;
	[bflag:$0x0] =	sbarrier.arrive $0xFFFF  }
0xa1: {  	[tilespmem:s13], [sflag:$0x1] =	stream.indirect.gather [hbm4b:s2+s17], $0x10, s5, s17, $0xb8;
	[tilespmem:$0x16D10] =	vst v63  }
0xa2: {  	s14 =	simm.s32 $0x5700  }
0xa3: {  	[tilespmem:s14], [sflag:$0x2] =	stream.indirect.gather [hbm4b:s2+s17], $0x10, s17, s17, $0xb8;
	[tilespmem:$0x16D10] =	vst v63  }
0xa4: {  	s1 =	simm.s32 $0x5F00;
	s0 =	simm.s32 $0x100  }
0xa5: {  	[tilespmem:s1], [sflag:$0x3] =	stream.indirect.gather [hbm4b:s2+s17], $0x10, s0, s17, $0xb8;
	[tilespmem:$0x16D10] =	vst v63  }
0xa6: {  	s10 =	simm.s32 $0x180;
	s12 =	simm.s32 $0x6700  }
0xa7: {  	[tilespmem:s12], [sflag:$0x4] =	stream.indirect.gather [hbm4b:s2+s17], $0x10, s10, s17, $0xb8;
	[tilespmem:$0x16D10] =	vst v63  }
0xa8: {  	s13 =	simm.s32 $0x200;
	s14 =	simm.s32 $0x6F00  }
0xa9: {  	[tilespmem:s14], [sflag:$0x5] =	stream.indirect.gather [hbm4b:s2+s17], $0x10, s13, s17, $0xb8;
	[tilespmem:$0x16D10] =	vst v63  }
0xaa: {  	s0 =	simm.s32 $0x280;
	s1 =	simm.s32 $0x7700  }
0xab: {  	[tilespmem:s1], [sflag:$0x6] =	stream.indirect.gather [hbm4b:s2+s17], $0x10, s0, s17, $0xb8;
	[tilespmem:$0x16D10] =	vst v63  }
0xac: {  	s10 =	simm.s32 $0x300;
	s12 =	simm.s32 $0x7F00  }
0xad: {  	[tilespmem:s12], [sflag:$0x7] =	stream.indirect.gather [hbm4b:s2+s17], $0x10, s10, s17, $0xb8;
	[tilespmem:$0x16D10] =	vst v63  }
0xae: {  	s13 =	simm.s32 $0x380;
	s14 =	simm.s32 $0x8700  }
0xaf: {  	[tilespmem:s14], [sflag:$0x8] =	stream.indirect.gather [hbm4b:s2+s17], $0x10, s13, s17, $0xb8;
	[tilespmem:$0x16D10] =	vst v63  }
0xb0: {  	s0 =	simm.s32 $0x400;
	s1 =	simm.s32 $0x8F00  }
0xb1: {  	[tilespmem:s1], [sflag:$0x9] =	stream.indirect.gather [hbm4b:s2+s17], $0x10, s0, s17, $0xb8;
	[tilespmem:$0x16D10] =	vst v63  }
0xb2: {  	s10 =	simm.s32 $0x480;
	s12 =	simm.s32 $0x9700  }
0xb3: {  	[tilespmem:s12], [sflag:$0xA] =	stream.indirect.gather [hbm4b:s2+s17], $0x10, s10, s17, $0xb8;
	[tilespmem:$0x16D10] =	vst v63  }
0xb4: {  	s13 =	simm.s32 $0x500;
	s14 =	simm.s32 $0x9F00  }
0xb5: {  	[tilespmem:s14], [sflag:$0xB] =	stream.indirect.gather [hbm4b:s2+s17], $0x10, s13, s17, $0xb8;
	[tilespmem:$0x16D10] =	vst v63  }
0xb6: {  	s0 =	simm.s32 $0x580;
	s1 =	simm.s32 $0xA700  }
0xb7: {  	[tilespmem:s1], [sflag:$0xC] =	stream.indirect.gather [hbm4b:s2+s17], $0x10, s0, s17, $0xb8;
	[tilespmem:$0x16D10] =	vst v63  }
0xb8: {  	s10 =	simm.s32 $0x600;
	s12 =	simm.s32 $0xAF00  }
0xb9: {  	[tilespmem:s12], [sflag:$0xD] =	stream.indirect.gather [hbm4b:s2+s17], $0x10, s10, s17, $0xb8;
	[tilespmem:$0x16D10] =	vst v63  }
0xba: {  	s13 =	simm.s32 $0x680;
	s14 =	simm.s32 $0xB700  }
0xbb: {  	[tilespmem:s14], [sflag:$0xE] =	stream.indirect.gather [hbm4b:s2+s17], $0x10, s13, s17, $0xb8;
	[tilespmem:$0x16D10] =	vst v63  }
0xbc: {  	s0 =	simm.s32 $0x700;
	s1 =	simm.s32 $0xBF00  }
0xbd: {  	[tilespmem:s1], [sflag:$0xF] =	stream.indirect.gather [hbm4b:s2+s17], $0x10, s0, s17, $0xb8;
	[tilespmem:$0x16D10] =	vst v63  }
0xbe: {  	s10 =	simm.s32 $0x780;
	s12 =	simm.s32 $0xC700  }
0xbf: {  	[tilespmem:s12], [sflag:$0x10] =	stream.indirect.gather [hbm4b:s2+s17], $0x10, s10, s17, $0xb8;
	[tilespmem:$0x16D10] =	vst v63  }
0xc0: {  	s13 =	simm.s32 $0x800;
	s14 =	simm.s32 $0xCF00  }
0xc1: {  	[tilespmem:s14], [sflag:$0x11] =	stream.indirect.gather [hbm4b:s2+s17], $0x10, s13, s17, $0xb8;
	[tilespmem:$0x16D10] =	vst v63  }
0xc2: {  	s0 =	simm.s32 $0x880;
	s1 =	simm.s32 $0xD700  }
0xc3: {  	[tilespmem:s1], [sflag:$0x12] =	stream.indirect.gather [hbm4b:s2+s17], $0x10, s0, s17, $0xb8;
	[tilespmem:$0x16D10] =	vst v63  }
0xc4: {  	s10 =	simm.s32 $0x900;
	s12 =	simm.s32 $0xDF00  }
0xc5: {  	[tilespmem:s12], [sflag:$0x13] =	stream.indirect.gather [hbm4b:s2+s17], $0x10, s10, s17, $0xb8;
	[tilespmem:$0x16D10] =	vst v63  }
0xc6: {  	s13 =	simm.s32 $0x980;
	s14 =	simm.s32 $0xE700  }
0xc7: {  	[tilespmem:s14], [sflag:$0x14] =	stream.indirect.gather [hbm4b:s2+s17], $0x10, s13, s17, $0xb8;
	[tilespmem:$0x16D10] =	vst v63  }
0xc8: {  	s0 =	simm.s32 $0xA00;
	s1 =	simm.s32 $0xEF00  }
0xc9: {  	[tilespmem:s1], [sflag:$0x15] =	stream.indirect.gather [hbm4b:s2+s17], $0x10, s0, s17, $0xb8;
	[tilespmem:$0x16D10] =	vst v63  }
0xca: {  	s10 =	simm.s32 $0xA80;
	s12 =	simm.s32 $0xF700  }
0xcb: {  	[tilespmem:s12], [sflag:$0x16] =	stream.indirect.gather [hbm4b:s2+s17], $0x10, s10, s17, $0xb8;
	[tilespmem:$0x16D10] =	vst v63  }
0xcc: {  	s13 =	simm.s32 $0xB00;
	s14 =	simm.s32 $0xFF00  }
0xcd: {  	[tilespmem:s14], [sflag:$0x17] =	stream.indirect.gather [hbm4b:s2+s17], $0x10, s13, s17, $0xb8;
	[tilespmem:$0x16D10] =	vst v63  }
0xce: {  	s0 =	simm.s32 $0xB80;
	s1 =	simm.s32 $0x10700  }
0xcf: {  	[tilespmem:s1], [sflag:$0x18] =	stream.indirect.gather [hbm4b:s2+s17], $0x10, s0, s17, $0xb8;
	[tilespmem:$0x16D10] =	vst v63  }
0xd0: {  	s10 =	simm.s32 $0xC00;
	s12 =	simm.s32 $0x10F00;
	s13 =	simm.s32 $0xC80  }
0xd1: {  	[tilespmem:s12], [sflag:$0x19] =	stream.indirect.gather [hbm4b:s2+s17], $0x10, s10, s17, $0xb8;
	[tilespmem:$0x16D10] =	vst v63  }
0xd2: {  	s14 =	simm.s32 $0x11700;
	s0 =	simm.s32 $0x9;
	s1 =	simm.s32 $0x12  }
0xd3: {  	[tilespmem:s14], [sflag:$0x1A] =	stream.indirect.gather [hbm4b:s2+s17], $0x10, s13, s17, $0xb8;
	[tilespmem:$0x16D10] =	vst v63  }
.LBB2_4:
0xd4: {  	s14 =	simm.s32 $0x1  }
0xd5: {  	_ =	swait.ge [sflag:s14], $0x800  }
0xd6: {  	s9 =	sshra.s32 s5, $0x2;
	[sflag:s14] =	ssyncset.done $0x0  }
0xd7: {  	s13 =	simm.s32 $0x4F00;
	s10 =	sadd.s32 $0x2780, s9;
	[sflag:s14] =	ssyncadd.s32 $0xFFFFF800  }
0xd8: {  	[spmem:s3] =	stream.indirect.scatter.add.f32 [tilespmem:s13], [sflag:$0x1], $0x10, s10, s17, $0xb8;
	[tilespmem:$0x16D10] =	vst v63  }
0xd9: {  	_ =	swait.ge [sflag:s18], $0x800  }
0xda: {  	[sflag:s18] =	ssyncset.done $0x0  }
0xdb: {  	s12 =	simm.s32 $0x5700;
	s13 =	sadd.s32 $0x2800, s9;
	[sflag:s18] =	ssyncadd.s32 $0xFFFFF800  }
0xdc: {  	[spmem:s3] =	stream.indirect.scatter.add.f32 [tilespmem:s12], [sflag:$0x2], $0x10, s13, s17, $0xb8;
	[tilespmem:$0x16D10] =	vst v63  }
0xdd: {  	_ =	swait.ge [sflag:s19], $0x800  }
0xde: {  	[sflag:s19] =	ssyncset.done $0x0  }
0xdf: {  	s13 =	sadd.s32 $0x2880, s9;
	s12 =	simm.s32 $0x5F00;
	[sflag:s19] =	ssyncadd.s32 $0xFFFFF800  }
0xe0: {  	[spmem:s3] =	stream.indirect.scatter.add.f32 [tilespmem:s12], [sflag:$0x3], $0x10, s13, s17, $0xb8;
	[tilespmem:$0x16D10] =	vst v63  }
0xe1: {  	_ =	swait.ge [sflag:s21], $0x800  }
0xe2: {  	[sflag:s21] =	ssyncset.done $0x0  }
0xe3: {  	s13 =	sadd.s32 $0x2900, s9;
	s12 =	simm.s32 $0x6700;
	[sflag:s21] =	ssyncadd.s32 $0xFFFFF800  }
0xe4: {  	[spmem:s3] =	stream.indirect.scatter.add.f32 [tilespmem:s12], [sflag:$0x4], $0x10, s13, s17, $0xb8;
	[tilespmem:$0x16D10] =	vst v63  }
0xe5: {  	_ =	swait.ge [sflag:s23], $0x800  }
0xe6: {  	[sflag:s23] =	ssyncset.done $0x0  }
0xe7: {  	s13 =	sadd.s32 $0x2980, s9;
	s12 =	simm.s32 $0x6F00;
	[sflag:s23] =	ssyncadd.s32 $0xFFFFF800  }
0xe8: {  	[spmem:s3] =	stream.indirect.scatter.add.f32 [tilespmem:s12], [sflag:$0x5], $0x10, s13, s17, $0xb8;
	[tilespmem:$0x16D10] =	vst v63  }
0xe9: {  	_ =	swait.ge [sflag:s25], $0x800  }
0xea: {  	[sflag:s25] =	ssyncset.done $0x0  }
0xeb: {  	s13 =	sadd.s32 $0x2A00, s9;
	s12 =	simm.s32 $0x7700;
	[sflag:s25] =	ssyncadd.s32 $0xFFFFF800  }
0xec: {  	[spmem:s3] =	stream.indirect.scatter.add.f32 [tilespmem:s12], [sflag:$0x6], $0x10, s13, s17, $0xb8;
	[tilespmem:$0x16D10] =	vst v63  }
0xed: {  	_ =	swait.ge [sflag:s28], $0x800  }
0xee: {  	[sflag:s28] =	ssyncset.done $0x0  }
0xef: {  	s13 =	sadd.s32 $0x2A80, s9;
	s12 =	simm.s32 $0x7F00;
	[sflag:s28] =	ssyncadd.s32 $0xFFFFF800  }
0xf0: {  	[spmem:s3] =	stream.indirect.scatter.add.f32 [tilespmem:s12], [sflag:$0x7], $0x10, s13, s17, $0xb8;
	[tilespmem:$0x16D10] =	vst v63  }
0xf1: {  	_ =	swait.ge [sflag:s30], $0x800  }
0xf2: {  	[sflag:s30] =	ssyncset.done $0x0  }
0xf3: {  	s13 =	sadd.s32 $0x2B00, s9;
	s12 =	simm.s32 $0x8700;
	[sflag:s30] =	ssyncadd.s32 $0xFFFFF800  }
0xf4: {  	[spmem:s3] =	stream.indirect.scatter.add.f32 [tilespmem:s12], [sflag:$0x8], $0x10, s13, s17, $0xb8;
	[tilespmem:$0x16D10] =	vst v63  }
0xf5: {  	_ =	swait.ge [sflag:s0], $0x800  }
0xf6: {  	[sflag:s0] =	ssyncset.done $0x0  }
0xf7: {  	s13 =	sadd.s32 $0x2B80, s9;
	s12 =	simm.s32 $0x8F00;
	[sflag:s0] =	ssyncadd.s32 $0xFFFFF800  }
0xf8: {  	[spmem:s3] =	stream.indirect.scatter.add.f32 [tilespmem:s12], [sflag:$0x9], $0x10, s13, s17, $0xb8;
	[tilespmem:$0x16D10] =	vst v63  }
0xf9: {  	_ =	swait.ge [sflag:s16], $0x800  }
0xfa: {  	[sflag:s16] =	ssyncset.done $0x0  }
0xfb: {  	s13 =	sadd.s32 $0x2C00, s9;
	s12 =	simm.s32 $0x9700;
	[sflag:s16] =	ssyncadd.s32 $0xFFFFF800  }
0xfc: {  	[spmem:s3] =	stream.indirect.scatter.add.f32 [tilespmem:s12], [sflag:$0xA], $0x10, s13, s17, $0xb8;
	[tilespmem:$0x16D10] =	vst v63  }
0xfd: {  	_ =	swait.ge [sflag:s22], $0x800  }
0xfe: {  	[sflag:s22] =	ssyncset.done $0x0  }
0xff: {  	s13 =	sadd.s32 $0x2C80, s9;
	s12 =	simm.s32 $0x9F00;
	[sflag:s22] =	ssyncadd.s32 $0xFFFFF800  }
0x100: {  	[spmem:s3] =	stream.indirect.scatter.add.f32 [tilespmem:s12], [sflag:$0xB], $0x10, s13, s17, $0xb8;
	[tilespmem:$0x16D10] =	vst v63  }
0x101: {  	_ =	swait.ge [sflag:s26], $0x800  }
0x102: {  	[sflag:s26] =	ssyncset.done $0x0  }
0x103: {  	s13 =	sadd.s32 $0x2D00, s9;
	s12 =	simm.s32 $0xA700;
	[sflag:s26] =	ssyncadd.s32 $0xFFFFF800  }
0x104: {  	[spmem:s3] =	stream.indirect.scatter.add.f32 [tilespmem:s12], [sflag:$0xC], $0x10, s13, s17, $0xb8;
	[tilespmem:$0x16D10] =	vst v63  }
0x105: {  	_ =	swait.ge [sflag:s31], $0x800  }
0x106: {  	[sflag:s31] =	ssyncset.done $0x0  }
0x107: {  	s13 =	sadd.s32 $0x2D80, s9;
	s12 =	simm.s32 $0xAF00;
	[sflag:s31] =	ssyncadd.s32 $0xFFFFF800  }
0x108: {  	[spmem:s3] =	stream.indirect.scatter.add.f32 [tilespmem:s12], [sflag:$0xD], $0x10, s13, s17, $0xb8;
	[tilespmem:$0x16D10] =	vst v63  }
0x109: {  	_ =	swait.ge [sflag:s20], $0x800  }
0x10a: {  	[sflag:s20] =	ssyncset.done $0x0  }
0x10b: {  	s13 =	sadd.s32 $0x2E00, s9;
	s12 =	simm.s32 $0xB700;
	[sflag:s20] =	ssyncadd.s32 $0xFFFFF800  }
0x10c: {  	[spmem:s3] =	stream.indirect.scatter.add.f32 [tilespmem:s12], [sflag:$0xE], $0x10, s13, s17, $0xb8;
	[tilespmem:$0x16D10] =	vst v63  }
0x10d: {  	_ =	swait.ge [sflag:s29], $0x800  }
0x10e: {  	[sflag:s29] =	ssyncset.done $0x0  }
0x10f: {  	s13 =	sadd.s32 $0x2E80, s9;
	s12 =	simm.s32 $0xBF00;
	[sflag:s29] =	ssyncadd.s32 $0xFFFFF800  }
0x110: {  	[spmem:s3] =	stream.indirect.scatter.add.f32 [tilespmem:s12], [sflag:$0xF], $0x10, s13, s17, $0xb8;
	[tilespmem:$0x16D10] =	vst v63  }
0x111: {  	_ =	swait.ge [sflag:s24], $0x800  }
0x112: {  	[sflag:s24] =	ssyncset.done $0x0  }
0x113: {  	s13 =	sadd.s32 $0x2F00, s9;
	s12 =	simm.s32 $0xC700;
	[sflag:s24] =	ssyncadd.s32 $0xFFFFF800  }
0x114: {  	[spmem:s3] =	stream.indirect.scatter.add.f32 [tilespmem:s12], [sflag:$0x10], $0x10, s13, s17, $0xb8;
	[tilespmem:$0x16D10] =	vst v63  }
0x115: {  	_ =	swait.ge [sflag:s15], $0x800  }
0x116: {  	[sflag:s15] =	ssyncset.done $0x0  }
0x117: {  	s13 =	sadd.s32 $0x2F80, s9;
	s12 =	simm.s32 $0xCF00;
	[sflag:s15] =	ssyncadd.s32 $0xFFFFF800  }
0x118: {  	[spmem:s3] =	stream.indirect.scatter.add.f32 [tilespmem:s12], [sflag:$0x11], $0x10, s13, s17, $0xb8;
	[tilespmem:$0x16D10] =	vst v63  }
0x119: {  	_ =	swait.ge [sflag:s1], $0x800  }
0x11a: {  	[sflag:s1] =	ssyncset.done $0x0  }
0x11b: {  	s13 =	sadd.s32 $0x3000, s9;
	s12 =	simm.s32 $0xD700;
	[sflag:s1] =	ssyncadd.s32 $0xFFFFF800  }
0x11c: {  	[spmem:s3] =	stream.indirect.scatter.add.f32 [tilespmem:s12], [sflag:$0x12], $0x10, s13, s17, $0xb8;
	[tilespmem:$0x16D10] =	vst v63  }
0x11d: {  	_ =	swait.ge [sflag:s4], $0x800  }
0x11e: {  	[sflag:s4] =	ssyncset.done $0x0  }
0x11f: {  	s13 =	sadd.s32 $0x3080, s9;
	s12 =	simm.s32 $0xDF00;
	[sflag:s4] =	ssyncadd.s32 $0xFFFFF800  }
0x120: {  	[spmem:s3] =	stream.indirect.scatter.add.f32 [tilespmem:s12], [sflag:$0x13], $0x10, s13, s17, $0xb8;
	[tilespmem:$0x16D10] =	vst v63  }
0x121: {  	_ =	swait.ge [sflag:s6], $0x800  }
0x122: {  	[sflag:s6] =	ssyncset.done $0x0  }
0x123: {  	s13 =	sadd.s32 $0x3100, s9;
	s12 =	simm.s32 $0xE700;
	[sflag:s6] =	ssyncadd.s32 $0xFFFFF800  }
0x124: {  	[spmem:s3] =	stream.indirect.scatter.add.f32 [tilespmem:s12], [sflag:$0x14], $0x10, s13, s17, $0xb8;
	[tilespmem:$0x16D10] =	vst v63  }
0x125: {  	_ =	swait.ge [sflag:s7], $0x800  }
0x126: {  	[sflag:s7] =	ssyncset.done $0x0  }
0x127: {  	s13 =	sadd.s32 $0x3180, s9;
	s12 =	simm.s32 $0xEF00;
	[sflag:s7] =	ssyncadd.s32 $0xFFFFF800  }
0x128: {  	[spmem:s3] =	stream.indirect.scatter.add.f32 [tilespmem:s12], [sflag:$0x15], $0x10, s13, s17, $0xb8;
	[tilespmem:$0x16D10] =	vst v63  }
0x129: {  	_ =	swait.ge [sflag:s8], $0x800  }
0x12a: {  	[sflag:s8] =	ssyncset.done $0x0  }
0x12b: {  	s13 =	sadd.s32 $0x3200, s9;
	s12 =	simm.s32 $0xF700;
	[sflag:s8] =	ssyncadd.s32 $0xFFFFF800  }
0x12c: {  	[spmem:s3] =	stream.indirect.scatter.add.f32 [tilespmem:s12], [sflag:$0x16], $0x10, s13, s17, $0xb8;
	[tilespmem:$0x16D10] =	vst v63  }
0x12d: {  	_ =	swait.ge [sflag:s11], $0x800  }
0x12e: {  	[sflag:s11] =	ssyncset.done $0x0  }
0x12f: {  	s13 =	sadd.s32 $0x3280, s9;
	s12 =	simm.s32 $0xFF00;
	[sflag:s11] =	ssyncadd.s32 $0xFFFFF800  }
0x130: {  	[spmem:s3] =	stream.indirect.scatter.add.f32 [tilespmem:s12], [sflag:$0x17], $0x10, s13, s17, $0xb8;
	[tilespmem:$0x16D10] =	vst v63  }
0x131: {  	s12 =	simm.s32 $0x18  }
0x132: {  	_ =	swait.ge [sflag:s12], $0x800  }
0x133: {  	[sflag:s12] =	ssyncset.done $0x0  }
0x134: {  	s13 =	sadd.s32 $0x3300, s9;
	[sflag:s12] =	ssyncadd.s32 $0xFFFFF800;
	s12 =	simm.s32 $0x10700  }
0x135: {  	[spmem:s3] =	stream.indirect.scatter.add.f32 [tilespmem:s12], [sflag:$0x18], $0x10, s13, s17, $0xb8;
	[tilespmem:$0x16D10] =	vst v63  }
0x136: {  	s13 =	simm.s32 $0x19  }
0x137: {  	_ =	swait.ge [sflag:s13], $0x800  }
0x138: {  	[sflag:s13] =	ssyncset.done $0x0  }
0x139: {  	s10 =	sadd.s32 $0x3380, s9;
	s12 =	simm.s32 $0x10F00;
	[sflag:s13] =	ssyncadd.s32 $0xFFFFF800  }
0x13a: {  	[spmem:s3] =	stream.indirect.scatter.add.f32 [tilespmem:s12], [sflag:$0x19], $0x10, s10, s17, $0xb8;
	[tilespmem:$0x16D10] =	vst v63  }
0x13b: {  	s12 =	simm.s32 $0x1A  }
0x13c: {  	_ =	swait.ge [sflag:s12], $0x800  }
0x13d: {  	p2 =	seq.s32 s5, $0x6800;
	s10 =	sadd.s32 $0x3400, s9;
	[sflag:s12] =	ssyncset.done $0x0  }
.Ltmp3:
0x13e: {  	[sflag:s12] =	ssyncadd.s32 $0xFFFFF800;
	s12 =	simm.s32 $0x11700;
	(pc) =	sbr.rel @p2 .LBB2_6-.Ltmp3, $4  }
0x13f: {  	[spmem:s3] =	stream.indirect.scatter.add.f32 [tilespmem:s12], [sflag:$0x1A], $0x10, s10, s17, $0xb8;
	[tilespmem:$0x16D10] =	vst v63  }
0x140: {  	_ =	swait.ge [sflag:s14], $0x800  }
0x141: {  	[sflag:s14] =	ssyncset.done $0x0  }
0x142: {  	[sflag:s14] =	ssyncadd.s32 $0xFFFFF800  }
0x143: {  	s10 =	sadd.s32 $0xD00, s9;
	s14 =	simm.s32 $0x4F00  }
0x144: {  	[tilespmem:s14], [sflag:$0x1] =	stream.indirect.gather [hbm4b:s2+s17], $0x10, s10, s17, $0xb8;
	[tilespmem:$0x16D10] =	vst v63  }
0x145: {  	_ =	swait.ge [sflag:s18], $0x800  }
0x146: {  	[sflag:s18] =	ssyncset.done $0x0  }
0x147: {  	s12 =	simm.s32 $0x5700;
	s14 =	sadd.s32 $0xD80, s9;
	[sflag:s18] =	ssyncadd.s32 $0xFFFFF800  }
0x148: {  	[tilespmem:s12], [sflag:$0x2] =	stream.indirect.gather [hbm4b:s2+s17], $0x10, s14, s17, $0xb8;
	[tilespmem:$0x16D10] =	vst v63  }
0x149: {  	_ =	swait.ge [sflag:s19], $0x800  }
0x14a: {  	[sflag:s19] =	ssyncset.done $0x0  }
0x14b: {  	s14 =	sadd.s32 $0xE00, s9;
	s12 =	simm.s32 $0x5F00;
	[sflag:s19] =	ssyncadd.s32 $0xFFFFF800  }
0x14c: {  	[tilespmem:s12], [sflag:$0x3] =	stream.indirect.gather [hbm4b:s2+s17], $0x10, s14, s17, $0xb8;
	[tilespmem:$0x16D10] =	vst v63  }
0x14d: {  	_ =	swait.ge [sflag:s21], $0x800  }
0x14e: {  	[sflag:s21] =	ssyncset.done $0x0  }
0x14f: {  	s14 =	sadd.s32 $0xE80, s9;
	s12 =	simm.s32 $0x6700;
	[sflag:s21] =	ssyncadd.s32 $0xFFFFF800  }
0x150: {  	[tilespmem:s12], [sflag:$0x4] =	stream.indirect.gather [hbm4b:s2+s17], $0x10, s14, s17, $0xb8;
	[tilespmem:$0x16D10] =	vst v63  }
0x151: {  	_ =	swait.ge [sflag:s23], $0x800  }
0x152: {  	[sflag:s23] =	ssyncset.done $0x0  }
0x153: {  	s14 =	sadd.s32 $0xF00, s9;
	s12 =	simm.s32 $0x6F00;
	[sflag:s23] =	ssyncadd.s32 $0xFFFFF800  }
0x154: {  	[tilespmem:s12], [sflag:$0x5] =	stream.indirect.gather [hbm4b:s2+s17], $0x10, s14, s17, $0xb8;
	[tilespmem:$0x16D10] =	vst v63  }
0x155: {  	_ =	swait.ge [sflag:s25], $0x800  }
0x156: {  	[sflag:s25] =	ssyncset.done $0x0  }
0x157: {  	s14 =	sadd.s32 $0xF80, s9;
	s12 =	simm.s32 $0x7700;
	[sflag:s25] =	ssyncadd.s32 $0xFFFFF800  }
0x158: {  	[tilespmem:s12], [sflag:$0x6] =	stream.indirect.gather [hbm4b:s2+s17], $0x10, s14, s17, $0xb8;
	[tilespmem:$0x16D10] =	vst v63  }
0x159: {  	_ =	swait.ge [sflag:s28], $0x800  }
0x15a: {  	[sflag:s28] =	ssyncset.done $0x0  }
0x15b: {  	s14 =	sadd.s32 $0x1000, s9;
	s12 =	simm.s32 $0x7F00;
	[sflag:s28] =	ssyncadd.s32 $0xFFFFF800  }
0x15c: {  	[tilespmem:s12], [sflag:$0x7] =	stream.indirect.gather [hbm4b:s2+s17], $0x10, s14, s17, $0xb8;
	[tilespmem:$0x16D10] =	vst v63  }
0x15d: {  	_ =	swait.ge [sflag:s30], $0x800  }
0x15e: {  	[sflag:s30] =	ssyncset.done $0x0  }
0x15f: {  	s14 =	sadd.s32 $0x1080, s9;
	s12 =	simm.s32 $0x8700;
	[sflag:s30] =	ssyncadd.s32 $0xFFFFF800  }
0x160: {  	[tilespmem:s12], [sflag:$0x8] =	stream.indirect.gather [hbm4b:s2+s17], $0x10, s14, s17, $0xb8;
	[tilespmem:$0x16D10] =	vst v63  }
0x161: {  	_ =	swait.ge [sflag:s0], $0x800  }
0x162: {  	[sflag:s0] =	ssyncset.done $0x0  }
0x163: {  	s14 =	sadd.s32 $0x1100, s9;
	s12 =	simm.s32 $0x8F00;
	[sflag:s0] =	ssyncadd.s32 $0xFFFFF800  }
0x164: {  	[tilespmem:s12], [sflag:$0x9] =	stream.indirect.gather [hbm4b:s2+s17], $0x10, s14, s17, $0xb8;
	[tilespmem:$0x16D10] =	vst v63  }
0x165: {  	_ =	swait.ge [sflag:s16], $0x800  }
0x166: {  	[sflag:s16] =	ssyncset.done $0x0  }
0x167: {  	s14 =	sadd.s32 $0x1180, s9;
	s12 =	simm.s32 $0x9700;
	[sflag:s16] =	ssyncadd.s32 $0xFFFFF800  }
0x168: {  	[tilespmem:s12], [sflag:$0xA] =	stream.indirect.gather [hbm4b:s2+s17], $0x10, s14, s17, $0xb8;
	[tilespmem:$0x16D10] =	vst v63  }
0x169: {  	_ =	swait.ge [sflag:s22], $0x800  }
0x16a: {  	[sflag:s22] =	ssyncset.done $0x0  }
0x16b: {  	s14 =	sadd.s32 $0x1200, s9;
	s12 =	simm.s32 $0x9F00;
	[sflag:s22] =	ssyncadd.s32 $0xFFFFF800  }
0x16c: {  	[tilespmem:s12], [sflag:$0xB] =	stream.indirect.gather [hbm4b:s2+s17], $0x10, s14, s17, $0xb8;
	[tilespmem:$0x16D10] =	vst v63  }
0x16d: {  	_ =	swait.ge [sflag:s26], $0x800  }
0x16e: {  	[sflag:s26] =	ssyncset.done $0x0  }
0x16f: {  	s14 =	sadd.s32 $0x1280, s9;
	s12 =	simm.s32 $0xA700;
	[sflag:s26] =	ssyncadd.s32 $0xFFFFF800  }
0x170: {  	[tilespmem:s12], [sflag:$0xC] =	stream.indirect.gather [hbm4b:s2+s17], $0x10, s14, s17, $0xb8;
	[tilespmem:$0x16D10] =	vst v63  }
0x171: {  	_ =	swait.ge [sflag:s31], $0x800  }
0x172: {  	[sflag:s31] =	ssyncset.done $0x0  }
0x173: {  	s14 =	sadd.s32 $0x1300, s9;
	s12 =	simm.s32 $0xAF00;
	[sflag:s31] =	ssyncadd.s32 $0xFFFFF800  }
0x174: {  	[tilespmem:s12], [sflag:$0xD] =	stream.indirect.gather [hbm4b:s2+s17], $0x10, s14, s17, $0xb8;
	[tilespmem:$0x16D10] =	vst v63  }
0x175: {  	_ =	swait.ge [sflag:s20], $0x800  }
0x176: {  	[sflag:s20] =	ssyncset.done $0x0  }
0x177: {  	s14 =	sadd.s32 $0x1380, s9;
	s12 =	simm.s32 $0xB700;
	[sflag:s20] =	ssyncadd.s32 $0xFFFFF800  }
0x178: {  	[tilespmem:s12], [sflag:$0xE] =	stream.indirect.gather [hbm4b:s2+s17], $0x10, s14, s17, $0xb8;
	[tilespmem:$0x16D10] =	vst v63  }
0x179: {  	_ =	swait.ge [sflag:s29], $0x800  }
0x17a: {  	[sflag:s29] =	ssyncset.done $0x0  }
0x17b: {  	s14 =	sadd.s32 $0x1400, s9;
	s12 =	simm.s32 $0xBF00;
	[sflag:s29] =	ssyncadd.s32 $0xFFFFF800  }
0x17c: {  	[tilespmem:s12], [sflag:$0xF] =	stream.indirect.gather [hbm4b:s2+s17], $0x10, s14, s17, $0xb8;
	[tilespmem:$0x16D10] =	vst v63  }
0x17d: {  	_ =	swait.ge [sflag:s24], $0x800  }
0x17e: {  	[sflag:s24] =	ssyncset.done $0x0  }
0x17f: {  	s14 =	sadd.s32 $0x1480, s9;
	s12 =	simm.s32 $0xC700;
	[sflag:s24] =	ssyncadd.s32 $0xFFFFF800  }
0x180: {  	[tilespmem:s12], [sflag:$0x10] =	stream.indirect.gather [hbm4b:s2+s17], $0x10, s14, s17, $0xb8;
	[tilespmem:$0x16D10] =	vst v63  }
0x181: {  	_ =	swait.ge [sflag:s15], $0x800  }
0x182: {  	[sflag:s15] =	ssyncset.done $0x0  }
0x183: {  	s14 =	sadd.s32 $0x1500, s9;
	s12 =	simm.s32 $0xCF00;
	[sflag:s15] =	ssyncadd.s32 $0xFFFFF800  }
0x184: {  	[tilespmem:s12], [sflag:$0x11] =	stream.indirect.gather [hbm4b:s2+s17], $0x10, s14, s17, $0xb8;
	[tilespmem:$0x16D10] =	vst v63  }
0x185: {  	_ =	swait.ge [sflag:s1], $0x800  }
0x186: {  	[sflag:s1] =	ssyncset.done $0x0  }
0x187: {  	s14 =	sadd.s32 $0x1580, s9;
	s12 =	simm.s32 $0xD700;
	[sflag:s1] =	ssyncadd.s32 $0xFFFFF800  }
0x188: {  	[tilespmem:s12], [sflag:$0x12] =	stream.indirect.gather [hbm4b:s2+s17], $0x10, s14, s17, $0xb8;
	[tilespmem:$0x16D10] =	vst v63  }
0x189: {  	_ =	swait.ge [sflag:s4], $0x800  }
0x18a: {  	[sflag:s4] =	ssyncset.done $0x0  }
0x18b: {  	s14 =	sadd.s32 $0x1600, s9;
	s12 =	simm.s32 $0xDF00;
	[sflag:s4] =	ssyncadd.s32 $0xFFFFF800  }
0x18c: {  	[tilespmem:s12], [sflag:$0x13] =	stream.indirect.gather [hbm4b:s2+s17], $0x10, s14, s17, $0xb8;
	[tilespmem:$0x16D10] =	vst v63  }
0x18d: {  	_ =	swait.ge [sflag:s6], $0x800  }
0x18e: {  	[sflag:s6] =	ssyncset.done $0x0  }
0x18f: {  	s14 =	sadd.s32 $0x1680, s9;
	s12 =	simm.s32 $0xE700;
	[sflag:s6] =	ssyncadd.s32 $0xFFFFF800  }
0x190: {  	[tilespmem:s12], [sflag:$0x14] =	stream.indirect.gather [hbm4b:s2+s17], $0x10, s14, s17, $0xb8;
	[tilespmem:$0x16D10] =	vst v63  }
0x191: {  	_ =	swait.ge [sflag:s7], $0x800  }
0x192: {  	[sflag:s7] =	ssyncset.done $0x0  }
0x193: {  	s14 =	sadd.s32 $0x1700, s9;
	s12 =	simm.s32 $0xEF00;
	[sflag:s7] =	ssyncadd.s32 $0xFFFFF800  }
0x194: {  	[tilespmem:s12], [sflag:$0x15] =	stream.indirect.gather [hbm4b:s2+s17], $0x10, s14, s17, $0xb8;
	[tilespmem:$0x16D10] =	vst v63  }
0x195: {  	_ =	swait.ge [sflag:s8], $0x800  }
0x196: {  	[sflag:s8] =	ssyncset.done $0x0  }
0x197: {  	s14 =	sadd.s32 $0x1780, s9;
	s12 =	simm.s32 $0xF700;
	[sflag:s8] =	ssyncadd.s32 $0xFFFFF800  }
0x198: {  	[tilespmem:s12], [sflag:$0x16] =	stream.indirect.gather [hbm4b:s2+s17], $0x10, s14, s17, $0xb8;
	[tilespmem:$0x16D10] =	vst v63  }
0x199: {  	_ =	swait.ge [sflag:s11], $0x800  }
0x19a: {  	[sflag:s11] =	ssyncset.done $0x0  }
0x19b: {  	s14 =	sadd.s32 $0x1800, s9;
	s12 =	simm.s32 $0xFF00;
	[sflag:s11] =	ssyncadd.s32 $0xFFFFF800  }
0x19c: {  	[tilespmem:s12], [sflag:$0x17] =	stream.indirect.gather [hbm4b:s2+s17], $0x10, s14, s17, $0xb8;
	[tilespmem:$0x16D10] =	vst v63  }
0x19d: {  	s12 =	simm.s32 $0x18  }
0x19e: {  	_ =	swait.ge [sflag:s12], $0x800  }
0x19f: {  	[sflag:s12] =	ssyncset.done $0x0  }
0x1a0: {  	s14 =	sadd.s32 $0x1880, s9;
	[sflag:s12] =	ssyncadd.s32 $0xFFFFF800;
	s12 =	simm.s32 $0x10700  }
0x1a1: {  	[tilespmem:s12], [sflag:$0x18] =	stream.indirect.gather [hbm4b:s2+s17], $0x10, s14, s17, $0xb8;
	[tilespmem:$0x16D10] =	vst v63  }
0x1a2: {  	_ =	swait.ge [sflag:s13], $0x800  }
0x1a3: {  	[sflag:s13] =	ssyncset.done $0x0  }
0x1a4: {  	s14 =	sadd.s32 $0x1900, s9;
	s12 =	simm.s32 $0x10F00;
	[sflag:s13] =	ssyncadd.s32 $0xFFFFF800  }
0x1a5: {  	[tilespmem:s12], [sflag:$0x19] =	stream.indirect.gather [hbm4b:s2+s17], $0x10, s14, s17, $0xb8;
	[tilespmem:$0x16D10] =	vst v63  }
.Ltmp4:
0x1a6: {  	s12 =	simm.s32 $0x1A;
	(pc) =	sbr.rel .LBB2_4-.Ltmp4, $4  }
0x1a7: {  	_ =	swait.ge [sflag:s12], $0x800  }
0x1a8: {  	s5 =	sadd.s32 $0x3400, s5;
	[sflag:s12] =	ssyncset.done $0x0  }
0x1a9: {  	s13 =	sadd.s32 $0x1980, s9;
	s14 =	simm.s32 $0x11700;
	[sflag:s12] =	ssyncadd.s32 $0xFFFFF800  }
0x1aa: {  	[tilespmem:s14], [sflag:$0x1A] =	stream.indirect.gather [hbm4b:s2+s17], $0x10, s13, s17, $0xb8;
	[tilespmem:$0x16D10] =	vst v63  }
.LBB2_7:
0x1ab: {  	_ =	sfence.sel $0x180000  }
0x1ac: {  	[bflag:$0x0] =	sbarrier.arrive $0xFFFF  }
0x1ad: {  	_ =	strace $0x9000004A  }
0x1ae: {  	s0 =	stileid.u32;
	[bflag:$0x2] =	sbarrier.arrive $0xFFFF  }
0x1af: {  	p0 =	sne.s32 s0, $0x0;
	s0 =	rddreg [dreg:$0x3]  }
0x1b0: {  	s0 =	sadd.s32 @!p0 $0x100000, s0  }
0x1b1: {  	[sflag:s0] =	ssyncadd.tile.s32 @!p0 $0x1;
	_ =	shalt  }
.Lfunc_end2:
_tile_overlayer_lowered:
.L_overlay_start_2:
0x1b2: {  	(tag) =	ssettag $0x2  }
0x1b3: {  	s0 =	rddreg [dreg:$0x0];
	s2 =	stileid.u32  }
0x1b4: {  	s1 =	rddreg [dreg:$0x1];
	p0 =	sne.s32 s2, $0x0  }
0x1b5: {  	s3 =	rddreg [dreg:$0x2];
	[bflag:$0x3] =	sbarrier.arrive $0xFFFF;
	s2 =	simm.s32 @!p0 $0x1C1B  }
0x1b6: {  	[timem:s3], [sflag:s2] =	dma.local @!p0 [hbm:s0], s1  }
0x1b7: {  	s0 =	simm.s32 @!p0 $0x1B  }
0x1b8: {  	_ =	swait.ge @!p0 [sflag:s0], s1  }
0x1b9: {  	s1 =	ssub.s32 @!p0 $0x0, s1;
	[sflag:s0] =	ssyncset.done @!p0 $0x0  }
0x1ba: {  	[sflag:s0] =	ssyncadd.s32 @!p0 s1  }
0x1bb: {  	[bflag:$0x3] =	sbarrier.arrive $0xFFFF  }
0x1bc: {  	_ =	shalt  }

// kernel: kernel.7.cloned.1.call-start
scs
__scs_entry_jumppad:
0x0: {  	(pc) =	sbr.rel $0x88, $3  }
0x1: {  	(tag) =	ssettag $0x0;
	lr =	simm.s32 $0x1  }
0x2: {  	[smem:$0x3F9D] =	sst lr;
	_ =	strace $0xD0000000  }
0x3: {  	_ = 	snop  }
0x4: {  	_ = 	snop  }
0x5: {  	_ = 	snop  }
0x6: {  	_ = 	snop  }
0x7: {  	_ = 	snop  }
__scs_overlays_trampoline_lowered:
0x8: {  	[smem:$0x3FAC] =	sst s0  }
0x9: {  	[smem:$0x3FAD] =	sst s1  }
0xa: {  	[smem:$0x3FAE] =	sst s2  }
0xb: {  	[smem:$0x3FAF] =	sst s3  }
0xc: {  	[smem:$0x3FB0] =	sst s4  }
0xd: {  	[smem:$0x3FB1] =	sst s5  }
0xe: {  	[smem:$0x3FB2] =	sst s6  }
0xf: {  	[smem:$0x3FB3] =	sst s7  }
0x10: {  	[smem:$0x3FB4] =	sst s8  }
0x11: {  	[smem:$0x3FB5] =	sst s9;
	s0 =	simm.s32 @!p0 $0x0  }
0x12: {  	s1 =	sld [smem:$0x3F9B];
	s0 =	simm.s32 @p0 $0x1  }
0x13: {  	[smem:$0x3FB6] =	sst s0;
	s0 =	simm.s32 @!p1 $0x0  }
0x14: {  	s2 =	sld [smem:$0x3F9A];
	s0 =	simm.s32 @p1 $0x1  }
0x15: {  	[smem:$0x3FB7] =	sst s0;
	s0 =	simm.s32 @!p2 $0x0  }
0x16: {  	s3 =	sld [smem:$0x3FDB];
	s0 =	simm.s32 @p2 $0x1  }
0x17: {  	s4 =	simm.s32 $0x1BF5;
	[smem:$0x3FB9] =	sst s0  }
0x18: {  	s0 =	sld [smem:$0x3F9C];
	_ =	swait.ge [sflag:s4], $0x0  }
0x19: {  	s7 =	sld [smem:$0x3F9D]  }
0x1a: {  	s8 =	sadd.s32 $0xFFFFE003, lr  }
0x1b: {  	s9 =	sadd.s32 $0xFFFFFEF7, lr;
	s5 =	simm.s32 $0xFFFFFFFF;
	p2 =	slt.u32 s8, $0xFFFFF086  }
0x1c: {  	p1 =	slt.u32 s9, $0xF7A;
	s5 =	simm.s32 @!p2 $0x0  }
0x1d: {  	s5 =	simm.s32 @p1 $0x1;
	p0 =	seq.s32 s7, s2  }
0x1e: {  	s7 =	smul.u32 @!p0 $0xF7A, s2;
	p2 =	seq.s32 @!p0 s5, $0x0  }
0x1f: {  	s9 =	smul.u32 $0xF7A, s1;
	s8 =	simm.s32 @!p0 $0x1BF5;
	p2 =	por !p2, p0  }
0x20: {  	[sflag:s8] =	ssyncset.s32 @!p0 $0xFFFFF086;
	s6 =	sadd.s32 @!p0 s3, s7;
	s7 =	simm.s32 @!p0 $0x108  }
0x21: {  	s3 =	sadd.s32 s3, s9;
	s6 =	sadd.s32 @!p0 $0x88, s6;
	s7 =	simm.s32 @p2 $0x1082  }
0x22: {  	[simem:s7], [sflag:s8] =	dma.local @!p0 [hbm:s6], $0xF7A  }
0x23: {  	s9 =	sor.u32 $0xD0000000, s2;
	s6 =	simm.s32 $0x108;
	_ =	swait.ge @!p0 [sflag:s8], $0x0  }
0x24: {  	s3 =	sadd.s32 $0x88, s3;
	s6 =	simm.s32 @!p1 $0x1082;
	[sflag:s4] =	ssyncset.s32 $0xFFFFF086  }
0x25: {  	[simem:s6], [sflag:s4] =	dma.local [hbm:s3], $0xF7A  }
0x26: {  	[smem:$0x3F9D] =	sst s1;
	(tag) =	ssettag s2;
	_ =	strace s9  }
0x27: {  	s1 =	sld [smem:$0x3FAD]  }
0x28: {  	s2 =	sld [smem:$0x3FAE]  }
0x29: {  	s4 =	sld [smem:$0x3FB0]  }
0x2a: {  	p0 =	seq.s32 s5, $0x0;
	s5 =	sld [smem:$0x3FB1]  }
0x2b: {  	s6 =	sld [smem:$0x3FB2]  }
0x2c: {  	s7 =	sld [smem:$0x3FB3]  }
0x2d: {  	s3 =	simm.s32 $0x108;
	s8 =	sld [smem:$0x3FB4]  }
0x2e: {  	s3 =	simm.s32 @!p0 $0x1082;
	s9 =	sld [smem:$0x3FB5]  }
0x2f: {  	lr =	sadd.s32 s0, s3;
	s0 =	sld [smem:$0x3FAC]  }
0x30: {  	s3 =	sld [smem:$0x3FAF]  }
0x31: {  	[smem:$0x3FB8] =	sst s10  }
0x32: {  	s10 =	sld [smem:$0x3FB6];
	_ =	sdelay $0x3  }
0x33: {  	p0 =	seq.s32 s10, $0x1;
	s10 =	sld [smem:$0x3FB8];
	_ =	sdelay $0x3  }
0x34: {  	[smem:$0x3FB8] =	sst s10  }
0x35: {  	s10 =	sld [smem:$0x3FB7];
	_ =	sdelay $0x3  }
0x36: {  	p1 =	seq.s32 s10, $0x1;
	s10 =	sld [smem:$0x3FB8];
	_ =	sdelay $0x3  }
0x37: {  	[smem:$0x3FB8] =	sst s10  }
0x38: {  	s10 =	sld [smem:$0x3FB9]  }
0x39: {  	_ = 	snop;
	(pc) =	sbr.ind lr, $3  }
0x3a: {  	_ = 	snop  }
0x3b: {  	_ = 	snop  }
0x3c: {  	p2 =	seq.s32 s10, $0x1;
	s10 =	sld [smem:$0x3FB8]  }
0x3d: {  	_ =	shalt  }
0x3e: {  	_ =	shalt  }
0x3f: {  	_ =	shalt  }
0x40: {  	_ =	shalt  }
0x41: {  	_ =	shalt  }
0x42: {  	_ =	shalt  }
0x43: {  	_ =	shalt  }
0x44: {  	_ =	shalt  }
0x45: {  	_ =	shalt  }
0x46: {  	_ =	shalt  }
0x47: {  	_ =	shalt  }
0x48: {  	_ =	shalt  }
0x49: {  	_ =	shalt  }
0x4a: {  	_ =	shalt  }
0x4b: {  	_ =	shalt  }
0x4c: {  	_ =	shalt  }
0x4d: {  	_ =	shalt  }
0x4e: {  	_ =	shalt  }
0x4f: {  	_ =	shalt  }
0x50: {  	_ =	shalt  }
0x51: {  	_ =	shalt  }
0x52: {  	_ =	shalt  }
0x53: {  	_ =	shalt  }
0x54: {  	_ =	shalt  }
0x55: {  	_ =	shalt  }
0x56: {  	_ =	shalt  }
0x57: {  	_ =	shalt  }
0x58: {  	_ =	shalt  }
0x59: {  	_ =	shalt  }
0x5a: {  	_ =	shalt  }
0x5b: {  	_ =	shalt  }
0x5c: {  	_ =	shalt  }
0x5d: {  	_ =	shalt  }
0x5e: {  	_ =	shalt  }
0x5f: {  	_ =	shalt  }
0x60: {  	_ =	shalt  }
0x61: {  	_ =	shalt  }
0x62: {  	_ =	shalt  }
0x63: {  	_ =	shalt  }
0x64: {  	_ =	shalt  }
0x65: {  	_ =	shalt  }
0x66: {  	_ =	shalt  }
0x67: {  	_ =	shalt  }
0x68: {  	_ =	shalt  }
0x69: {  	_ =	shalt  }
0x6a: {  	_ =	shalt  }
0x6b: {  	_ =	shalt  }
0x6c: {  	_ =	shalt  }
0x6d: {  	_ =	shalt  }
0x6e: {  	_ =	shalt  }
0x6f: {  	_ =	shalt  }
0x70: {  	_ =	shalt  }
0x71: {  	_ =	shalt  }
0x72: {  	_ =	shalt  }
0x73: {  	_ =	shalt  }
0x74: {  	_ =	shalt  }
0x75: {  	_ =	shalt  }
0x76: {  	_ =	shalt  }
0x77: {  	_ =	shalt  }
0x78: {  	_ =	shalt  }
0x79: {  	_ =	shalt  }
0x7a: {  	_ =	shalt  }
0x7b: {  	_ =	shalt  }
0x7c: {  	_ =	shalt  }
0x7d: {  	_ =	shalt  }
0x7e: {  	_ =	shalt  }
0x7f: {  	_ =	shalt  }
0x80: {  	_ =	shalt  }
0x81: {  	_ =	shalt  }
0x82: {  	_ =	shalt  }
0x83: {  	_ =	shalt  }
0x84: {  	_ =	shalt  }
0x85: {  	_ =	shalt  }
0x86: {  	_ =	shalt  }
0x87: {  	_ =	shalt  }
.Lfunc_end0:
.L_simem_size_0:
called_computation_lowered:
.L_overlay_start_0:
0x88: {  	s2 =	sld [smem:$0x3FD9]  }
0x89: {  	s3 =	sld [smem:$0x3FFE];
	_ =	sdelay $0x1  }
0x8a: {  	s1 =	srdreg.scid  }
0x8b: {  	s0 =	sand.u32 $0x1, s1  }
0x8c: {  	s16 =	sshll.u32 s0, $0xA;
	s2 =	sadd.s32 s3, s2  }
0x8d: {  	s2 =	sadd.s32 s2, s16  }
0x8e: {  	[smem:$0x3FC4] =	sst s2  }
0x8f: {  	_ = 	snop  }
0x90: {  	(tm) =	ssettm $0x1  }
0x91: {  	s17 =	sld [smem:$0x3FFB];
	_ =	sdelay $0x3  }
0x92: {  	_ =	strace s17  }
0x93: {  	s2 =	sld [smem:$0x3FFC];
	_ =	sdelay $0x3  }
0x94: {  	_ =	strace s2  }
0x95: {  	s2 =	sld [smem:$0x3FFD];
	_ =	sdelay $0x3  }
0x96: {  	_ =	strace s2  }
0x97: {  	_ =	strace $0x8FFFFFFF  }
0x98: {  	s18 =	sld [smem:$0x3FDB];
	_ =	sdelay $0x1  }
0x99: {  	s19 =	simm.s32 $_scs_section_size  }
0x9a: {  	s4 =	simm.s32 $_size__tile_overlayer_lowered;
	s5 =	simm.s32 $_tile_overlayer_lowered  }
0x9b: {  	s22 =	simm.s32 $0x1BFF;
	s21 =	sshll.u32 s5, $0x1;
	s2 =	sadd.s32 s19, s18  }
0x9c: {  	s6 =	simm.s32 $0x0;
	s20 =	sshll.u32 s4, $0x1;
	s4 =	sadd.s32 s21, s2  }
0x9d: {  	[timem:s6], [sflag:s22] =	dma.local [hbm:s4], s20  }
0x9e: {  	_ =	swait.ge [sflag:s22], s20  }
0x9f: {  	s3 =	ssub.s32 $0x0, s20;
	[sflag:s22] =	ssyncset.done $0x0  }
0xa0: {  	[sflag:s22] =	ssyncadd.s32 s3;
	_ =	sdelay $0x1  }
0xa1: {  	s23 =	simm.s32 $0x1B8B  }
0xa2: {  	_ =	swait.ge [sflag:s23], $0x1  }
0xa3: {  	[sflag:s23] =	ssyncset.done $0x0  }
0xa4: {  	s25 =	simm.s32 $0x1B8E;
	s24 =	sld [smem:$0x3FFE];
	[sflag:s23] =	ssyncadd.s32 $0xFFFFFFFF  }
0xa5: {  	s26 =	simm.s32 $execute0_lowered;
	[smem:$0x3FD2] =	sst s25  }
0xa6: {  	s4 =	sshll.u32 s26, $0x1;
	_ =	strace $0x80000046;
	[dreg:$0x1] =	wrdreg $0xFFFFFFFF  }
0xa7: {  	s28 =	simm.s32 $_size_execute0_lowered;
	s2 =	sadd.s32 s2, s4;
	[dreg:$0x0] =	wrdreg $0x0  }
0xa8: {  	s4 =	sshll.u32 s28, $0x1;
	[dreg:$0x2] =	wrdreg s2  }
0xa9: {  	[dreg:$0x3] =	wrdreg s4  }
0xaa: {  	[dreg:$0x4] =	wrdreg $0xC0  }
0xab: {  	_ =	task [dreg:s6], $0x5FFFF  }
0xac: {  	[dreg:$0x1] =	wrdreg $0xFFFFFFFF  }
0xad: {  	[dreg:$0x0] =	wrdreg $0x60  }
0xae: {  	[dreg:$0x2] =	wrdreg s24  }
0xaf: {  	[dreg:$0x3] =	wrdreg $0x56800  }
0xb0: {  	[dreg:$0x4] =	wrdreg $0x9  }
0xb1: {  	_ =	task.clear_ibuf [dreg:s6], $0x5FFFF;
	_ =	strace $0x90000046  }
0xb2: {  	s29 =	simm.s32 $0x9;
	_ =	strace $0x80000048  }
0xb3: {  	_ =	swait.ge [sflag:s29], $0x1  }
0xb4: {  	[sflag:s29] =	ssyncadd.s32 $0xFFFFFFFF  }
0xb5: {  	_ =	strace $0x90000048  }
0xb6: {  	_ =	sfence  }
0xb7: {  	s30 =	sld [smem:$0x0];
	_ =	sdelay $0x2  }
0xb8: {  	s31 =	sshll.u32 s1, $0xD;
	s1 =	sshrl.u32 s1, $0x2  }
0xb9: {  	s3 =	sand.u32 $0x4000, s31;
	s1 =	sadd.s32 s1, s30  }
0xba: {  	s0 =	sor.u32 s3, s0;
	s1 =	sshll.u32 s1, $0x11  }
0xbb: {  	s0 =	sor.u32 s1, s0  }
0xbc: {  	s0 =	sadd.s32 $0x8F2B, s0  }
0xbd: {  	[sflag:s0] =	ssyncadd.remote.s32 $0x1  }
0xbe: {  	_ =	sfence.sel $0xFFFF  }
0xbf: {  	[dreg:$0x0] =	wrdreg $0xFFFFFFFF;
	(pc) =	sbr.abs _section_cstart, $3  }
0xc0: {  	[dreg:$0x1] =	wrdreg $0xFFFFFFFF  }
0xc1: {  	_ =	task.clear_ibuf [dreg:s6], $0x2FFFF;
	_ =	strace $0x9FFFFFFF  }
0xc2: {  	(tm) =	ssettm $0x7FFFFFFF  }
0xc3: {  	_ =	shalt  }
tec
execute0_lowered:
.L_overlay_start_1:
0x0: {  	(tag) =	ssettag $0x1  }
0x1: {  	s4 =	rddreg [dreg:$0x0]  }
0x2: {  	s2 =	rddreg [dreg:$0x1]  }
0x3: {  	s0 =	rddreg [dreg:$0x2]  }
0x4: {  	s5 =	srdreg.scid;
	s1 =	stileid.u32;
	s3 =	simm.s32 $0x0  }
0x5: {  	s13 =	simm.s32 $0x80;
	s14 =	simm.s32 $0x2780;
	s15 =	simm.s32 $0x1  }
0x6: {  	s16 =	simm.s32 $0x0;
	s5 =	sand.u32 $0x1, s5;
	s6 =	sshll.u32 s1, $0x1  }
0x7: {  	[smem:$0x7FF] =	sst s3;
	s8 =	sadd.s32 $0x1C00, s4;
	s9 =	sadd.s32 $0x15600, s4  }
0x8: {  	s11 =	smul.u32 $0x2700, s1;
	p0 =	sgt.u32 s1, $0x1;
	p1 =	sne.s32 s1, $0xF  }
0x9: {  	s6 =	sor.u32 s5, s6;
	s26 =	ssub.s32 $0x2, s5;
	s12 =	smul.u32 $0x27400, s5  }
0xa: {  	s7 =	smul.u32 $0x2700, s6;
	s10 =	sshrl.u32 s26, $0x1;
	s6 =	sshll.u32 s6, $0x4  }
0xb: {  	_ =	strace $0x80000047;
	s10 =	ssub.s32 s26, s10;
	s28 =	sadd.s32 s6, s8  }
0xc: {  	s29 =	sadd.s32 s11, s12;
	s30 =	sshrl.u32 s12, $0x3;
	s6 =	sadd.s32 s11, s2  }
0xd: {  	s11 =	simm.s32 $0x2;
	s7 =	sshrl.u32 s7, $0x3;
	s5 =	sadd.s32 $0x13840, s28  }
0xe: {  	s31 =	sshrl.u32 s29, $0x3;
	s12 =	sadd.s32 s9, s30;
	s10 =	smax.u32 s10, $0x1  }
0xf: {  	s7 =	sadd.s32 s8, s7;
	s8 =	sadd.s32 s9, s31;
	s9 =	sadd.s32 $0x4E00, s12  }
0x10: {  	v0 =	vimm.f32 $1.000000000e+00;
	v1 =	vimm.f32 $0.0e+00;
	s12 =	simm.s32 $0x2F80;
	s4 =	sadd.s32 $0x9C40, s7;
	s7 =	sadd.s32 $0x27000, s2  }
.LBB2_1:
0x11: {  	s17 =	simm.s32 $0x0  }
.LBB2_2:
0x12: {  	p2 =	sne.s32 s17, $0x1FC0  }
.Ltmp0:
0x13: {  	_ = 	snop;
	(pc) =	sbr.rel @p2 .LBB2_2-.Ltmp0, $3  }
0x14: {  	_ =	sdelay $0x1  }
0x15: {  	s18 =	sshra.s32 s17, $0x2  }
0x16: {  	s17 =	sadd.s32 $0x40, s17;
	[tilespmem:s18+$0x2780] =	vst v0  }
0x17: {  	s17 =	simm.s32 $0x40;
	s18 =	simm.s32 $0x0  }
.LBB2_4:
0x18: {  	p2 =	sne.s32 s17, $0x9BC0;
	[tilespmem:s18+$0x2F80] =	vst v1;
	s18 =	smov.u32 s17;
	s17 =	sadd.s32 $0x40, s17  }
.Ltmp1:
0x19: {  	(pc) =	sbr.rel @p2 .LBB2_4-.Ltmp1, $2  }
0x1a: {  	_ =	sdelay $0x2  }
0x1b: {  	s18 =	sshra.s32 s18, $0x2  }
0x1c: {  	[tilespmem:s18+$0x2F80] =	vst v1  }
0x1d: {  	[tilespmem:s3], [sflag:$0x2] =	stream.linear.gather [hbm4b:s4+s3], $0x2700, $0x38;
	[tilespmem:$0x7D90] =	vst v63  }
0x1e: {  	_ =	swait.ge [sflag:s11], $0x2700  }
0x1f: {  	[sflag:s11] =	ssyncset.done $0x0  }
0x20: {  	s17 =	simm.s32 @!p0 $0x0;
	s18 =	simm.s32 @!p0 $0x2700;
	[sflag:s11] =	ssyncadd.s32 $0xFFFFD900  }
0x21: {  	[tilespmem:s18], [sflag:$0x2] =	stream.linear.gather @!p0 [hbm4b:s5+s17], $0x80, $0x38;
	[tilespmem:$0x7D90] =	vst v63  }
0x22: {  	s17 =	simm.s32 @!p0 $0x2  }
0x23: {  	_ =	swait.ge @!p0 [sflag:s17], $0x80  }
0x24: {  	[sflag:s17] =	ssyncset.done @!p0 $0x0  }
0x25: {  	[sflag:s17] =	ssyncadd.s32 @!p0 $0xFFFFFF80  }
0x26: {  	[spmem:s6] =	stream.linear.scatter [tilespmem:s12], [sflag:$0x2], $0x2700, $0x38;
	[tilespmem:$0x7D90] =	vst v63  }
0x27: {  	_ =	swait.ge [sflag:s11], $0x2700  }
0x28: {  	[sflag:s11] =	ssyncset.done $0x0  }
0x29: {  	s17 =	simm.s32 @!p1 $0x2F80;
	[sflag:s11] =	ssyncadd.s32 $0xFFFFD900  }
0x2a: {  	[spmem:s7] =	stream.linear.scatter @!p1 [tilespmem:s17], [sflag:$0x2], $0x100, $0x38;
	[tilespmem:$0x7D90] =	vst v63  }
0x2b: {  	s17 =	simm.s32 @!p1 $0x2  }
0x2c: {  	_ =	swait.ge @!p1 [sflag:s17], $0x100  }
0x2d: {  	[sflag:s17] =	ssyncset.done @!p1 $0x0  }
0x2e: {  	[sflag:s17] =	ssyncadd.s32 @!p1 $0xFFFFFF00  }
0x2f: {  	s18 =	simm.s32 $0x0;
	s17 =	simm.s32 $0x200;
	[bflag:$0x0] =	sbarrier.arrive $0xFFFF  }
.LBB2_6:
0x30: {  	[spmem:s2] =	stream.indirect.scatter.add.f32 [tilespmem:s14], [sflag:$0x1], $0x10, s18, s13, $0xb8;
	[tilespmem:$0x7D90] =	vst v63  }
0x31: {  	s18 =	smov.u32 s17;
	p2 =	sne.s32 s17, $0x9A00  }
.Ltmp2:
0x32: {  	s17 =	sadd.s32 $0x200, s17;
	(pc) =	sbr.rel @p2 .LBB2_6-.Ltmp2, $2  }
0x33: {  	_ =	sdelay $0x2  }
0x34: {  	s18 =	sshra.s32 s18, $0x2  }
0x35: {  	[spmem:s2] =	stream.indirect.scatter.add.f32 [tilespmem:s14], [sflag:$0x1], $0x10, s18, s13, $0xb8;
	[tilespmem:$0x7D90] =	vst v63  }
0x36: {  	s17 =	simm.s32 @!p0 $0x80;
	s18 =	simm.s32 @!p0 $0x2700;
	s19 =	simm.s32 @!p0 $0x2780  }
0x37: {  	[spmem:s2] =	stream.indirect.scatter.add.f32 @!p0 [tilespmem:s19], [sflag:$0x1], $0x10, s18, s17, $0xb8;
	[tilespmem:$0x7D90] =	vst v63  }
0x38: {  	_ =	swait.ge [sflag:s15], $0x800  }
0x39: {  	s17 =	simm.s32 $0x4D;
	[sflag:s15] =	ssyncset.done $0x0  }
.LBB2_8:
0x3a: {  	p2 =	sne.s32 s17, $0x1;
	s17 =	sadd.s32 $0xFFFFFFFF, s17;
	[sflag:s15] =	ssyncadd.s32 $0xFFFFF800  }
.Ltmp3:
0x3b: {  	(pc) =	sbr.rel @p2 .LBB2_8-.Ltmp3, $3  }
0x3c: {  	_ =	sdelay $0x1  }
0x3d: {  	_ =	swait.ge [sflag:s15], $0x800  }
0x3e: {  	[sflag:s15] =	ssyncset.done $0x0  }
0x3f: {  	[sflag:s15] =	ssyncadd.s32 $0xFFFFF800;
	s17 =	simm.s32 @!p0 $0x1  }
0x40: {  	_ =	swait.ge @!p0 [sflag:s17], $0x800  }
0x41: {  	[sflag:s17] =	ssyncset.done @!p0 $0x0  }
0x42: {  	s31 =	sshll.u32 s1, $0x6;
	[sflag:s17] =	ssyncadd.s32 @!p0 $0xFFFFF800  }
0x43: {  	s18 =	sshrl.u32 s6, $0x3;
	s17 =	sor.u32 $0x1C02, s31;
	[bflag:$0x0] =	sbarrier.arrive $0xFFFF  }
0x44: {  	[hbm:s8], [sflag:s17] =	dma.local [spmem:s18], $0x4E0  }
0x45: {  	_ =	swait.ge [sflag:s11], $0x4E0  }
0x46: {  	s16 =	sadd.s32 $0x1, s16;
	[sflag:s11] =	ssyncset.done $0x0  }
0x47: {  	p2 =	sne.s32 s16, s10;
	s18 =	sshrl.u32 @!p1 s7, $0x3;
	[sflag:s11] =	ssyncadd.s32 $0xFFFFFB20  }
0x48: {  	[hbm:s9], [sflag:s17] =	dma.local @!p1 [spmem:s18], $0x20  }
.Ltmp4:
0x49: {  	_ = 	snop;
	(pc) =	sbr.rel @p2 .LBB2_1-.Ltmp4, $4  }
0x4a: {  	s17 =	simm.s32 @!p1 $0x2  }
0x4b: {  	_ =	swait.ge @!p1 [sflag:s17], $0x20  }
0x4c: {  	[sflag:s17] =	ssyncset.done @!p1 $0x0  }
0x4d: {  	[sflag:s17] =	ssyncadd.s32 @!p1 $0xFFFFFFE0  }
0x4e: {  	_ =	sfence.sel $0x180000  }
0x4f: {  	[bflag:$0x0] =	sbarrier.arrive $0xFFFF  }
0x50: {  	p0 =	sne.s32 s1, $0x0;
	_ =	strace $0x90000047  }
0x51: {  	s0 =	sadd.s32 @!p0 $0x100000, s0;
	[bflag:$0x2] =	sbarrier.arrive $0xFFFF  }
0x52: {  	[sflag:s0] =	ssyncadd.tile.s32 @!p0 $0x1;
	_ =	shalt  }
.Lfunc_end2:
_tile_overlayer_lowered:
.L_overlay_start_2:
0x53: {  	(tag) =	ssettag $0x2  }
0x54: {  	s0 =	rddreg [dreg:$0x0];
	s2 =	stileid.u32  }
0x55: {  	s1 =	rddreg [dreg:$0x1];
	p0 =	sne.s32 s2, $0x0  }
0x56: {  	s3 =	rddreg [dreg:$0x2];
	[bflag:$0x3] =	sbarrier.arrive $0xFFFF;
	s2 =	simm.s32 @!p0 $0x1C02  }
0x57: {  	[timem:s3], [sflag:s2] =	dma.local @!p0 [hbm:s0], s1  }
0x58: {  	s0 =	simm.s32 @!p0 $0x2  }
0x59: {  	_ =	swait.ge @!p0 [sflag:s0], s1  }
0x5a: {  	s1 =	ssub.s32 @!p0 $0x0, s1;
	[sflag:s0] =	ssyncset.done @!p0 $0x0  }
0x5b: {  	[sflag:s0] =	ssyncadd.s32 @!p0 s1  }
0x5c: {  	[bflag:$0x3] =	sbarrier.arrive $0xFFFF  }
0x5d: {  	_ =	shalt  }

</sc_bundles>
